<compile_context>
chip_gen: v7x
topology: tpu7x:2x2x1
jax: 0.10.2.dev20260603
libtpu: 0.0.44.dev20260713+nightly
codegen_flags: <defaults>
</compile_context>

<pallas_src>
import jax
import jax.numpy as jnp
from jax import lax
from jax.experimental import pallas as pl
from jax.experimental.pallas import tpu as pltpu
from jax.experimental.pallas import tpu_sc as plsc

BATCH = 4096
SEQ = 200
EMB_DIM = 64
PROJ_DIM = 128
NBINS = 64

NC = 2
NS = 16
L = 16
NW = NC * NS
ROWS_PER_W = BATCH // NW
GROUPS = ROWS_PER_W // L


def _sc_counts_body(idsT_hbm, countsT_hbm, ids_v, counts_v, sem):
    wid = lax.axis_index("s") * NC + lax.axis_index("c")
    lane = lax.iota(jnp.int32, L)
    ones = jnp.ones((L,), jnp.float32)
    r0 = wid * ROWS_PER_W

    cp = pltpu.async_copy(idsT_hbm.at[:, pl.ds(r0, ROWS_PER_W)], ids_v, sem)
    zeros = jnp.zeros((L,), jnp.float32)
    for v in range(NBINS):
        for j in range(GROUPS):
            counts_v[v, pl.ds(j * L, L)] = zeros
    cp.wait()

    cols = [lane + k * L for k in range(GROUPS)]

    @plsc.parallel_loop(0, SEQ)
    def s_body(s):
        svec = jnp.full((L,), s, jnp.int32)
        for k in range(GROUPS):
            ids16 = plsc.load_gather(ids_v, [svec, cols[k]])
            plsc.addupdate_scatter(counts_v, [ids16, cols[k]], ones)

    pltpu.sync_copy(counts_v, countsT_hbm.at[:, pl.ds(r0, ROWS_PER_W)])


def _sc_counts(ids_t):
    mesh = plsc.VectorSubcoreMesh(core_axis_name="c", subcore_axis_name="s")
    return pl.kernel(
        _sc_counts_body,
        out_type=jax.ShapeDtypeStruct((NBINS, BATCH), jnp.float32),
        mesh=mesh,
        scratch_types=[
            pltpu.VMEM((SEQ, ROWS_PER_W), jnp.int32),
            pltpu.VMEM((NBINS, ROWS_PER_W), jnp.float32),
            pltpu.SemaphoreType.DMA,
        ],
        compiler_params=pltpu.CompilerParams(
            needs_layout_passes=False, use_tc_tiling_on_sc=True
        ),
    )(ids_t)


BB = 2048


def _tc_proj_body(countsT_ref, embT_ref, wT_ref, b_ref, idf_ref, out_ref):
    countsT = countsT_ref[...]
    idfc = idf_ref[...]
    wT = countsT * idfc
    nrm2 = jnp.sum(wT * idfc, axis=0, keepdims=True)
    denom = jnp.maximum(jnp.sqrt(nrm2), 1e-12)
    wnT = wT / denom

    sembT = jnp.dot(embT_ref[...], wnT, preferred_element_type=jnp.float32)
    outT = jnp.dot(wT_ref[...], sembT, preferred_element_type=jnp.float32)
    out_ref[...] = outT.T + b_ref[...]


def kernel(input_ids, emb_table, W, b, idf_table):
    countsT = _sc_counts(input_ids.T)
    embT = emb_table[:NBINS].T
    WT = W.T
    idfc = idf_table.reshape(NBINS, 1)
    b2d = b.reshape(1, PROJ_DIM)
    grid = (BATCH // BB,)
    return pl.pallas_call(
        _tc_proj_body,
        grid=grid,
        in_specs=[
            pl.BlockSpec((NBINS, BB), lambda i: (0, i)),
            pl.BlockSpec((EMB_DIM, NBINS), lambda i: (0, 0)),
            pl.BlockSpec((PROJ_DIM, EMB_DIM), lambda i: (0, 0)),
            pl.BlockSpec((1, PROJ_DIM), lambda i: (0, 0)),
            pl.BlockSpec((NBINS, 1), lambda i: (0, 0)),
        ],
        out_specs=pl.BlockSpec((BB, PROJ_DIM), lambda i: (i, 0)),
        out_shape=jax.ShapeDtypeStruct((BATCH, PROJ_DIM), jnp.float32),
    )(countsT, embT, WT, b2d, idfc)

# --- scband reference (transcript-rebuilt; emitter-appended) ---
"""Pipeline reference for scband-siamese-network-79834852098277 (READ-ONLY COPY).

The authoritative reference and input builder live on the scoring server;
editing this copy changes nothing except your own understanding.
"""

import jax, jax.numpy as jnp
import numpy as np

BATCH = 4096
SEQ = 200
VOCAB = 100000
EMB_DIM = 64
PROJ_DIM = 128
IDF_LEN = 64


def setup_inputs(seed: int = 0) -> dict:
    key = jax.random.key(seed)
    k1, k2, k3, k4 = jax.random.split(key, 4)
    input_ids = jax.random.randint(k1, (BATCH, SEQ), 0, IDF_LEN)
    emb_table = jax.random.normal(k2, (VOCAB, EMB_DIM), dtype=jnp.float32)
    emb_table = emb_table.at[0].set(0.0)  # padding_idx = 0
    W = jax.random.normal(k3, (EMB_DIM, PROJ_DIM), dtype=jnp.float32) * 0.05
    b = jax.random.normal(k4, (PROJ_DIM,), dtype=jnp.float32) * 0.01
    idf_table = jnp.asarray([1.0 + 0.05 * i for i in range(IDF_LEN)], dtype=jnp.float32)
    return {"input_ids": input_ids, "emb_table": emb_table, "W": W, "b": b, "idf_table": idf_table}


def reference(input_ids, emb_table, W, b, idf_table):
    # embedding lookup (gather)
    embedded = jnp.take(emb_table, input_ids, axis=0)  # [B, S, D]
    # idf dict lookup, vectorized as a table gather
    idf_weights = jnp.take(idf_table, input_ids, axis=0)  # [B, S]
    # F.normalize(p=2, dim=-1) with eps=1e-12
    norm = jnp.sqrt(jnp.sum(idf_weights * idf_weights, axis=-1, keepdims=True))
    idf_weights_norm = idf_weights / jnp.maximum(norm, 1e-12)
    idf_embedded = embedded * idf_weights_norm[..., None]
    idf_embedded_sum = jnp.sum(idf_embedded, axis=1)  # [B, D]
    output = idf_embedded_sum @ W + b  # [B, PROJ_DIM]
    return output

if __name__ == "__main__":
    import jax
    _d = setup_inputs()
    print(jax.jit(kernel)(*tuple(_d.values())))

</pallas_src>

<mosaic_0001>
#map = affine_map<(d0, d1) -> (0, 0)>
module attributes {stable_mosaic.version = 14 : i64} {
  func.func @_sc_counts_body(%arg0: i32, %arg1: i32, %arg2: memref<200x4096xi32, #tpu.memory_space<hbm>>, %arg3: memref<64x4096xf32, #tpu.memory_space<hbm>>, %arg4: memref<200x128xi32, #tpu.memory_space<vmem>>, %arg5: memref<64x128xf32, #tpu.memory_space<vmem>>, %arg6: memref<!tpu.dma_semaphore, #tpu.memory_space<semaphore_mem>>) attributes {dimension_semantics = [#tpu.dimension_semantics<core_parallel>, #tpu.dimension_semantics<subcore_parallel>], iteration_bounds = array<i64: 2, 16>, scalar_prefetch = 0 : i64, scratch_operands = 3 : i64, tpu.core_type = #tpu.core_type<sc_vector_subcore>, window_params = [{transform_indices = #map}, {transform_indices = #map}]} {
    %mul3A = arith.constant 2 : i32
    %mul3A_0 = arith.muli %arg1, %mul3A : i32
    %add3A = arith.addi %mul3A_0, %arg0 : i32
    %iota3A = tpu.iota {dimensions = array<i32: 0>} : vector<16xi32>
    %broadcast_in_dim3A = arith.constant 1.000000e+00 : f32
    %broadcast_in_dim3A_1 = vector.broadcast %broadcast_in_dim3A : f32 to vector<16xf32>
    %mul3A_2 = arith.constant 128 : i32
    %mul3A_3 = arith.muli %add3A, %mul3A_2 : i32
    %dma_start3A = arith.constant 0 : i32
    %dma_start3A_4 = tpu.memref_slice %arg2[%dma_start3A, %mul3A_3] : memref<200x4096xi32, #tpu.memory_space<hbm>> -> memref<200x128xi32, #tpu.memory_space<hbm>>
    %dma_start3A_5 = arith.constant 0 : i32
    %dma_start3A_6 = tpu.memref_slice %arg2[%dma_start3A_5, %mul3A_3] : memref<200x4096xi32, #tpu.memory_space<hbm>> -> memref<200x128xi32, #tpu.memory_space<hbm>>
    tpu.enqueue_dma source(%dma_start3A_6 : memref<200x128xi32, #tpu.memory_space<hbm>>) target(%arg4 : memref<200x128xi32, #tpu.memory_space<vmem>>) target_semaphore(%arg6 : memref<!tpu.dma_semaphore, #tpu.memory_space<semaphore_mem>>)
    %broadcast_in_dim3A_7 = arith.constant 0.000000e+00 : f32
    %broadcast_in_dim3A_8 = vector.broadcast %broadcast_in_dim3A_7 : f32 to vector<16xf32>
    %swap3A = arith.constant 0 : i32
    %swap3A_9 = arith.index_cast %swap3A : i32 to index
    %swap3A_10 = arith.constant 0 : index
    %swap3A_11 = tpu.vector_load %arg5[%swap3A_9, %swap3A_10] {strides = array<i32>} : memref<64x128xf32, #tpu.memory_space<vmem>>, vector<16xf32>,
    tpu.vector_store %arg5[%swap3A_9, %swap3A_10], %broadcast_in_dim3A_8 {strides = array<i32>} : memref<64x128xf32, #tpu.memory_space<vmem>>, vector<16xf32>,
    %swap3A_12 = arith.constant 0 : i32
    %swap3A_13 = arith.index_cast %swap3A_12 : i32 to index
    %swap3A_14 = arith.constant 16 : index
    %swap3A_15 = tpu.vector_load %arg5[%swap3A_13, %swap3A_14] {strides = array<i32>} : memref<64x128xf32, #tpu.memory_space<vmem>>, vector<16xf32>,
    tpu.vector_store %arg5[%swap3A_13, %swap3A_14], %broadcast_in_dim3A_8 {strides = array<i32>} : memref<64x128xf32, #tpu.memory_space<vmem>>, vector<16xf32>,
    %swap3A_16 = arith.constant 0 : i32
    %swap3A_17 = arith.index_cast %swap3A_16 : i32 to index
    %swap3A_18 = arith.constant 32 : index
    %swap3A_19 = tpu.vector_load %arg5[%swap3A_17, %swap3A_18] {strides = array<i32>} : memref<64x128xf32, #tpu.memory_space<vmem>>, vector<16xf32>,
    tpu.vector_store %arg5[%swap3A_17, %swap3A_18], %broadcast_in_dim3A_8 {strides = array<i32>} : memref<64x128xf32, #tpu.memory_space<vmem>>, vector<16xf32>,
    %swap3A_20 = arith.constant 0 : i32
    %swap3A_21 = arith.index_cast %swap3A_20 : i32 to index
    %swap3A_22 = arith.constant 48 : index
    %swap3A_23 = tpu.vector_load %arg5[%swap3A_21, %swap3A_22] {strides = array<i32>} : memref<64x128xf32, #tpu.memory_space<vmem>>, vector<16xf32>,
    tpu.vector_store %arg5[%swap3A_21, %swap3A_22], %broadcast_in_dim3A_8 {strides = array<i32>} : memref<64x128xf32, #tpu.memory_space<vmem>>, vector<16xf32>,
    %swap3A_24 = arith.constant 0 : i32
    %swap3A_25 = arith.index_cast %swap3A_24 : i32 to index
    %swap3A_26 = arith.constant 64 : index
    %swap3A_27 = tpu.vector_load %arg5[%swap3A_25, %swap3A_26] {strides = array<i32>} : memref<64x128xf32, #tpu.memory_space<vmem>>, vector<16xf32>,
    tpu.vector_store %arg5[%swap3A_25, %swap3A_26], %broadcast_in_dim3A_8 {strides = array<i32>} : memref<64x128xf32, #tpu.memory_space<vmem>>, vector<16xf32>,
    %swap3A_28 = arith.constant 0 : i32
    %swap3A_29 = arith.index_cast %swap3A_28 : i32 to index
    %swap3A_30 = arith.constant 80 : index
    %swap3A_31 = tpu.vector_load %arg5[%swap3A_29, %swap3A_30] {strides = array<i32>} : memref<64x128xf32, #tpu.memory_space<vmem>>, vector<16xf32>,
    tpu.vector_store %arg5[%swap3A_29, %swap3A_30], %broadcast_in_dim3A_8 {strides = array<i32>} : memref<64x128xf32, #tpu.memory_space<vmem>>, vector<16xf32>,
    %swap3A_32 = arith.constant 0 : i32
    %swap3A_33 = arith.index_cast %swap3A_32 : i32 to index
    %swap3A_34 = arith.constant 96 : index
    %swap3A_35 = tpu.vector_load %arg5[%swap3A_33, %swap3A_34] {strides = array<i32>} : memref<64x128xf32, #tpu.memory_space<vmem>>, vector<16xf32>,
    tpu.vector_store %arg5[%swap3A_33, %swap3A_34], %broadcast_in_dim3A_8 {strides = array<i32>} : memref<64x128xf32, #tpu.memory_space<vmem>>, vector<16xf32>,
    %swap3A_36 = arith.constant 0 : i32
    %swap3A_37 = arith.index_cast %swap3A_36 : i32 to index
    %swap3A_38 = arith.constant 112 : index
    %swap3A_39 = tpu.vector_load %arg5[%swap3A_37, %swap3A_38] {strides = array<i32>} : memref<64x128xf32, #tpu.memory_space<vmem>>, vector<16xf32>,
    tpu.vector_store %arg5[%swap3A_37, %swap3A_38], %broadcast_in_dim3A_8 {strides = array<i32>} : memref<64x128xf32, #tpu.memory_space<vmem>>, vector<16xf32>,
    %swap3A_40 = arith.constant 1 : i32
    %swap3A_41 = arith.index_cast %swap3A_40 : i32 to index
    %swap3A_42 = arith.constant 0 : index
    %swap3A_43 = tpu.vector_load %arg5[%swap3A_41, %swap3A_42] {strides = array<i32>} : memref<64x128xf32, #tpu.memory_space<vmem>>, vector<16xf32>,
    tpu.vector_store %arg5[%swap3A_41, %swap3A_42], %broadcast_in_dim3A_8 {strides = array<i32>} : memref<64x128xf32, #tpu.memory_space<vmem>>, vector<16xf32>,
    %swap3A_44 = arith.constant 1 : i32
    %swap3A_45 = arith.index_cast %swap3A_44 : i32 to index
    %swap3A_46 = arith.constant 16 : index
    %swap3A_47 = tpu.vector_load %arg5[%swap3A_45, %swap3A_46] {strides = array<i32>} : memref<64x128xf32, #tpu.memory_space<vmem>>, vector<16xf32>,
    tpu.vector_store %arg5[%swap3A_45, %swap3A_46], %broadcast_in_dim3A_8 {strides = array<i32>} : memref<64x128xf32, #tpu.memory_space<vmem>>, vector<16xf32>,
    %swap3A_48 = arith.constant 1 : i32
    %swap3A_49 = arith.index_cast %swap3A_48 : i32 to index
    %swap3A_50 = arith.constant 32 : index
    %swap3A_51 = tpu.vector_load %arg5[%swap3A_49, %swap3A_50] {strides = array<i32>} : memref<64x128xf32, #tpu.memory_space<vmem>>, vector<16xf32>,
    tpu.vector_store %arg5[%swap3A_49, %swap3A_50], %broadcast_in_dim3A_8 {strides = array<i32>} : memref<64x128xf32, #tpu.memory_space<vmem>>, vector<16xf32>,
    %swap3A_52 = arith.constant 1 : i32
    %swap3A_53 = arith.index_cast %swap3A_52 : i32 to index
    %swap3A_54 = arith.constant 48 : index
    %swap3A_55 = tpu.vector_load %arg5[%swap3A_53, %swap3A_54] {strides = array<i32>} : memref<64x128xf32, #tpu.memory_space<vmem>>, vector<16xf32>,
    tpu.vector_store %arg5[%swap3A_53, %swap3A_54], %broadcast_in_dim3A_8 {strides = array<i32>} : memref<64x128xf32, #tpu.memory_space<vmem>>, vector<16xf32>,
    %swap3A_56 = arith.constant 1 : i32
    %swap3A_57 = arith.index_cast %swap3A_56 : i32 to index
    %swap3A_58 = arith.constant 64 : index
    %swap3A_59 = tpu.vector_load %arg5[%swap3A_57, %swap3A_58] {strides = array<i32>} : memref<64x128xf32, #tpu.memory_space<vmem>>, vector<16xf32>,
    tpu.vector_store %arg5[%swap3A_57, %swap3A_58], %broadcast_in_dim3A_8 {strides = array<i32>} : memref<64x128xf32, #tpu.memory_space<vmem>>, vector<16xf32>,
    %swap3A_60 = arith.constant 1 : i32
    %swap3A_61 = arith.index_cast %swap3A_60 : i32 to index
    %swap3A_62 = arith.constant 80 : index
    %swap3A_63 = tpu.vector_load %arg5[%swap3A_61, %swap3A_62] {strides = array<i32>} : memref<64x128xf32, #tpu.memory_space<vmem>>, vector<16xf32>,
    tpu.vector_store %arg5[%swap3A_61, %swap3A_62], %broadcast_in_dim3A_8 {strides = array<i32>} : memref<64x128xf32, #tpu.memory_space<vmem>>, vector<16xf32>,
    %swap3A_64 = arith.constant 1 : i32
    %swap3A_65 = arith.index_cast %swap3A_64 : i32 to index
    %swap3A_66 = arith.constant 96 : index
    %swap3A_67 = tpu.vector_load %arg5[%swap3A_65, %swap3A_66] {strides = array<i32>} : memref<64x128xf32, #tpu.memory_space<vmem>>, vector<16xf32>,
    tpu.vector_store %arg5[%swap3A_65, %swap3A_66], %broadcast_in_dim3A_8 {strides = array<i32>} : memref<64x128xf32, #tpu.memory_space<vmem>>, vector<16xf32>,
    %swap3A_68 = arith.constant 1 : i32
    %swap3A_69 = arith.index_cast %swap3A_68 : i32 to index
    %swap3A_70 = arith.constant 112 : index
    %swap3A_71 = tpu.vector_load %arg5[%swap3A_69, %swap3A_70] {strides = array<i32>} : memref<64x128xf32, #tpu.memory_space<vmem>>, vector<16xf32>,
    tpu.vector_store %arg5[%swap3A_69, %swap3A_70], %broadcast_in_dim3A_8 {strides = array<i32>} : memref<64x128xf32, #tpu.memory_space<vmem>>, vector<16xf32>,
    %swap3A_72 = arith.constant 2 : i32
    %swap3A_73 = arith.index_cast %swap3A_72 : i32 to index
    %swap3A_74 = arith.constant 0 : index
    %swap3A_75 = tpu.vector_load %arg5[%swap3A_73, %swap3A_74] {strides = array<i32>} : memref<64x128xf32, #tpu.memory_space<vmem>>, vector<16xf32>,
    tpu.vector_store %arg5[%swap3A_73, %swap3A_74], %broadcast_in_dim3A_8 {strides = array<i32>} : memref<64x128xf32, #tpu.memory_space<vmem>>, vector<16xf32>,
    %swap3A_76 = arith.constant 2 : i32
    %swap3A_77 = arith.index_cast %swap3A_76 : i32 to index
    %swap3A_78 = arith.constant 16 : index
    %swap3A_79 = tpu.vector_load %arg5[%swap3A_77, %swap3A_78] {strides = array<i32>} : memref<64x128xf32, #tpu.memory_space<vmem>>, vector<16xf32>,
    tpu.vector_store %arg5[%swap3A_77, %swap3A_78], %broadcast_in_dim3A_8 {strides = array<i32>} : memref<64x128xf32, #tpu.memory_space<vmem>>, vector<16xf32>,
    %swap3A_80 = arith.constant 2 : i32
    %swap3A_81 = arith.index_cast %swap3A_80 : i32 to index
    %swap3A_82 = arith.constant 32 : index
    %swap3A_83 = tpu.vector_load %arg5[%swap3A_81, %swap3A_82] {strides = array<i32>} : memref<64x128xf32, #tpu.memory_space<vmem>>, vector<16xf32>,
    tpu.vector_store %arg5[%swap3A_81, %swap3A_82], %broadcast_in_dim3A_8 {strides = array<i32>} : memref<64x128xf32, #tpu.memory_space<vmem>>, vector<16xf32>,
    %swap3A_84 = arith.constant 2 : i32
    %swap3A_85 = arith.index_cast %swap3A_84 : i32 to index
    %swap3A_86 = arith.constant 48 : index
    %swap3A_87 = tpu.vector_load %arg5[%swap3A_85, %swap3A_86] {strides = array<i32>} : memref<64x128xf32, #tpu.memory_space<vmem>>, vector<16xf32>,
    tpu.vector_store %arg5[%swap3A_85, %swap3A_86], %broadcast_in_dim3A_8 {strides = array<i32>} : memref<64x128xf32, #tpu.memory_space<vmem>>, vector<16xf32>,
    %swap3A_88 = arith.constant 2 : i32
    %swap3A_89 = arith.index_cast %swap3A_88 : i32 to index
    %swap3A_90 = arith.constant 64 : index
    %swap3A_91 = tpu.vector_load %arg5[%swap3A_89, %swap3A_90] {strides = array<i32>} : memref<64x128xf32, #tpu.memory_space<vmem>>, vector<16xf32>,
    tpu.vector_store %arg5[%swap3A_89, %swap3A_90], %broadcast_in_dim3A_8 {strides = array<i32>} : memref<64x128xf32, #tpu.memory_space<vmem>>, vector<16xf32>,
    %swap3A_92 = arith.constant 2 : i32
    %swap3A_93 = arith.index_cast %swap3A_92 : i32 to index
    %swap3A_94 = arith.constant 80 : index
    %swap3A_95 = tpu.vector_load %arg5[%swap3A_93, %swap3A_94] {strides = array<i32>} : memref<64x128xf32, #tpu.memory_space<vmem>>, vector<16xf32>,
    tpu.vector_store %arg5[%swap3A_93, %swap3A_94], %broadcast_in_dim3A_8 {strides = array<i32>} : memref<64x128xf32, #tpu.memory_space<vmem>>, vector<16xf32>,
    %swap3A_96 = arith.constant 2 : i32
    %swap3A_97 = arith.index_cast %swap3A_96 : i32 to index
    %swap3A_98 = arith.constant 96 : index
    %swap3A_99 = tpu.vector_load %arg5[%swap3A_97, %swap3A_98] {strides = array<i32>} : memref<64x128xf32, #tpu.memory_space<vmem>>, vector<16xf32>,
    tpu.vector_store %arg5[%swap3A_97, %swap3A_98], %broadcast_in_dim3A_8 {strides = array<i32>} : memref<64x128xf32, #tpu.memory_space<vmem>>, vector<16xf32>,
    %swap3A_100 = arith.constant 2 : i32
    %swap3A_101 = arith.index_cast %swap3A_100 : i32 to index
    %swap3A_102 = arith.constant 112 : index
    %swap3A_103 = tpu.vector_load %arg5[%swap3A_101, %swap3A_102] {strides = array<i32>} : memref<64x128xf32, #tpu.memory_space<vmem>>, vector<16xf32>,
    tpu.vector_store %arg5[%swap3A_101, %swap3A_102], %broadcast_in_dim3A_8 {strides = array<i32>} : memref<64x128xf32, #tpu.memory_space<vmem>>, vector<16xf32>,
    %swap3A_104 = arith.constant 3 : i32
    %swap3A_105 = arith.index_cast %swap3A_104 : i32 to index
    %swap3A_106 = arith.constant 0 : index
    %swap3A_107 = tpu.vector_load %arg5[%swap3A_105, %swap3A_106] {strides = array<i32>} : memref<64x128xf32, #tpu.memory_space<vmem>>, vector<16xf32>,
    tpu.vector_store %arg5[%swap3A_105, %swap3A_106], %broadcast_in_dim3A_8 {strides = array<i32>} : memref<64x128xf32, #tpu.memory_space<vmem>>, vector<16xf32>,
    %swap3A_108 = arith.constant 3 : i32
    %swap3A_109 = arith.index_cast %swap3A_108 : i32 to index
    %swap3A_110 = arith.constant 16 : index
    %swap3A_111 = tpu.vector_load %arg5[%swap3A_109, %swap3A_110] {strides = array<i32>} : memref<64x128xf32, #tpu.memory_space<vmem>>, vector<16xf32>,
    tpu.vector_store %arg5[%swap3A_109, %swap3A_110], %broadcast_in_dim3A_8 {strides = array<i32>} : memref<64x128xf32, #tpu.memory_space<vmem>>, vector<16xf32>,
    %swap3A_112 = arith.constant 3 : i32
    %swap3A_113 = arith.index_cast %swap3A_112 : i32 to index
    %swap3A_114 = arith.constant 32 : index
    %swap3A_115 = tpu.vector_load %arg5[%swap3A_113, %swap3A_114] {strides = array<i32>} : memref<64x128xf32, #tpu.memory_space<vmem>>, vector<16xf32>,
    tpu.vector_store %arg5[%swap3A_113, %swap3A_114], %broadcast_in_dim3A_8 {strides = array<i32>} : memref<64x128xf32, #tpu.memory_space<vmem>>, vector<16xf32>,
    %swap3A_116 = arith.constant 3 : i32
    %swap3A_117 = arith.index_cast %swap3A_116 : i32 to index
    %swap3A_118 = arith.constant 48 : index
    %swap3A_119 = tpu.vector_load %arg5[%swap3A_117, %swap3A_118] {strides = array<i32>} : memref<64x128xf32, #tpu.memory_space<vmem>>, vector<16xf32>,
    tpu.vector_store %arg5[%swap3A_117, %swap3A_118], %broadcast_in_dim3A_8 {strides = array<i32>} : memref<64x128xf32, #tpu.memory_space<vmem>>, vector<16xf32>,
    %swap3A_120 = arith.constant 3 : i32
    %swap3A_121 = arith.index_cast %swap3A_120 : i32 to index
    %swap3A_122 = arith.constant 64 : index
    %swap3A_123 = tpu.vector_load %arg5[%swap3A_121, %swap3A_122] {strides = array<i32>} : memref<64x128xf32, #tpu.memory_space<vmem>>, vector<16xf32>,
    tpu.vector_store %arg5[%swap3A_121, %swap3A_122], %broadcast_in_dim3A_8 {strides = array<i32>} : memref<64x128xf32, #tpu.memory_space<vmem>>, vector<16xf32>,
    %swap3A_124 = arith.constant 3 : i32
    %swap3A_125 = arith.index_cast %swap3A_124 : i32 to index
    %swap3A_126 = arith.constant 80 : index
    %swap3A_127 = tpu.vector_load %arg5[%swap3A_125, %swap3A_126] {strides = array<i32>} : memref<64x128xf32, #tpu.memory_space<vmem>>, vector<16xf32>,
    tpu.vector_store %arg5[%swap3A_125, %swap3A_126], %broadcast_in_dim3A_8 {strides = array<i32>} : memref<64x128xf32, #tpu.memory_space<vmem>>, vector<16xf32>,
    %swap3A_128 = arith.constant 3 : i32
    %swap3A_129 = arith.index_cast %swap3A_128 : i32 to index
    %swap3A_130 = arith.constant 96 : index
    %swap3A_131 = tpu.vector_load %arg5[%swap3A_129, %swap3A_130] {strides = array<i32>} : memref<64x128xf32, #tpu.memory_space<vmem>>, vector<16xf32>,
    tpu.vector_store %arg5[%swap3A_129, %swap3A_130], %broadcast_in_dim3A_8 {strides = array<i32>} : memref<64x128xf32, #tpu.memory_space<vmem>>, vector<16xf32>,
    %swap3A_132 = arith.constant 3 : i32
    %swap3A_133 = arith.index_cast %swap3A_132 : i32 to index
    %swap3A_134 = arith.constant 112 : index
    %swap3A_135 = tpu.vector_load %arg5[%swap3A_133, %swap3A_134] {strides = array<i32>} : memref<64x128xf32, #tpu.memory_space<vmem>>, vector<16xf32>,
    tpu.vector_store %arg5[%swap3A_133, %swap3A_134], %broadcast_in_dim3A_8 {strides = array<i32>} : memref<64x128xf32, #tpu.memory_space<vmem>>, vector<16xf32>,
    %swap3A_136 = arith.constant 4 : i32
    %swap3A_137 = arith.index_cast %swap3A_136 : i32 to index
    %swap3A_138 = arith.constant 0 : index
    %swap3A_139 = tpu.vector_load %arg5[%swap3A_137, %swap3A_138] {strides = array<i32>} : memref<64x128xf32, #tpu.memory_space<vmem>>, vector<16xf32>,
    tpu.vector_store %arg5[%swap3A_137, %swap3A_138], %broadcast_in_dim3A_8 {strides = array<i32>} : memref<64x128xf32, #tpu.memory_space<vmem>>, vector<16xf32>,
    %swap3A_140 = arith.constant 4 : i32
    %swap3A_141 = arith.index_cast %swap3A_140 : i32 to index
    %swap3A_142 = arith.constant 16 : index
    %swap3A_143 = tpu.vector_load %arg5[%swap3A_141, %swap3A_142] {strides = array<i32>} : memref<64x128xf32, #tpu.memory_space<vmem>>, vector<16xf32>,
    tpu.vector_store %arg5[%swap3A_141, %swap3A_142], %broadcast_in_dim3A_8 {strides = array<i32>} : memref<64x128xf32, #tpu.memory_space<vmem>>, vector<16xf32>,
    %swap3A_144 = arith.constant 4 : i32
    %swap3A_145 = arith.index_cast %swap3A_144 : i32 to index
    %swap3A_146 = arith.constant 32 : index
    %swap3A_147 = tpu.vector_load %arg5[%swap3A_145, %swap3A_146] {strides = array<i32>} : memref<64x128xf32, #tpu.memory_space<vmem>>, vector<16xf32>,
    tpu.vector_store %arg5[%swap3A_145, %swap3A_146], %broadcast_in_dim3A_8 {strides = array<i32>} : memref<64x128xf32, #tpu.memory_space<vmem>>, vector<16xf32>,
    %swap3A_148 = arith.constant 4 : i32
    %swap3A_149 = arith.index_cast %swap3A_148 : i32 to index
    %swap3A_150 = arith.constant 48 : index
    %swap3A_151 = tpu.vector_load %arg5[%swap3A_149, %swap3A_150] {strides = array<i32>} : memref<64x128xf32, #tpu.memory_space<vmem>>, vector<16xf32>,
    tpu.vector_store %arg5[%swap3A_149, %swap3A_150], %broadcast_in_dim3A_8 {strides = array<i32>} : memref<64x128xf32, #tpu.memory_space<vmem>>, vector<16xf32>,
    %swap3A_152 = arith.constant 4 : i32
    %swap3A_153 = arith.index_cast %swap3A_152 : i32 to index
    %swap3A_154 = arith.constant 64 : index
    %swap3A_155 = tpu.vector_load %arg5[%swap3A_153, %swap3A_154] {strides = array<i32>} : memref<64x128xf32, #tpu.memory_space<vmem>>, vector<16xf32>,
    tpu.vector_store %arg5[%swap3A_153, %swap3A_154], %broadcast_in_dim3A_8 {strides = array<i32>} : memref<64x128xf32, #tpu.memory_space<vmem>>, vector<16xf32>,
    %swap3A_156 = arith.constant 4 : i32
    %swap3A_157 = arith.index_cast %swap3A_156 : i32 to index
    %swap3A_158 = arith.constant 80 : index
    %swap3A_159 = tpu.vector_load %arg5[%swap3A_157, %swap3A_158] {strides = array<i32>} : memref<64x128xf32, #tpu.memory_space<vmem>>, vector<16xf32>,
    tpu.vector_store %arg5[%swap3A_157, %swap3A_158], %broadcast_in_dim3A_8 {strides = array<i32>} : memref<64x128xf32, #tpu.memory_space<vmem>>, vector<16xf32>,
    %swap3A_160 = arith.constant 4 : i32
    %swap3A_161 = arith.index_cast %swap3A_160 : i32 to index
    %swap3A_162 = arith.constant 96 : index
    %swap3A_163 = tpu.vector_load %arg5[%swap3A_161, %swap3A_162] {strides = array<i32>} : memref<64x128xf32, #tpu.memory_space<vmem>>, vector<16xf32>,
    tpu.vector_store %arg5[%swap3A_161, %swap3A_162], %broadcast_in_dim3A_8 {strides = array<i32>} : memref<64x128xf32, #tpu.memory_space<vmem>>, vector<16xf32>,
    %swap3A_164 = arith.constant 4 : i32
    %swap3A_165 = arith.index_cast %swap3A_164 : i32 to index
    %swap3A_166 = arith.constant 112 : index
    %swap3A_167 = tpu.vector_load %arg5[%swap3A_165, %swap3A_166] {strides = array<i32>} : memref<64x128xf32, #tpu.memory_space<vmem>>, vector<16xf32>,
    tpu.vector_store %arg5[%swap3A_165, %swap3A_166], %broadcast_in_dim3A_8 {strides = array<i32>} : memref<64x128xf32, #tpu.memory_space<vmem>>, vector<16xf32>,
    %swap3A_168 = arith.constant 5 : i32
    %swap3A_169 = arith.index_cast %swap3A_168 : i32 to index
    %swap3A_170 = arith.constant 0 : index
    %swap3A_171 = tpu.vector_load %arg5[%swap3A_169, %swap3A_170] {strides = array<i32>} : memref<64x128xf32, #tpu.memory_space<vmem>>, vector<16xf32>,
    tpu.vector_store %arg5[%swap3A_169, %swap3A_170], %broadcast_in_dim3A_8 {strides = array<i32>} : memref<64x128xf32, #tpu.memory_space<vmem>>, vector<16xf32>,
    %swap3A_172 = arith.constant 5 : i32
    %swap3A_173 = arith.index_cast %swap3A_172 : i32 to index
    %swap3A_174 = arith.constant 16 : index
    %swap3A_175 = tpu.vector_load %arg5[%swap3A_173, %swap3A_174] {strides = array<i32>} : memref<64x128xf32, #tpu.memory_space<vmem>>, vector<16xf32>,
    tpu.vector_store %arg5[%swap3A_173, %swap3A_174], %broadcast_in_dim3A_8 {strides = array<i32>} : memref<64x128xf32, #tpu.memory_space<vmem>>, vector<16xf32>,
    %swap3A_176 = arith.constant 5 : i32
    %swap3A_177 = arith.index_cast %swap3A_176 : i32 to index
    %swap3A_178 = arith.constant 32 : index
    %swap3A_179 = tpu.vector_load %arg5[%swap3A_177, %swap3A_178] {strides = array<i32>} : memref<64x128xf32, #tpu.memory_space<vmem>>, vector<16xf32>,
    tpu.vector_store %arg5[%swap3A_177, %swap3A_178], %broadcast_in_dim3A_8 {strides = array<i32>} : memref<64x128xf32, #tpu.memory_space<vmem>>, vector<16xf32>,
    %swap3A_180 = arith.constant 5 : i32
    %swap3A_181 = arith.index_cast %swap3A_180 : i32 to index
    %swap3A_182 = arith.constant 48 : index
    %swap3A_183 = tpu.vector_load %arg5[%swap3A_181, %swap3A_182] {strides = array<i32>} : memref<64x128xf32, #tpu.memory_space<vmem>>, vector<16xf32>,
    tpu.vector_store %arg5[%swap3A_181, %swap3A_182], %broadcast_in_dim3A_8 {strides = array<i32>} : memref<64x128xf32, #tpu.memory_space<vmem>>, vector<16xf32>,
    %swap3A_184 = arith.constant 5 : i32
    %swap3A_185 = arith.index_cast %swap3A_184 : i32 to index
    %swap3A_186 = arith.constant 64 : index
    %swap3A_187 = tpu.vector_load %arg5[%swap3A_185, %swap3A_186] {strides = array<i32>} : memref<64x128xf32, #tpu.memory_space<vmem>>, vector<16xf32>,
    tpu.vector_store %arg5[%swap3A_185, %swap3A_186], %broadcast_in_dim3A_8 {strides = array<i32>} : memref<64x128xf32, #tpu.memory_space<vmem>>, vector<16xf32>,
    %swap3A_188 = arith.constant 5 : i32
    %swap3A_189 = arith.index_cast %swap3A_188 : i32 to index
    %swap3A_190 = arith.constant 80 : index
    %swap3A_191 = tpu.vector_load %arg5[%swap3A_189, %swap3A_190] {strides = array<i32>} : memref<64x128xf32, #tpu.memory_space<vmem>>, vector<16xf32>,
    tpu.vector_store %arg5[%swap3A_189, %swap3A_190], %broadcast_in_dim3A_8 {strides = array<i32>} : memref<64x128xf32, #tpu.memory_space<vmem>>, vector<16xf32>,
    %swap3A_192 = arith.constant 5 : i32
    %swap3A_193 = arith.index_cast %swap3A_192 : i32 to index
    %swap3A_194 = arith.constant 96 : index
    %swap3A_195 = tpu.vector_load %arg5[%swap3A_193, %swap3A_194] {strides = array<i32>} : memref<64x128xf32, #tpu.memory_space<vmem>>, vector<16xf32>,
    tpu.vector_store %arg5[%swap3A_193, %swap3A_194], %broadcast_in_dim3A_8 {strides = array<i32>} : memref<64x128xf32, #tpu.memory_space<vmem>>, vector<16xf32>,
    %swap3A_196 = arith.constant 5 : i32
    %swap3A_197 = arith.index_cast %swap3A_196 : i32 to index
    %swap3A_198 = arith.constant 112 : index
    %swap3A_199 = tpu.vector_load %arg5[%swap3A_197, %swap3A_198] {strides = array<i32>} : memref<64x128xf32, #tpu.memory_space<vmem>>, vector<16xf32>,
    tpu.vector_store %arg5[%swap3A_197, %swap3A_198], %broadcast_in_dim3A_8 {strides = array<i32>} : memref<64x128xf32, #tpu.memory_space<vmem>>, vector<16xf32>,
    %swap3A_200 = arith.constant 6 : i32
    %swap3A_201 = arith.index_cast %swap3A_200 : i32 to index
    %swap3A_202 = arith.constant 0 : index
    %swap3A_203 = tpu.vector_load %arg5[%swap3A_201, %swap3A_202] {strides = array<i32>} : memref<64x128xf32, #tpu.memory_space<vmem>>, vector<16xf32>,
    tpu.vector_store %arg5[%swap3A_201, %swap3A_202], %broadcast_in_dim3A_8 {strides = array<i32>} : memref<64x128xf32, #tpu.memory_space<vmem>>, vector<16xf32>,
    %swap3A_204 = arith.constant 6 : i32
    %swap3A_205 = arith.index_cast %swap3A_204 : i32 to index
    %swap3A_206 = arith.constant 16 : index
    %swap3A_207 = tpu.vector_load %arg5[%swap3A_205, %swap3A_206] {strides = array<i32>} : memref<64x128xf32, #tpu.memory_space<vmem>>, vector<16xf32>,
    tpu.vector_store %arg5[%swap3A_205, %swap3A_206], %broadcast_in_dim3A_8 {strides = array<i32>} : memref<64x128xf32, #tpu.memory_space<vmem>>, vector<16xf32>,
    %swap3A_208 = arith.constant 6 : i32
    %swap3A_209 = arith.index_cast %swap3A_208 : i32 to index
    %swap3A_210 = arith.constant 32 : index
    %swap3A_211 = tpu.vector_load %arg5[%swap3A_209, %swap3A_210] {strides = array<i32>} : memref<64x128xf32, #tpu.memory_space<vmem>>, vector<16xf32>,
    tpu.vector_store %arg5[%swap3A_209, %swap3A_210], %broadcast_in_dim3A_8 {strides = array<i32>} : memref<64x128xf32, #tpu.memory_space<vmem>>, vector<16xf32>,
    %swap3A_212 = arith.constant 6 : i32
    %swap3A_213 = arith.index_cast %swap3A_212 : i32 to index
    %swap3A_214 = arith.constant 48 : index
    %swap3A_215 = tpu.vector_load %arg5[%swap3A_213, %swap3A_214] {strides = array<i32>} : memref<64x128xf32, #tpu.memory_space<vmem>>, vector<16xf32>,
    tpu.vector_store %arg5[%swap3A_213, %swap3A_214], %broadcast_in_dim3A_8 {strides = array<i32>} : memref<64x128xf32, #tpu.memory_space<vmem>>, vector<16xf32>,
    %swap3A_216 = arith.constant 6 : i32
    %swap3A_217 = arith.index_cast %swap3A_216 : i32 to index
    %swap3A_218 = arith.constant 64 : index
    %swap3A_219 = tpu.vector_load %arg5[%swap3A_217, %swap3A_218] {strides = array<i32>} : memref<64x128xf32, #tpu.memory_space<vmem>>, vector<16xf32>,
    tpu.vector_store %arg5[%swap3A_217, %swap3A_218], %broadcast_in_dim3A_8 {strides = array<i32>} : memref<64x128xf32, #tpu.memory_space<vmem>>, vector<16xf32>,
    %swap3A_220 = arith.constant 6 : i32
    %swap3A_221 = arith.index_cast %swap3A_220 : i32 to index
    %swap3A_222 = arith.constant 80 : index
    %swap3A_223 = tpu.vector_load %arg5[%swap3A_221, %swap3A_222] {strides = array<i32>} : memref<64x128xf32, #tpu.memory_space<vmem>>, vector<16xf32>,
    tpu.vector_store %arg5[%swap3A_221, %swap3A_222], %broadcast_in_dim3A_8 {strides = array<i32>} : memref<64x128xf32, #tpu.memory_space<vmem>>, vector<16xf32>,
    %swap3A_224 = arith.constant 6 : i32
    %swap3A_225 = arith.index_cast %swap3A_224 : i32 to index
    %swap3A_226 = arith.constant 96 : index
    %swap3A_227 = tpu.vector_load %arg5[%swap3A_225, %swap3A_226] {strides = array<i32>} : memref<64x128xf32, #tpu.memory_space<vmem>>, vector<16xf32>,
    tpu.vector_store %arg5[%swap3A_225, %swap3A_226], %broadcast_in_dim3A_8 {strides = array<i32>} : memref<64x128xf32, #tpu.memory_space<vmem>>, vector<16xf32>,
    %swap3A_228 = arith.constant 6 : i32
    %swap3A_229 = arith.index_cast %swap3A_228 : i32 to index
    %swap3A_230 = arith.constant 112 : index
    %swap3A_231 = tpu.vector_load %arg5[%swap3A_229, %swap3A_230] {strides = array<i32>} : memref<64x128xf32, #tpu.memory_space<vmem>>, vector<16xf32>,
    tpu.vector_store %arg5[%swap3A_229, %swap3A_230], %broadcast_in_dim3A_8 {strides = array<i32>} : memref<64x128xf32, #tpu.memory_space<vmem>>, vector<16xf32>,
    %swap3A_232 = arith.constant 7 : i32
    %swap3A_233 = arith.index_cast %swap3A_232 : i32 to index
    %swap3A_234 = arith.constant 0 : index
    %swap3A_235 = tpu.vector_load %arg5[%swap3A_233, %swap3A_234] {strides = array<i32>} : memref<64x128xf32, #tpu.memory_space<vmem>>, vector<16xf32>,
    tpu.vector_store %arg5[%swap3A_233, %swap3A_234], %broadcast_in_dim3A_8 {strides = array<i32>} : memref<64x128xf32, #tpu.memory_space<vmem>>, vector<16xf32>,
    %swap3A_236 = arith.constant 7 : i32
    %swap3A_237 = arith.index_cast %swap3A_236 : i32 to index
    %swap3A_238 = arith.constant 16 : index
    %swap3A_239 = tpu.vector_load %arg5[%swap3A_237, %swap3A_238] {strides = array<i32>} : memref<64x128xf32, #tpu.memory_space<vmem>>, vector<16xf32>,
    tpu.vector_store %arg5[%swap3A_237, %swap3A_238], %broadcast_in_dim3A_8 {strides = array<i32>} : memref<64x128xf32, #tpu.memory_space<vmem>>, vector<16xf32>,
    %swap3A_240 = arith.constant 7 : i32
    %swap3A_241 = arith.index_cast %swap3A_240 : i32 to index
    %swap3A_242 = arith.constant 32 : index
    %swap3A_243 = tpu.vector_load %arg5[%swap3A_241, %swap3A_242] {strides = array<i32>} : memref<64x128xf32, #tpu.memory_space<vmem>>, vector<16xf32>,
    tpu.vector_store %arg5[%swap3A_241, %swap3A_242], %broadcast_in_dim3A_8 {strides = array<i32>} : memref<64x128xf32, #tpu.memory_space<vmem>>, vector<16xf32>,
    %swap3A_244 = arith.constant 7 : i32
    %swap3A_245 = arith.index_cast %swap3A_244 : i32 to index
    %swap3A_246 = arith.constant 48 : index
    %swap3A_247 = tpu.vector_load %arg5[%swap3A_245, %swap3A_246] {strides = array<i32>} : memref<64x128xf32, #tpu.memory_space<vmem>>, vector<16xf32>,
    tpu.vector_store %arg5[%swap3A_245, %swap3A_246], %broadcast_in_dim3A_8 {strides = array<i32>} : memref<64x128xf32, #tpu.memory_space<vmem>>, vector<16xf32>,
    %swap3A_248 = arith.constant 7 : i32
    %swap3A_249 = arith.index_cast %swap3A_248 : i32 to index
    %swap3A_250 = arith.constant 64 : index
    %swap3A_251 = tpu.vector_load %arg5[%swap3A_249, %swap3A_250] {strides = array<i32>} : memref<64x128xf32, #tpu.memory_space<vmem>>, vector<16xf32>,
    tpu.vector_store %arg5[%swap3A_249, %swap3A_250], %broadcast_in_dim3A_8 {strides = array<i32>} : memref<64x128xf32, #tpu.memory_space<vmem>>, vector<16xf32>,
    %swap3A_252 = arith.constant 7 : i32
    %swap3A_253 = arith.index_cast %swap3A_252 : i32 to index
    %swap3A_254 = arith.constant 80 : index
    %swap3A_255 = tpu.vector_load %arg5[%swap3A_253, %swap3A_254] {strides = array<i32>} : memref<64x128xf32, #tpu.memory_space<vmem>>, vector<16xf32>,
    tpu.vector_store %arg5[%swap3A_253, %swap3A_254], %broadcast_in_dim3A_8 {strides = array<i32>} : memref<64x128xf32, #tpu.memory_space<vmem>>, vector<16xf32>,
    %swap3A_256 = arith.constant 7 : i32
    %swap3A_257 = arith.index_cast %swap3A_256 : i32 to index
    %swap3A_258 = arith.constant 96 : index
    %swap3A_259 = tpu.vector_load %arg5[%swap3A_257, %swap3A_258] {strides = array<i32>} : memref<64x128xf32, #tpu.memory_space<vmem>>, vector<16xf32>,
    tpu.vector_store %arg5[%swap3A_257, %swap3A_258], %broadcast_in_dim3A_8 {strides = array<i32>} : memref<64x128xf32, #tpu.memory_space<vmem>>, vector<16xf32>,
    %swap3A_260 = arith.constant 7 : i32
    %swap3A_261 = arith.index_cast %swap3A_260 : i32 to index
    %swap3A_262 = arith.constant 112 : index
    %swap3A_263 = tpu.vector_load %arg5[%swap3A_261, %swap3A_262] {strides = array<i32>} : memref<64x128xf32, #tpu.memory_space<vmem>>, vector<16xf32>,
    tpu.vector_store %arg5[%swap3A_261, %swap3A_262], %broadcast_in_dim3A_8 {strides = array<i32>} : memref<64x128xf32, #tpu.memory_space<vmem>>, vector<16xf32>,
    %swap3A_264 = arith.constant 8 : i32
    %swap3A_265 = arith.index_cast %swap3A_264 : i32 to index
    %swap3A_266 = arith.constant 0 : index
    %swap3A_267 = tpu.vector_load %arg5[%swap3A_265, %swap3A_266] {strides = array<i32>} : memref<64x128xf32, #tpu.memory_space<vmem>>, vector<16xf32>,
    tpu.vector_store %arg5[%swap3A_265, %swap3A_266], %broadcast_in_dim3A_8 {strides = array<i32>} : memref<64x128xf32, #tpu.memory_space<vmem>>, vector<16xf32>,
    %swap3A_268 = arith.constant 8 : i32
    %swap3A_269 = arith.index_cast %swap3A_268 : i32 to index
    %swap3A_270 = arith.constant 16 : index
    %swap3A_271 = tpu.vector_load %arg5[%swap3A_269, %swap3A_270] {strides = array<i32>} : memref<64x128xf32, #tpu.memory_space<vmem>>, vector<16xf32>,
    tpu.vector_store %arg5[%swap3A_269, %swap3A_270], %broadcast_in_dim3A_8 {strides = array<i32>} : memref<64x128xf32, #tpu.memory_space<vmem>>, vector<16xf32>,
    %swap3A_272 = arith.constant 8 : i32
    %swap3A_273 = arith.index_cast %swap3A_272 : i32 to index
    %swap3A_274 = arith.constant 32 : index
    %swap3A_275 = tpu.vector_load %arg5[%swap3A_273, %swap3A_274] {strides = array<i32>} : memref<64x128xf32, #tpu.memory_space<vmem>>, vector<16xf32>,
    tpu.vector_store %arg5[%swap3A_273, %swap3A_274], %broadcast_in_dim3A_8 {strides = array<i32>} : memref<64x128xf32, #tpu.memory_space<vmem>>, vector<16xf32>,
    %swap3A_276 = arith.constant 8 : i32
    %swap3A_277 = arith.index_cast %swap3A_276 : i32 to index
    %swap3A_278 = arith.constant 48 : index
    %swap3A_279 = tpu.vector_load %arg5[%swap3A_277, %swap3A_278] {strides = array<i32>} : memref<64x128xf32, #tpu.memory_space<vmem>>, vector<16xf32>,
    tpu.vector_store %arg5[%swap3A_277, %swap3A_278], %broadcast_in_dim3A_8 {strides = array<i32>} : memref<64x128xf32, #tpu.memory_space<vmem>>, vector<16xf32>,
    %swap3A_280 = arith.constant 8 : i32
    %swap3A_281 = arith.index_cast %swap3A_280 : i32 to index
    %swap3A_282 = arith.constant 64 : index
    %swap3A_283 = tpu.vector_load %arg5[%swap3A_281, %swap3A_282] {strides = array<i32>} : memref<64x128xf32, #tpu.memory_space<vmem>>, vector<16xf32>,
    tpu.vector_store %arg5[%swap3A_281, %swap3A_282], %broadcast_in_dim3A_8 {strides = array<i32>} : memref<64x128xf32, #tpu.memory_space<vmem>>, vector<16xf32>,
    %swap3A_284 = arith.constant 8 : i32
    %swap3A_285 = arith.index_cast %swap3A_284 : i32 to index
    %swap3A_286 = arith.constant 80 : index
    %swap3A_287 = tpu.vector_load %arg5[%swap3A_285, %swap3A_286] {strides = array<i32>} : memref<64x128xf32, #tpu.memory_space<vmem>>, vector<16xf32>,
    tpu.vector_store %arg5[%swap3A_285, %swap3A_286], %broadcast_in_dim3A_8 {strides = array<i32>} : memref<64x128xf32, #tpu.memory_space<vmem>>, vector<16xf32>,
    %swap3A_288 = arith.constant 8 : i32
    %swap3A_289 = arith.index_cast %swap3A_288 : i32 to index
    %swap3A_290 = arith.constant 96 : index
    %swap3A_291 = tpu.vector_load %arg5[%swap3A_289, %swap3A_290] {strides = array<i32>} : memref<64x128xf32, #tpu.memory_space<vmem>>, vector<16xf32>,
    tpu.vector_store %arg5[%swap3A_289, %swap3A_290], %broadcast_in_dim3A_8 {strides = array<i32>} : memref<64x128xf32, #tpu.memory_space<vmem>>, vector<16xf32>,
    %swap3A_292 = arith.constant 8 : i32
    %swap3A_293 = arith.index_cast %swap3A_292 : i32 to index
    %swap3A_294 = arith.constant 112 : index
    %swap3A_295 = tpu.vector_load %arg5[%swap3A_293, %swap3A_294] {strides = array<i32>} : memref<64x128xf32, #tpu.memory_space<vmem>>, vector<16xf32>,
    tpu.vector_store %arg5[%swap3A_293, %swap3A_294], %broadcast_in_dim3A_8 {strides = array<i32>} : memref<64x128xf32, #tpu.memory_space<vmem>>, vector<16xf32>,
    %swap3A_296 = arith.constant 9 : i32
    %swap3A_297 = arith.index_cast %swap3A_296 : i32 to index
    %swap3A_298 = arith.constant 0 : index
    %swap3A_299 = tpu.vector_load %arg5[%swap3A_297, %swap3A_298] {strides = array<i32>} : memref<64x128xf32, #tpu.memory_space<vmem>>, vector<16xf32>,
    tpu.vector_store %arg5[%swap3A_297, %swap3A_298], %broadcast_in_dim3A_8 {strides = array<i32>} : memref<64x128xf32, #tpu.memory_space<vmem>>, vector<16xf32>,
    %swap3A_300 = arith.constant 9 : i32
    %swap3A_301 = arith.index_cast %swap3A_300 : i32 to index
    %swap3A_302 = arith.constant 16 : index
    %swap3A_303 = tpu.vector_load %arg5[%swap3A_301, %swap3A_302] {strides = array<i32>} : memref<64x128xf32, #tpu.memory_space<vmem>>, vector<16xf32>,
    tpu.vector_store %arg5[%swap3A_301, %swap3A_302], %broadcast_in_dim3A_8 {strides = array<i32>} : memref<64x128xf32, #tpu.memory_space<vmem>>, vector<16xf32>,
    %swap3A_304 = arith.constant 9 : i32
    %swap3A_305 = arith.index_cast %swap3A_304 : i32 to index
    %swap3A_306 = arith.constant 32 : index
    %swap3A_307 = tpu.vector_load %arg5[%swap3A_305, %swap3A_306] {strides = array<i32>} : memref<64x128xf32, #tpu.memory_space<vmem>>, vector<16xf32>,
    tpu.vector_store %arg5[%swap3A_305, %swap3A_306], %broadcast_in_dim3A_8 {strides = array<i32>} : memref<64x128xf32, #tpu.memory_space<vmem>>, vector<16xf32>,
    %swap3A_308 = arith.constant 9 : i32
    %swap3A_309 = arith.index_cast %swap3A_308 : i32 to index
    %swap3A_310 = arith.constant 48 : index
    %swap3A_311 = tpu.vector_load %arg5[%swap3A_309, %swap3A_310] {strides = array<i32>} : memref<64x128xf32, #tpu.memory_space<vmem>>, vector<16xf32>,
    tpu.vector_store %arg5[%swap3A_309, %swap3A_310], %broadcast_in_dim3A_8 {strides = array<i32>} : memref<64x128xf32, #tpu.memory_space<vmem>>, vector<16xf32>,
    %swap3A_312 = arith.constant 9 : i32
    %swap3A_313 = arith.index_cast %swap3A_312 : i32 to index
    %swap3A_314 = arith.constant 64 : index
    %swap3A_315 = tpu.vector_load %arg5[%swap3A_313, %swap3A_314] {strides = array<i32>} : memref<64x128xf32, #tpu.memory_space<vmem>>, vector<16xf32>,
    tpu.vector_store %arg5[%swap3A_313, %swap3A_314], %broadcast_in_dim3A_8 {strides = array<i32>} : memref<64x128xf32, #tpu.memory_space<vmem>>, vector<16xf32>,
    %swap3A_316 = arith.constant 9 : i32
    %swap3A_317 = arith.index_cast %swap3A_316 : i32 to index
    %swap3A_318 = arith.constant 80 : index
    %swap3A_319 = tpu.vector_load %arg5[%swap3A_317, %swap3A_318] {strides = array<i32>} : memref<64x128xf32, #tpu.memory_space<vmem>>, vector<16xf32>,
    tpu.vector_store %arg5[%swap3A_317, %swap3A_318], %broadcast_in_dim3A_8 {strides = array<i32>} : memref<64x128xf32, #tpu.memory_space<vmem>>, vector<16xf32>,
    %swap3A_320 = arith.constant 9 : i32
    %swap3A_321 = arith.index_cast %swap3A_320 : i32 to index
    %swap3A_322 = arith.constant 96 : index
    %swap3A_323 = tpu.vector_load %arg5[%swap3A_321, %swap3A_322] {strides = array<i32>} : memref<64x128xf32, #tpu.memory_space<vmem>>, vector<16xf32>,
    tpu.vector_store %arg5[%swap3A_321, %swap3A_322], %broadcast_in_dim3A_8 {strides = array<i32>} : memref<64x128xf32, #tpu.memory_space<vmem>>, vector<16xf32>,
    %swap3A_324 = arith.constant 9 : i32
    %swap3A_325 = arith.index_cast %swap3A_324 : i32 to index
    %swap3A_326 = arith.constant 112 : index
    %swap3A_327 = tpu.vector_load %arg5[%swap3A_325, %swap3A_326] {strides = array<i32>} : memref<64x128xf32, #tpu.memory_space<vmem>>, vector<16xf32>,
    tpu.vector_store %arg5[%swap3A_325, %swap3A_326], %broadcast_in_dim3A_8 {strides = array<i32>} : memref<64x128xf32, #tpu.memory_space<vmem>>, vector<16xf32>,
    %swap3A_328 = arith.constant 10 : i32
    %swap3A_329 = arith.index_cast %swap3A_328 : i32 to index
    %swap3A_330 = arith.constant 0 : index
    %swap3A_331 = tpu.vector_load %arg5[%swap3A_329, %swap3A_330] {strides = array<i32>} : memref<64x128xf32, #tpu.memory_space<vmem>>, vector<16xf32>,
    tpu.vector_store %arg5[%swap3A_329, %swap3A_330], %broadcast_in_dim3A_8 {strides = array<i32>} : memref<64x128xf32, #tpu.memory_space<vmem>>, vector<16xf32>,
    %swap3A_332 = arith.constant 10 : i32
    %swap3A_333 = arith.index_cast %swap3A_332 : i32 to index
    %swap3A_334 = arith.constant 16 : index
    %swap3A_335 = tpu.vector_load %arg5[%swap3A_333, %swap3A_334] {strides = array<i32>} : memref<64x128xf32, #tpu.memory_space<vmem>>, vector<16xf32>,
    tpu.vector_store %arg5[%swap3A_333, %swap3A_334], %broadcast_in_dim3A_8 {strides = array<i32>} : memref<64x128xf32, #tpu.memory_space<vmem>>, vector<16xf32>,
    %swap3A_336 = arith.constant 10 : i32
    %swap3A_337 = arith.index_cast %swap3A_336 : i32 to index
    %swap3A_338 = arith.constant 32 : index
    %swap3A_339 = tpu.vector_load %arg5[%swap3A_337, %swap3A_338] {strides = array<i32>} : memref<64x128xf32, #tpu.memory_space<vmem>>, vector<16xf32>,
    tpu.vector_store %arg5[%swap3A_337, %swap3A_338], %broadcast_in_dim3A_8 {strides = array<i32>} : memref<64x128xf32, #tpu.memory_space<vmem>>, vector<16xf32>,
    %swap3A_340 = arith.constant 10 : i32
    %swap3A_341 = arith.index_cast %swap3A_340 : i32 to index
    %swap3A_342 = arith.constant 48 : index
    %swap3A_343 = tpu.vector_load %arg5[%swap3A_341, %swap3A_342] {strides = array<i32>} : memref<64x128xf32, #tpu.memory_space<vmem>>, vector<16xf32>,
    tpu.vector_store %arg5[%swap3A_341, %swap3A_342], %broadcast_in_dim3A_8 {strides = array<i32>} : memref<64x128xf32, #tpu.memory_space<vmem>>, vector<16xf32>,
    %swap3A_344 = arith.constant 10 : i32
    %swap3A_345 = arith.index_cast %swap3A_344 : i32 to index
    %swap3A_346 = arith.constant 64 : index
    %swap3A_347 = tpu.vector_load %arg5[%swap3A_345, %swap3A_346] {strides = array<i32>} : memref<64x128xf32, #tpu.memory_space<vmem>>, vector<16xf32>,
    tpu.vector_store %arg5[%swap3A_345, %swap3A_346], %broadcast_in_dim3A_8 {strides = array<i32>} : memref<64x128xf32, #tpu.memory_space<vmem>>, vector<16xf32>,
    %swap3A_348 = arith.constant 10 : i32
    %swap3A_349 = arith.index_cast %swap3A_348 : i32 to index
    %swap3A_350 = arith.constant 80 : index
    %swap3A_351 = tpu.vector_load %arg5[%swap3A_349, %swap3A_350] {strides = array<i32>} : memref<64x128xf32, #tpu.memory_space<vmem>>, vector<16xf32>,
    tpu.vector_store %arg5[%swap3A_349, %swap3A_350], %broadcast_in_dim3A_8 {strides = array<i32>} : memref<64x128xf32, #tpu.memory_space<vmem>>, vector<16xf32>,
    %swap3A_352 = arith.constant 10 : i32
    %swap3A_353 = arith.index_cast %swap3A_352 : i32 to index
    %swap3A_354 = arith.constant 96 : index
    %swap3A_355 = tpu.vector_load %arg5[%swap3A_353, %swap3A_354] {strides = array<i32>} : memref<64x128xf32, #tpu.memory_space<vmem>>, vector<16xf32>,
    tpu.vector_store %arg5[%swap3A_353, %swap3A_354], %broadcast_in_dim3A_8 {strides = array<i32>} : memref<64x128xf32, #tpu.memory_space<vmem>>, vector<16xf32>,
    %swap3A_356 = arith.constant 10 : i32
    %swap3A_357 = arith.index_cast %swap3A_356 : i32 to index
    %swap3A_358 = arith.constant 112 : index
    %swap3A_359 = tpu.vector_load %arg5[%swap3A_357, %swap3A_358] {strides = array<i32>} : memref<64x128xf32, #tpu.memory_space<vmem>>, vector<16xf32>,
    tpu.vector_store %arg5[%swap3A_357, %swap3A_358], %broadcast_in_dim3A_8 {strides = array<i32>} : memref<64x128xf32, #tpu.memory_space<vmem>>, vector<16xf32>,
    %swap3A_360 = arith.constant 11 : i32
    %swap3A_361 = arith.index_cast %swap3A_360 : i32 to index
    %swap3A_362 = arith.constant 0 : index
    %swap3A_363 = tpu.vector_load %arg5[%swap3A_361, %swap3A_362] {strides = array<i32>} : memref<64x128xf32, #tpu.memory_space<vmem>>, vector<16xf32>,
    tpu.vector_store %arg5[%swap3A_361, %swap3A_362], %broadcast_in_dim3A_8 {strides = array<i32>} : memref<64x128xf32, #tpu.memory_space<vmem>>, vector<16xf32>,
    %swap3A_364 = arith.constant 11 : i32
    %swap3A_365 = arith.index_cast %swap3A_364 : i32 to index
    %swap3A_366 = arith.constant 16 : index
    %swap3A_367 = tpu.vector_load %arg5[%swap3A_365, %swap3A_366] {strides = array<i32>} : memref<64x128xf32, #tpu.memory_space<vmem>>, vector<16xf32>,
    tpu.vector_store %arg5[%swap3A_365, %swap3A_366], %broadcast_in_dim3A_8 {strides = array<i32>} : memref<64x128xf32, #tpu.memory_space<vmem>>, vector<16xf32>,
    %swap3A_368 = arith.constant 11 : i32
    %swap3A_369 = arith.index_cast %swap3A_368 : i32 to index
    %swap3A_370 = arith.constant 32 : index
    %swap3A_371 = tpu.vector_load %arg5[%swap3A_369, %swap3A_370] {strides = array<i32>} : memref<64x128xf32, #tpu.memory_space<vmem>>, vector<16xf32>,
    tpu.vector_store %arg5[%swap3A_369, %swap3A_370], %broadcast_in_dim3A_8 {strides = array<i32>} : memref<64x128xf32, #tpu.memory_space<vmem>>, vector<16xf32>,
    %swap3A_372 = arith.constant 11 : i32
    %swap3A_373 = arith.index_cast %swap3A_372 : i32 to index
    %swap3A_374 = arith.constant 48 : index
    %swap3A_375 = tpu.vector_load %arg5[%swap3A_373, %swap3A_374] {strides = array<i32>} : memref<64x128xf32, #tpu.memory_space<vmem>>, vector<16xf32>,
    tpu.vector_store %arg5[%swap3A_373, %swap3A_374], %broadcast_in_dim3A_8 {strides = array<i32>} : memref<64x128xf32, #tpu.memory_space<vmem>>, vector<16xf32>,
    %swap3A_376 = arith.constant 11 : i32
    %swap3A_377 = arith.index_cast %swap3A_376 : i32 to index
    %swap3A_378 = arith.constant 64 : index
    %swap3A_379 = tpu.vector_load %arg5[%swap3A_377, %swap3A_378] {strides = array<i32>} : memref<64x128xf32, #tpu.memory_space<vmem>>, vector<16xf32>,
    tpu.vector_store %arg5[%swap3A_377, %swap3A_378], %broadcast_in_dim3A_8 {strides = array<i32>} : memref<64x128xf32, #tpu.memory_space<vmem>>, vector<16xf32>,
    %swap3A_380 = arith.constant 11 : i32
    %swap3A_381 = arith.index_cast %swap3A_380 : i32 to index
    %swap3A_382 = arith.constant 80 : index
    %swap3A_383 = tpu.vector_load %arg5[%swap3A_381, %swap3A_382] {strides = array<i32>} : memref<64x128xf32, #tpu.memory_space<vmem>>, vector<16xf32>,
    tpu.vector_store %arg5[%swap3A_381, %swap3A_382], %broadcast_in_dim3A_8 {strides = array<i32>} : memref<64x128xf32, #tpu.memory_space<vmem>>, vector<16xf32>,
    %swap3A_384 = arith.constant 11 : i32
    %swap3A_385 = arith.index_cast %swap3A_384 : i32 to index
    %swap3A_386 = arith.constant 96 : index
    %swap3A_387 = tpu.vector_load %arg5[%swap3A_385, %swap3A_386] {strides = array<i32>} : memref<64x128xf32, #tpu.memory_space<vmem>>, vector<16xf32>,
    tpu.vector_store %arg5[%swap3A_385, %swap3A_386], %broadcast_in_dim3A_8 {strides = array<i32>} : memref<64x128xf32, #tpu.memory_space<vmem>>, vector<16xf32>,
    %swap3A_388 = arith.constant 11 : i32
    %swap3A_389 = arith.index_cast %swap3A_388 : i32 to index
    %swap3A_390 = arith.constant 112 : index
    %swap3A_391 = tpu.vector_load %arg5[%swap3A_389, %swap3A_390] {strides = array<i32>} : memref<64x128xf32, #tpu.memory_space<vmem>>, vector<16xf32>,
    tpu.vector_store %arg5[%swap3A_389, %swap3A_390], %broadcast_in_dim3A_8 {strides = array<i32>} : memref<64x128xf32, #tpu.memory_space<vmem>>, vector<16xf32>,
    %swap3A_392 = arith.constant 12 : i32
    %swap3A_393 = arith.index_cast %swap3A_392 : i32 to index
    %swap3A_394 = arith.constant 0 : index
    %swap3A_395 = tpu.vector_load %arg5[%swap3A_393, %swap3A_394] {strides = array<i32>} : memref<64x128xf32, #tpu.memory_space<vmem>>, vector<16xf32>,
    tpu.vector_store %arg5[%swap3A_393, %swap3A_394], %broadcast_in_dim3A_8 {strides = array<i32>} : memref<64x128xf32, #tpu.memory_space<vmem>>, vector<16xf32>,
    %swap3A_396 = arith.constant 12 : i32
    %swap3A_397 = arith.index_cast %swap3A_396 : i32 to index
    %swap3A_398 = arith.constant 16 : index
    %swap3A_399 = tpu.vector_load %arg5[%swap3A_397, %swap3A_398] {strides = array<i32>} : memref<64x128xf32, #tpu.memory_space<vmem>>, vector<16xf32>,
    tpu.vector_store %arg5[%swap3A_397, %swap3A_398], %broadcast_in_dim3A_8 {strides = array<i32>} : memref<64x128xf32, #tpu.memory_space<vmem>>, vector<16xf32>,
    %swap3A_400 = arith.constant 12 : i32
    %swap3A_401 = arith.index_cast %swap3A_400 : i32 to index
    %swap3A_402 = arith.constant 32 : index
    %swap3A_403 = tpu.vector_load %arg5[%swap3A_401, %swap3A_402] {strides = array<i32>} : memref<64x128xf32, #tpu.memory_space<vmem>>, vector<16xf32>,
    tpu.vector_store %arg5[%swap3A_401, %swap3A_402], %broadcast_in_dim3A_8 {strides = array<i32>} : memref<64x128xf32, #tpu.memory_space<vmem>>, vector<16xf32>,
    %swap3A_404 = arith.constant 12 : i32
    %swap3A_405 = arith.index_cast %swap3A_404 : i32 to index
    %swap3A_406 = arith.constant 48 : index
    %swap3A_407 = tpu.vector_load %arg5[%swap3A_405, %swap3A_406] {strides = array<i32>} : memref<64x128xf32, #tpu.memory_space<vmem>>, vector<16xf32>,
    tpu.vector_store %arg5[%swap3A_405, %swap3A_406], %broadcast_in_dim3A_8 {strides = array<i32>} : memref<64x128xf32, #tpu.memory_space<vmem>>, vector<16xf32>,
    %swap3A_408 = arith.constant 12 : i32
    %swap3A_409 = arith.index_cast %swap3A_408 : i32 to index
    %swap3A_410 = arith.constant 64 : index
    %swap3A_411 = tpu.vector_load %arg5[%swap3A_409, %swap3A_410] {strides = array<i32>} : memref<64x128xf32, #tpu.memory_space<vmem>>, vector<16xf32>,
    tpu.vector_store %arg5[%swap3A_409, %swap3A_410], %broadcast_in_dim3A_8 {strides = array<i32>} : memref<64x128xf32, #tpu.memory_space<vmem>>, vector<16xf32>,
    %swap3A_412 = arith.constant 12 : i32
    %swap3A_413 = arith.index_cast %swap3A_412 : i32 to index
    %swap3A_414 = arith.constant 80 : index
    %swap3A_415 = tpu.vector_load %arg5[%swap3A_413, %swap3A_414] {strides = array<i32>} : memref<64x128xf32, #tpu.memory_space<vmem>>, vector<16xf32>,
    tpu.vector_store %arg5[%swap3A_413, %swap3A_414], %broadcast_in_dim3A_8 {strides = array<i32>} : memref<64x128xf32, #tpu.memory_space<vmem>>, vector<16xf32>,
    %swap3A_416 = arith.constant 12 : i32
    %swap3A_417 = arith.index_cast %swap3A_416 : i32 to index
    %swap3A_418 = arith.constant 96 : index
    %swap3A_419 = tpu.vector_load %arg5[%swap3A_417, %swap3A_418] {strides = array<i32>} : memref<64x128xf32, #tpu.memory_space<vmem>>, vector<16xf32>,
    tpu.vector_store %arg5[%swap3A_417, %swap3A_418], %broadcast_in_dim3A_8 {strides = array<i32>} : memref<64x128xf32, #tpu.memory_space<vmem>>, vector<16xf32>,
    %swap3A_420 = arith.constant 12 : i32
    %swap3A_421 = arith.index_cast %swap3A_420 : i32 to index
    %swap3A_422 = arith.constant 112 : index
    %swap3A_423 = tpu.vector_load %arg5[%swap3A_421, %swap3A_422] {strides = array<i32>} : memref<64x128xf32, #tpu.memory_space<vmem>>, vector<16xf32>,
    tpu.vector_store %arg5[%swap3A_421, %swap3A_422], %broadcast_in_dim3A_8 {strides = array<i32>} : memref<64x128xf32, #tpu.memory_space<vmem>>, vector<16xf32>,
    %swap3A_424 = arith.constant 13 : i32
    %swap3A_425 = arith.index_cast %swap3A_424 : i32 to index
    %swap3A_426 = arith.constant 0 : index
    %swap3A_427 = tpu.vector_load %arg5[%swap3A_425, %swap3A_426] {strides = array<i32>} : memref<64x128xf32, #tpu.memory_space<vmem>>, vector<16xf32>,
    tpu.vector_store %arg5[%swap3A_425, %swap3A_426], %broadcast_in_dim3A_8 {strides = array<i32>} : memref<64x128xf32, #tpu.memory_space<vmem>>, vector<16xf32>,
    %swap3A_428 = arith.constant 13 : i32
    %swap3A_429 = arith.index_cast %swap3A_428 : i32 to index
    %swap3A_430 = arith.constant 16 : index
    %swap3A_431 = tpu.vector_load %arg5[%swap3A_429, %swap3A_430] {strides = array<i32>} : memref<64x128xf32, #tpu.memory_space<vmem>>, vector<16xf32>,
    tpu.vector_store %arg5[%swap3A_429, %swap3A_430], %broadcast_in_dim3A_8 {strides = array<i32>} : memref<64x128xf32, #tpu.memory_space<vmem>>, vector<16xf32>,
    %swap3A_432 = arith.constant 13 : i32
    %swap3A_433 = arith.index_cast %swap3A_432 : i32 to index
    %swap3A_434 = arith.constant 32 : index
    %swap3A_435 = tpu.vector_load %arg5[%swap3A_433, %swap3A_434] {strides = array<i32>} : memref<64x128xf32, #tpu.memory_space<vmem>>, vector<16xf32>,
    tpu.vector_store %arg5[%swap3A_433, %swap3A_434], %broadcast_in_dim3A_8 {strides = array<i32>} : memref<64x128xf32, #tpu.memory_space<vmem>>, vector<16xf32>,
    %swap3A_436 = arith.constant 13 : i32
    %swap3A_437 = arith.index_cast %swap3A_436 : i32 to index
    %swap3A_438 = arith.constant 48 : index
    %swap3A_439 = tpu.vector_load %arg5[%swap3A_437, %swap3A_438] {strides = array<i32>} : memref<64x128xf32, #tpu.memory_space<vmem>>, vector<16xf32>,
    tpu.vector_store %arg5[%swap3A_437, %swap3A_438], %broadcast_in_dim3A_8 {strides = array<i32>} : memref<64x128xf32, #tpu.memory_space<vmem>>, vector<16xf32>,
    %swap3A_440 = arith.constant 13 : i32
    %swap3A_441 = arith.index_cast %swap3A_440 : i32 to index
    %swap3A_442 = arith.constant 64 : index
    %swap3A_443 = tpu.vector_load %arg5[%swap3A_441, %swap3A_442] {strides = array<i32>} : memref<64x128xf32, #tpu.memory_space<vmem>>, vector<16xf32>,
    tpu.vector_store %arg5[%swap3A_441, %swap3A_442], %broadcast_in_dim3A_8 {strides = array<i32>} : memref<64x128xf32, #tpu.memory_space<vmem>>, vector<16xf32>,
    %swap3A_444 = arith.constant 13 : i32
    %swap3A_445 = arith.index_cast %swap3A_444 : i32 to index
    %swap3A_446 = arith.constant 80 : index
    %swap3A_447 = tpu.vector_load %arg5[%swap3A_445, %swap3A_446] {strides = array<i32>} : memref<64x128xf32, #tpu.memory_space<vmem>>, vector<16xf32>,
    tpu.vector_store %arg5[%swap3A_445, %swap3A_446], %broadcast_in_dim3A_8 {strides = array<i32>} : memref<64x128xf32, #tpu.memory_space<vmem>>, vector<16xf32>,
    %swap3A_448 = arith.constant 13 : i32
    %swap3A_449 = arith.index_cast %swap3A_448 : i32 to index
    %swap3A_450 = arith.constant 96 : index
    %swap3A_451 = tpu.vector_load %arg5[%swap3A_449, %swap3A_450] {strides = array<i32>} : memref<64x128xf32, #tpu.memory_space<vmem>>, vector<16xf32>,
    tpu.vector_store %arg5[%swap3A_449, %swap3A_450], %broadcast_in_dim3A_8 {strides = array<i32>} : memref<64x128xf32, #tpu.memory_space<vmem>>, vector<16xf32>,
    %swap3A_452 = arith.constant 13 : i32
    %swap3A_453 = arith.index_cast %swap3A_452 : i32 to index
    %swap3A_454 = arith.constant 112 : index
    %swap3A_455 = tpu.vector_load %arg5[%swap3A_453, %swap3A_454] {strides = array<i32>} : memref<64x128xf32, #tpu.memory_space<vmem>>, vector<16xf32>,
    tpu.vector_store %arg5[%swap3A_453, %swap3A_454], %broadcast_in_dim3A_8 {strides = array<i32>} : memref<64x128xf32, #tpu.memory_space<vmem>>, vector<16xf32>,
    %swap3A_456 = arith.constant 14 : i32
    %swap3A_457 = arith.index_cast %swap3A_456 : i32 to index
    %swap3A_458 = arith.constant 0 : index
    %swap3A_459 = tpu.vector_load %arg5[%swap3A_457, %swap3A_458] {strides = array<i32>} : memref<64x128xf32, #tpu.memory_space<vmem>>, vector<16xf32>,
    tpu.vector_store %arg5[%swap3A_457, %swap3A_458], %broadcast_in_dim3A_8 {strides = array<i32>} : memref<64x128xf32, #tpu.memory_space<vmem>>, vector<16xf32>,
    %swap3A_460 = arith.constant 14 : i32
    %swap3A_461 = arith.index_cast %swap3A_460 : i32 to index
    %swap3A_462 = arith.constant 16 : index
    %swap3A_463 = tpu.vector_load %arg5[%swap3A_461, %swap3A_462] {strides = array<i32>} : memref<64x128xf32, #tpu.memory_space<vmem>>, vector<16xf32>,
    tpu.vector_store %arg5[%swap3A_461, %swap3A_462], %broadcast_in_dim3A_8 {strides = array<i32>} : memref<64x128xf32, #tpu.memory_space<vmem>>, vector<16xf32>,
    %swap3A_464 = arith.constant 14 : i32
    %swap3A_465 = arith.index_cast %swap3A_464 : i32 to index
    %swap3A_466 = arith.constant 32 : index
    %swap3A_467 = tpu.vector_load %arg5[%swap3A_465, %swap3A_466] {strides = array<i32>} : memref<64x128xf32, #tpu.memory_space<vmem>>, vector<16xf32>,
    tpu.vector_store %arg5[%swap3A_465, %swap3A_466], %broadcast_in_dim3A_8 {strides = array<i32>} : memref<64x128xf32, #tpu.memory_space<vmem>>, vector<16xf32>,
    %swap3A_468 = arith.constant 14 : i32
    %swap3A_469 = arith.index_cast %swap3A_468 : i32 to index
    %swap3A_470 = arith.constant 48 : index
    %swap3A_471 = tpu.vector_load %arg5[%swap3A_469, %swap3A_470] {strides = array<i32>} : memref<64x128xf32, #tpu.memory_space<vmem>>, vector<16xf32>,
    tpu.vector_store %arg5[%swap3A_469, %swap3A_470], %broadcast_in_dim3A_8 {strides = array<i32>} : memref<64x128xf32, #tpu.memory_space<vmem>>, vector<16xf32>,
    %swap3A_472 = arith.constant 14 : i32
    %swap3A_473 = arith.index_cast %swap3A_472 : i32 to index
    %swap3A_474 = arith.constant 64 : index
    %swap3A_475 = tpu.vector_load %arg5[%swap3A_473, %swap3A_474] {strides = array<i32>} : memref<64x128xf32, #tpu.memory_space<vmem>>, vector<16xf32>,
    tpu.vector_store %arg5[%swap3A_473, %swap3A_474], %broadcast_in_dim3A_8 {strides = array<i32>} : memref<64x128xf32, #tpu.memory_space<vmem>>, vector<16xf32>,
    %swap3A_476 = arith.constant 14 : i32
    %swap3A_477 = arith.index_cast %swap3A_476 : i32 to index
    %swap3A_478 = arith.constant 80 : index
    %swap3A_479 = tpu.vector_load %arg5[%swap3A_477, %swap3A_478] {strides = array<i32>} : memref<64x128xf32, #tpu.memory_space<vmem>>, vector<16xf32>,
    tpu.vector_store %arg5[%swap3A_477, %swap3A_478], %broadcast_in_dim3A_8 {strides = array<i32>} : memref<64x128xf32, #tpu.memory_space<vmem>>, vector<16xf32>,
    %swap3A_480 = arith.constant 14 : i32
    %swap3A_481 = arith.index_cast %swap3A_480 : i32 to index
    %swap3A_482 = arith.constant 96 : index
    %swap3A_483 = tpu.vector_load %arg5[%swap3A_481, %swap3A_482] {strides = array<i32>} : memref<64x128xf32, #tpu.memory_space<vmem>>, vector<16xf32>,
    tpu.vector_store %arg5[%swap3A_481, %swap3A_482], %broadcast_in_dim3A_8 {strides = array<i32>} : memref<64x128xf32, #tpu.memory_space<vmem>>, vector<16xf32>,
    %swap3A_484 = arith.constant 14 : i32
    %swap3A_485 = arith.index_cast %swap3A_484 : i32 to index
    %swap3A_486 = arith.constant 112 : index
    %swap3A_487 = tpu.vector_load %arg5[%swap3A_485, %swap3A_486] {strides = array<i32>} : memref<64x128xf32, #tpu.memory_space<vmem>>, vector<16xf32>,
    tpu.vector_store %arg5[%swap3A_485, %swap3A_486], %broadcast_in_dim3A_8 {strides = array<i32>} : memref<64x128xf32, #tpu.memory_space<vmem>>, vector<16xf32>,
    %swap3A_488 = arith.constant 15 : i32
    %swap3A_489 = arith.index_cast %swap3A_488 : i32 to index
    %swap3A_490 = arith.constant 0 : index
    %swap3A_491 = tpu.vector_load %arg5[%swap3A_489, %swap3A_490] {strides = array<i32>} : memref<64x128xf32, #tpu.memory_space<vmem>>, vector<16xf32>,
    tpu.vector_store %arg5[%swap3A_489, %swap3A_490], %broadcast_in_dim3A_8 {strides = array<i32>} : memref<64x128xf32, #tpu.memory_space<vmem>>, vector<16xf32>,
    %swap3A_492 = arith.constant 15 : i32
    %swap3A_493 = arith.index_cast %swap3A_492 : i32 to index
    %swap3A_494 = arith.constant 16 : index
    %swap3A_495 = tpu.vector_load %arg5[%swap3A_493, %swap3A_494] {strides = array<i32>} : memref<64x128xf32, #tpu.memory_space<vmem>>, vector<16xf32>,
    tpu.vector_store %arg5[%swap3A_493, %swap3A_494], %broadcast_in_dim3A_8 {strides = array<i32>} : memref<64x128xf32, #tpu.memory_space<vmem>>, vector<16xf32>,
    %swap3A_496 = arith.constant 15 : i32
    %swap3A_497 = arith.index_cast %swap3A_496 : i32 to index
    %swap3A_498 = arith.constant 32 : index
    %swap3A_499 = tpu.vector_load %arg5[%swap3A_497, %swap3A_498] {strides = array<i32>} : memref<64x128xf32, #tpu.memory_space<vmem>>, vector<16xf32>,
    tpu.vector_store %arg5[%swap3A_497, %swap3A_498], %broadcast_in_dim3A_8 {strides = array<i32>} : memref<64x128xf32, #tpu.memory_space<vmem>>, vector<16xf32>,
    %swap3A_500 = arith.constant 15 : i32
    %swap3A_501 = arith.index_cast %swap3A_500 : i32 to index
    %swap3A_502 = arith.constant 48 : index
    %swap3A_503 = tpu.vector_load %arg5[%swap3A_501, %swap3A_502] {strides = array<i32>} : memref<64x128xf32, #tpu.memory_space<vmem>>, vector<16xf32>,
    tpu.vector_store %arg5[%swap3A_501, %swap3A_502], %broadcast_in_dim3A_8 {strides = array<i32>} : memref<64x128xf32, #tpu.memory_space<vmem>>, vector<16xf32>,
    %swap3A_504 = arith.constant 15 : i32
    %swap3A_505 = arith.index_cast %swap3A_504 : i32 to index
    %swap3A_506 = arith.constant 64 : index
    %swap3A_507 = tpu.vector_load %arg5[%swap3A_505, %swap3A_506] {strides = array<i32>} : memref<64x128xf32, #tpu.memory_space<vmem>>, vector<16xf32>,
    tpu.vector_store %arg5[%swap3A_505, %swap3A_506], %broadcast_in_dim3A_8 {strides = array<i32>} : memref<64x128xf32, #tpu.memory_space<vmem>>, vector<16xf32>,
    %swap3A_508 = arith.constant 15 : i32
    %swap3A_509 = arith.index_cast %swap3A_508 : i32 to index
    %swap3A_510 = arith.constant 80 : index
    %swap3A_511 = tpu.vector_load %arg5[%swap3A_509, %swap3A_510] {strides = array<i32>} : memref<64x128xf32, #tpu.memory_space<vmem>>, vector<16xf32>,
    tpu.vector_store %arg5[%swap3A_509, %swap3A_510], %broadcast_in_dim3A_8 {strides = array<i32>} : memref<64x128xf32, #tpu.memory_space<vmem>>, vector<16xf32>,
    %swap3A_512 = arith.constant 15 : i32
    %swap3A_513 = arith.index_cast %swap3A_512 : i32 to index
    %swap3A_514 = arith.constant 96 : index
    %swap3A_515 = tpu.vector_load %arg5[%swap3A_513, %swap3A_514] {strides = array<i32>} : memref<64x128xf32, #tpu.memory_space<vmem>>, vector<16xf32>,
    tpu.vector_store %arg5[%swap3A_513, %swap3A_514], %broadcast_in_dim3A_8 {strides = array<i32>} : memref<64x128xf32, #tpu.memory_space<vmem>>, vector<16xf32>,
    %swap3A_516 = arith.constant 15 : i32
    %swap3A_517 = arith.index_cast %swap3A_516 : i32 to index
    %swap3A_518 = arith.constant 112 : index
    %swap3A_519 = tpu.vector_load %arg5[%swap3A_517, %swap3A_518] {strides = array<i32>} : memref<64x128xf32, #tpu.memory_space<vmem>>, vector<16xf32>,
    tpu.vector_store %arg5[%swap3A_517, %swap3A_518], %broadcast_in_dim3A_8 {strides = array<i32>} : memref<64x128xf32, #tpu.memory_space<vmem>>, vector<16xf32>,
    %swap3A_520 = arith.constant 16 : i32
    %swap3A_521 = arith.index_cast %swap3A_520 : i32 to index
    %swap3A_522 = arith.constant 0 : index
    %swap3A_523 = tpu.vector_load %arg5[%swap3A_521, %swap3A_522] {strides = array<i32>} : memref<64x128xf32, #tpu.memory_space<vmem>>, vector<16xf32>,
    tpu.vector_store %arg5[%swap3A_521, %swap3A_522], %broadcast_in_dim3A_8 {strides = array<i32>} : memref<64x128xf32, #tpu.memory_space<vmem>>, vector<16xf32>,
    %swap3A_524 = arith.constant 16 : i32
    %swap3A_525 = arith.index_cast %swap3A_524 : i32 to index
    %swap3A_526 = arith.constant 16 : index
    %swap3A_527 = tpu.vector_load %arg5[%swap3A_525, %swap3A_526] {strides = array<i32>} : memref<64x128xf32, #tpu.memory_space<vmem>>, vector<16xf32>,
    tpu.vector_store %arg5[%swap3A_525, %swap3A_526], %broadcast_in_dim3A_8 {strides = array<i32>} : memref<64x128xf32, #tpu.memory_space<vmem>>, vector<16xf32>,
    %swap3A_528 = arith.constant 16 : i32
    %swap3A_529 = arith.index_cast %swap3A_528 : i32 to index
    %swap3A_530 = arith.constant 32 : index
    %swap3A_531 = tpu.vector_load %arg5[%swap3A_529, %swap3A_530] {strides = array<i32>} : memref<64x128xf32, #tpu.memory_space<vmem>>, vector<16xf32>,
    tpu.vector_store %arg5[%swap3A_529, %swap3A_530], %broadcast_in_dim3A_8 {strides = array<i32>} : memref<64x128xf32, #tpu.memory_space<vmem>>, vector<16xf32>,
    %swap3A_532 = arith.constant 16 : i32
    %swap3A_533 = arith.index_cast %swap3A_532 : i32 to index
    %swap3A_534 = arith.constant 48 : index
    %swap3A_535 = tpu.vector_load %arg5[%swap3A_533, %swap3A_534] {strides = array<i32>} : memref<64x128xf32, #tpu.memory_space<vmem>>, vector<16xf32>,
    tpu.vector_store %arg5[%swap3A_533, %swap3A_534], %broadcast_in_dim3A_8 {strides = array<i32>} : memref<64x128xf32, #tpu.memory_space<vmem>>, vector<16xf32>,
    %swap3A_536 = arith.constant 16 : i32
    %swap3A_537 = arith.index_cast %swap3A_536 : i32 to index
    %swap3A_538 = arith.constant 64 : index
    %swap3A_539 = tpu.vector_load %arg5[%swap3A_537, %swap3A_538] {strides = array<i32>} : memref<64x128xf32, #tpu.memory_space<vmem>>, vector<16xf32>,
    tpu.vector_store %arg5[%swap3A_537, %swap3A_538], %broadcast_in_dim3A_8 {strides = array<i32>} : memref<64x128xf32, #tpu.memory_space<vmem>>, vector<16xf32>,
    %swap3A_540 = arith.constant 16 : i32
    %swap3A_541 = arith.index_cast %swap3A_540 : i32 to index
    %swap3A_542 = arith.constant 80 : index
    %swap3A_543 = tpu.vector_load %arg5[%swap3A_541, %swap3A_542] {strides = array<i32>} : memref<64x128xf32, #tpu.memory_space<vmem>>, vector<16xf32>,
    tpu.vector_store %arg5[%swap3A_541, %swap3A_542], %broadcast_in_dim3A_8 {strides = array<i32>} : memref<64x128xf32, #tpu.memory_space<vmem>>, vector<16xf32>,
    %swap3A_544 = arith.constant 16 : i32
    %swap3A_545 = arith.index_cast %swap3A_544 : i32 to index
    %swap3A_546 = arith.constant 96 : index
    %swap3A_547 = tpu.vector_load %arg5[%swap3A_545, %swap3A_546] {strides = array<i32>} : memref<64x128xf32, #tpu.memory_space<vmem>>, vector<16xf32>,
    tpu.vector_store %arg5[%swap3A_545, %swap3A_546], %broadcast_in_dim3A_8 {strides = array<i32>} : memref<64x128xf32, #tpu.memory_space<vmem>>, vector<16xf32>,
    %swap3A_548 = arith.constant 16 : i32
    %swap3A_549 = arith.index_cast %swap3A_548 : i32 to index
    %swap3A_550 = arith.constant 112 : index
    %swap3A_551 = tpu.vector_load %arg5[%swap3A_549, %swap3A_550] {strides = array<i32>} : memref<64x128xf32, #tpu.memory_space<vmem>>, vector<16xf32>,
    tpu.vector_store %arg5[%swap3A_549, %swap3A_550], %broadcast_in_dim3A_8 {strides = array<i32>} : memref<64x128xf32, #tpu.memory_space<vmem>>, vector<16xf32>,
    %swap3A_552 = arith.constant 17 : i32
    %swap3A_553 = arith.index_cast %swap3A_552 : i32 to index
    %swap3A_554 = arith.constant 0 : index
    %swap3A_555 = tpu.vector_load %arg5[%swap3A_553, %swap3A_554] {strides = array<i32>} : memref<64x128xf32, #tpu.memory_space<vmem>>, vector<16xf32>,
    tpu.vector_store %arg5[%swap3A_553, %swap3A_554], %broadcast_in_dim3A_8 {strides = array<i32>} : memref<64x128xf32, #tpu.memory_space<vmem>>, vector<16xf32>,
    %swap3A_556 = arith.constant 17 : i32
    %swap3A_557 = arith.index_cast %swap3A_556 : i32 to index
    %swap3A_558 = arith.constant 16 : index
    %swap3A_559 = tpu.vector_load %arg5[%swap3A_557, %swap3A_558] {strides = array<i32>} : memref<64x128xf32, #tpu.memory_space<vmem>>, vector<16xf32>,
    tpu.vector_store %arg5[%swap3A_557, %swap3A_558], %broadcast_in_dim3A_8 {strides = array<i32>} : memref<64x128xf32, #tpu.memory_space<vmem>>, vector<16xf32>,
    %swap3A_560 = arith.constant 17 : i32
    %swap3A_561 = arith.index_cast %swap3A_560 : i32 to index
    %swap3A_562 = arith.constant 32 : index
    %swap3A_563 = tpu.vector_load %arg5[%swap3A_561, %swap3A_562] {strides = array<i32>} : memref<64x128xf32, #tpu.memory_space<vmem>>, vector<16xf32>,
    tpu.vector_store %arg5[%swap3A_561, %swap3A_562], %broadcast_in_dim3A_8 {strides = array<i32>} : memref<64x128xf32, #tpu.memory_space<vmem>>, vector<16xf32>,
    %swap3A_564 = arith.constant 17 : i32
    %swap3A_565 = arith.index_cast %swap3A_564 : i32 to index
    %swap3A_566 = arith.constant 48 : index
    %swap3A_567 = tpu.vector_load %arg5[%swap3A_565, %swap3A_566] {strides = array<i32>} : memref<64x128xf32, #tpu.memory_space<vmem>>, vector<16xf32>,
    tpu.vector_store %arg5[%swap3A_565, %swap3A_566], %broadcast_in_dim3A_8 {strides = array<i32>} : memref<64x128xf32, #tpu.memory_space<vmem>>, vector<16xf32>,
    %swap3A_568 = arith.constant 17 : i32
    %swap3A_569 = arith.index_cast %swap3A_568 : i32 to index
    %swap3A_570 = arith.constant 64 : index
    %swap3A_571 = tpu.vector_load %arg5[%swap3A_569, %swap3A_570] {strides = array<i32>} : memref<64x128xf32, #tpu.memory_space<vmem>>, vector<16xf32>,
    tpu.vector_store %arg5[%swap3A_569, %swap3A_570], %broadcast_in_dim3A_8 {strides = array<i32>} : memref<64x128xf32, #tpu.memory_space<vmem>>, vector<16xf32>,
    %swap3A_572 = arith.constant 17 : i32
    %swap3A_573 = arith.index_cast %swap3A_572 : i32 to index
    %swap3A_574 = arith.constant 80 : index
    %swap3A_575 = tpu.vector_load %arg5[%swap3A_573, %swap3A_574] {strides = array<i32>} : memref<64x128xf32, #tpu.memory_space<vmem>>, vector<16xf32>,
    tpu.vector_store %arg5[%swap3A_573, %swap3A_574], %broadcast_in_dim3A_8 {strides = array<i32>} : memref<64x128xf32, #tpu.memory_space<vmem>>, vector<16xf32>,
    %swap3A_576 = arith.constant 17 : i32
    %swap3A_577 = arith.index_cast %swap3A_576 : i32 to index
    %swap3A_578 = arith.constant 96 : index
    %swap3A_579 = tpu.vector_load %arg5[%swap3A_577, %swap3A_578] {strides = array<i32>} : memref<64x128xf32, #tpu.memory_space<vmem>>, vector<16xf32>,
    tpu.vector_store %arg5[%swap3A_577, %swap3A_578], %broadcast_in_dim3A_8 {strides = array<i32>} : memref<64x128xf32, #tpu.memory_space<vmem>>, vector<16xf32>,
    %swap3A_580 = arith.constant 17 : i32
    %swap3A_581 = arith.index_cast %swap3A_580 : i32 to index
    %swap3A_582 = arith.constant 112 : index
    %swap3A_583 = tpu.vector_load %arg5[%swap3A_581, %swap3A_582] {strides = array<i32>} : memref<64x128xf32, #tpu.memory_space<vmem>>, vector<16xf32>,
    tpu.vector_store %arg5[%swap3A_581, %swap3A_582], %broadcast_in_dim3A_8 {strides = array<i32>} : memref<64x128xf32, #tpu.memory_space<vmem>>, vector<16xf32>,
    %swap3A_584 = arith.constant 18 : i32
    %swap3A_585 = arith.index_cast %swap3A_584 : i32 to index
    %swap3A_586 = arith.constant 0 : index
    %swap3A_587 = tpu.vector_load %arg5[%swap3A_585, %swap3A_586] {strides = array<i32>} : memref<64x128xf32, #tpu.memory_space<vmem>>, vector<16xf32>,
    tpu.vector_store %arg5[%swap3A_585, %swap3A_586], %broadcast_in_dim3A_8 {strides = array<i32>} : memref<64x128xf32, #tpu.memory_space<vmem>>, vector<16xf32>,
    %swap3A_588 = arith.constant 18 : i32
    %swap3A_589 = arith.index_cast %swap3A_588 : i32 to index
    %swap3A_590 = arith.constant 16 : index
    %swap3A_591 = tpu.vector_load %arg5[%swap3A_589, %swap3A_590] {strides = array<i32>} : memref<64x128xf32, #tpu.memory_space<vmem>>, vector<16xf32>,
    tpu.vector_store %arg5[%swap3A_589, %swap3A_590], %broadcast_in_dim3A_8 {strides = array<i32>} : memref<64x128xf32, #tpu.memory_space<vmem>>, vector<16xf32>,
    %swap3A_592 = arith.constant 18 : i32
    %swap3A_593 = arith.index_cast %swap3A_592 : i32 to index
    %swap3A_594 = arith.constant 32 : index
    %swap3A_595 = tpu.vector_load %arg5[%swap3A_593, %swap3A_594] {strides = array<i32>} : memref<64x128xf32, #tpu.memory_space<vmem>>, vector<16xf32>,
    tpu.vector_store %arg5[%swap3A_593, %swap3A_594], %broadcast_in_dim3A_8 {strides = array<i32>} : memref<64x128xf32, #tpu.memory_space<vmem>>, vector<16xf32>,
    %swap3A_596 = arith.constant 18 : i32
    %swap3A_597 = arith.index_cast %swap3A_596 : i32 to index
    %swap3A_598 = arith.constant 48 : index
    %swap3A_599 = tpu.vector_load %arg5[%swap3A_597, %swap3A_598] {strides = array<i32>} : memref<64x128xf32, #tpu.memory_space<vmem>>, vector<16xf32>,
    tpu.vector_store %arg5[%swap3A_597, %swap3A_598], %broadcast_in_dim3A_8 {strides = array<i32>} : memref<64x128xf32, #tpu.memory_space<vmem>>, vector<16xf32>,
    %swap3A_600 = arith.constant 18 : i32
    %swap3A_601 = arith.index_cast %swap3A_600 : i32 to index
    %swap3A_602 = arith.constant 64 : index
    %swap3A_603 = tpu.vector_load %arg5[%swap3A_601, %swap3A_602] {strides = array<i32>} : memref<64x128xf32, #tpu.memory_space<vmem>>, vector<16xf32>,
    tpu.vector_store %arg5[%swap3A_601, %swap3A_602], %broadcast_in_dim3A_8 {strides = array<i32>} : memref<64x128xf32, #tpu.memory_space<vmem>>, vector<16xf32>,
    %swap3A_604 = arith.constant 18 : i32
    %swap3A_605 = arith.index_cast %swap3A_604 : i32 to index
    %swap3A_606 = arith.constant 80 : index
    %swap3A_607 = tpu.vector_load %arg5[%swap3A_605, %swap3A_606] {strides = array<i32>} : memref<64x128xf32, #tpu.memory_space<vmem>>, vector<16xf32>,
    tpu.vector_store %arg5[%swap3A_605, %swap3A_606], %broadcast_in_dim3A_8 {strides = array<i32>} : memref<64x128xf32, #tpu.memory_space<vmem>>, vector<16xf32>,
    %swap3A_608 = arith.constant 18 : i32
    %swap3A_609 = arith.index_cast %swap3A_608 : i32 to index
    %swap3A_610 = arith.constant 96 : index
    %swap3A_611 = tpu.vector_load %arg5[%swap3A_609, %swap3A_610] {strides = array<i32>} : memref<64x128xf32, #tpu.memory_space<vmem>>, vector<16xf32>,
    tpu.vector_store %arg5[%swap3A_609, %swap3A_610], %broadcast_in_dim3A_8 {strides = array<i32>} : memref<64x128xf32, #tpu.memory_space<vmem>>, vector<16xf32>,
    %swap3A_612 = arith.constant 18 : i32
    %swap3A_613 = arith.index_cast %swap3A_612 : i32 to index
    %swap3A_614 = arith.constant 112 : index
    %swap3A_615 = tpu.vector_load %arg5[%swap3A_613, %swap3A_614] {strides = array<i32>} : memref<64x128xf32, #tpu.memory_space<vmem>>, vector<16xf32>,
    tpu.vector_store %arg5[%swap3A_613, %swap3A_614], %broadcast_in_dim3A_8 {strides = array<i32>} : memref<64x128xf32, #tpu.memory_space<vmem>>, vector<16xf32>,
    %swap3A_616 = arith.constant 19 : i32
    %swap3A_617 = arith.index_cast %swap3A_616 : i32 to index
    %swap3A_618 = arith.constant 0 : index
    %swap3A_619 = tpu.vector_load %arg5[%swap3A_617, %swap3A_618] {strides = array<i32>} : memref<64x128xf32, #tpu.memory_space<vmem>>, vector<16xf32>,
    tpu.vector_store %arg5[%swap3A_617, %swap3A_618], %broadcast_in_dim3A_8 {strides = array<i32>} : memref<64x128xf32, #tpu.memory_space<vmem>>, vector<16xf32>,
    %swap3A_620 = arith.constant 19 : i32
    %swap3A_621 = arith.index_cast %swap3A_620 : i32 to index
    %swap3A_622 = arith.constant 16 : index
    %swap3A_623 = tpu.vector_load %arg5[%swap3A_621, %swap3A_622] {strides = array<i32>} : memref<64x128xf32, #tpu.memory_space<vmem>>, vector<16xf32>,
    tpu.vector_store %arg5[%swap3A_621, %swap3A_622], %broadcast_in_dim3A_8 {strides = array<i32>} : memref<64x128xf32, #tpu.memory_space<vmem>>, vector<16xf32>,
    %swap3A_624 = arith.constant 19 : i32
    %swap3A_625 = arith.index_cast %swap3A_624 : i32 to index
    %swap3A_626 = arith.constant 32 : index
    %swap3A_627 = tpu.vector_load %arg5[%swap3A_625, %swap3A_626] {strides = array<i32>} : memref<64x128xf32, #tpu.memory_space<vmem>>, vector<16xf32>,
    tpu.vector_store %arg5[%swap3A_625, %swap3A_626], %broadcast_in_dim3A_8 {strides = array<i32>} : memref<64x128xf32, #tpu.memory_space<vmem>>, vector<16xf32>,
    %swap3A_628 = arith.constant 19 : i32
    %swap3A_629 = arith.index_cast %swap3A_628 : i32 to index
    %swap3A_630 = arith.constant 48 : index
    %swap3A_631 = tpu.vector_load %arg5[%swap3A_629, %swap3A_630] {strides = array<i32>} : memref<64x128xf32, #tpu.memory_space<vmem>>, vector<16xf32>,
    tpu.vector_store %arg5[%swap3A_629, %swap3A_630], %broadcast_in_dim3A_8 {strides = array<i32>} : memref<64x128xf32, #tpu.memory_space<vmem>>, vector<16xf32>,
    %swap3A_632 = arith.constant 19 : i32
    %swap3A_633 = arith.index_cast %swap3A_632 : i32 to index
    %swap3A_634 = arith.constant 64 : index
    %swap3A_635 = tpu.vector_load %arg5[%swap3A_633, %swap3A_634] {strides = array<i32>} : memref<64x128xf32, #tpu.memory_space<vmem>>, vector<16xf32>,
    tpu.vector_store %arg5[%swap3A_633, %swap3A_634], %broadcast_in_dim3A_8 {strides = array<i32>} : memref<64x128xf32, #tpu.memory_space<vmem>>, vector<16xf32>,
    %swap3A_636 = arith.constant 19 : i32
    %swap3A_637 = arith.index_cast %swap3A_636 : i32 to index
    %swap3A_638 = arith.constant 80 : index
    %swap3A_639 = tpu.vector_load %arg5[%swap3A_637, %swap3A_638] {strides = array<i32>} : memref<64x128xf32, #tpu.memory_space<vmem>>, vector<16xf32>,
    tpu.vector_store %arg5[%swap3A_637, %swap3A_638], %broadcast_in_dim3A_8 {strides = array<i32>} : memref<64x128xf32, #tpu.memory_space<vmem>>, vector<16xf32>,
    %swap3A_640 = arith.constant 19 : i32
    %swap3A_641 = arith.index_cast %swap3A_640 : i32 to index
    %swap3A_642 = arith.constant 96 : index
    %swap3A_643 = tpu.vector_load %arg5[%swap3A_641, %swap3A_642] {strides = array<i32>} : memref<64x128xf32, #tpu.memory_space<vmem>>, vector<16xf32>,
    tpu.vector_store %arg5[%swap3A_641, %swap3A_642], %broadcast_in_dim3A_8 {strides = array<i32>} : memref<64x128xf32, #tpu.memory_space<vmem>>, vector<16xf32>,
    %swap3A_644 = arith.constant 19 : i32
    %swap3A_645 = arith.index_cast %swap3A_644 : i32 to index
    %swap3A_646 = arith.constant 112 : index
    %swap3A_647 = tpu.vector_load %arg5[%swap3A_645, %swap3A_646] {strides = array<i32>} : memref<64x128xf32, #tpu.memory_space<vmem>>, vector<16xf32>,
    tpu.vector_store %arg5[%swap3A_645, %swap3A_646], %broadcast_in_dim3A_8 {strides = array<i32>} : memref<64x128xf32, #tpu.memory_space<vmem>>, vector<16xf32>,
    %swap3A_648 = arith.constant 20 : i32
    %swap3A_649 = arith.index_cast %swap3A_648 : i32 to index
    %swap3A_650 = arith.constant 0 : index
    %swap3A_651 = tpu.vector_load %arg5[%swap3A_649, %swap3A_650] {strides = array<i32>} : memref<64x128xf32, #tpu.memory_space<vmem>>, vector<16xf32>,
    tpu.vector_store %arg5[%swap3A_649, %swap3A_650], %broadcast_in_dim3A_8 {strides = array<i32>} : memref<64x128xf32, #tpu.memory_space<vmem>>, vector<16xf32>,
    %swap3A_652 = arith.constant 20 : i32
    %swap3A_653 = arith.index_cast %swap3A_652 : i32 to index
    %swap3A_654 = arith.constant 16 : index
    %swap3A_655 = tpu.vector_load %arg5[%swap3A_653, %swap3A_654] {strides = array<i32>} : memref<64x128xf32, #tpu.memory_space<vmem>>, vector<16xf32>,
    tpu.vector_store %arg5[%swap3A_653, %swap3A_654], %broadcast_in_dim3A_8 {strides = array<i32>} : memref<64x128xf32, #tpu.memory_space<vmem>>, vector<16xf32>,
    %swap3A_656 = arith.constant 20 : i32
    %swap3A_657 = arith.index_cast %swap3A_656 : i32 to index
    %swap3A_658 = arith.constant 32 : index
    %swap3A_659 = tpu.vector_load %arg5[%swap3A_657, %swap3A_658] {strides = array<i32>} : memref<64x128xf32, #tpu.memory_space<vmem>>, vector<16xf32>,
    tpu.vector_store %arg5[%swap3A_657, %swap3A_658], %broadcast_in_dim3A_8 {strides = array<i32>} : memref<64x128xf32, #tpu.memory_space<vmem>>, vector<16xf32>,
    %swap3A_660 = arith.constant 20 : i32
    %swap3A_661 = arith.index_cast %swap3A_660 : i32 to index
    %swap3A_662 = arith.constant 48 : index
    %swap3A_663 = tpu.vector_load %arg5[%swap3A_661, %swap3A_662] {strides = array<i32>} : memref<64x128xf32, #tpu.memory_space<vmem>>, vector<16xf32>,
    tpu.vector_store %arg5[%swap3A_661, %swap3A_662], %broadcast_in_dim3A_8 {strides = array<i32>} : memref<64x128xf32, #tpu.memory_space<vmem>>, vector<16xf32>,
    %swap3A_664 = arith.constant 20 : i32
    %swap3A_665 = arith.index_cast %swap3A_664 : i32 to index
    %swap3A_666 = arith.constant 64 : index
    %swap3A_667 = tpu.vector_load %arg5[%swap3A_665, %swap3A_666] {strides = array<i32>} : memref<64x128xf32, #tpu.memory_space<vmem>>, vector<16xf32>,
    tpu.vector_store %arg5[%swap3A_665, %swap3A_666], %broadcast_in_dim3A_8 {strides = array<i32>} : memref<64x128xf32, #tpu.memory_space<vmem>>, vector<16xf32>,
    %swap3A_668 = arith.constant 20 : i32
    %swap3A_669 = arith.index_cast %swap3A_668 : i32 to index
    %swap3A_670 = arith.constant 80 : index
    %swap3A_671 = tpu.vector_load %arg5[%swap3A_669, %swap3A_670] {strides = array<i32>} : memref<64x128xf32, #tpu.memory_space<vmem>>, vector<16xf32>,
    tpu.vector_store %arg5[%swap3A_669, %swap3A_670], %broadcast_in_dim3A_8 {strides = array<i32>} : memref<64x128xf32, #tpu.memory_space<vmem>>, vector<16xf32>,
    %swap3A_672 = arith.constant 20 : i32
    %swap3A_673 = arith.index_cast %swap3A_672 : i32 to index
    %swap3A_674 = arith.constant 96 : index
    %swap3A_675 = tpu.vector_load %arg5[%swap3A_673, %swap3A_674] {strides = array<i32>} : memref<64x128xf32, #tpu.memory_space<vmem>>, vector<16xf32>,
    tpu.vector_store %arg5[%swap3A_673, %swap3A_674], %broadcast_in_dim3A_8 {strides = array<i32>} : memref<64x128xf32, #tpu.memory_space<vmem>>, vector<16xf32>,
    %swap3A_676 = arith.constant 20 : i32
    %swap3A_677 = arith.index_cast %swap3A_676 : i32 to index
    %swap3A_678 = arith.constant 112 : index
    %swap3A_679 = tpu.vector_load %arg5[%swap3A_677, %swap3A_678] {strides = array<i32>} : memref<64x128xf32, #tpu.memory_space<vmem>>, vector<16xf32>,
    tpu.vector_store %arg5[%swap3A_677, %swap3A_678], %broadcast_in_dim3A_8 {strides = array<i32>} : memref<64x128xf32, #tpu.memory_space<vmem>>, vector<16xf32>,
    %swap3A_680 = arith.constant 21 : i32
    %swap3A_681 = arith.index_cast %swap3A_680 : i32 to index
    %swap3A_682 = arith.constant 0 : index
    %swap3A_683 = tpu.vector_load %arg5[%swap3A_681, %swap3A_682] {strides = array<i32>} : memref<64x128xf32, #tpu.memory_space<vmem>>, vector<16xf32>,
    tpu.vector_store %arg5[%swap3A_681, %swap3A_682], %broadcast_in_dim3A_8 {strides = array<i32>} : memref<64x128xf32, #tpu.memory_space<vmem>>, vector<16xf32>,
    %swap3A_684 = arith.constant 21 : i32
    %swap3A_685 = arith.index_cast %swap3A_684 : i32 to index
    %swap3A_686 = arith.constant 16 : index
    %swap3A_687 = tpu.vector_load %arg5[%swap3A_685, %swap3A_686] {strides = array<i32>} : memref<64x128xf32, #tpu.memory_space<vmem>>, vector<16xf32>,
    tpu.vector_store %arg5[%swap3A_685, %swap3A_686], %broadcast_in_dim3A_8 {strides = array<i32>} : memref<64x128xf32, #tpu.memory_space<vmem>>, vector<16xf32>,
    %swap3A_688 = arith.constant 21 : i32
    %swap3A_689 = arith.index_cast %swap3A_688 : i32 to index
    %swap3A_690 = arith.constant 32 : index
    %swap3A_691 = tpu.vector_load %arg5[%swap3A_689, %swap3A_690] {strides = array<i32>} : memref<64x128xf32, #tpu.memory_space<vmem>>, vector<16xf32>,
    tpu.vector_store %arg5[%swap3A_689, %swap3A_690], %broadcast_in_dim3A_8 {strides = array<i32>} : memref<64x128xf32, #tpu.memory_space<vmem>>, vector<16xf32>,
    %swap3A_692 = arith.constant 21 : i32
    %swap3A_693 = arith.index_cast %swap3A_692 : i32 to index
    %swap3A_694 = arith.constant 48 : index
    %swap3A_695 = tpu.vector_load %arg5[%swap3A_693, %swap3A_694] {strides = array<i32>} : memref<64x128xf32, #tpu.memory_space<vmem>>, vector<16xf32>,
    tpu.vector_store %arg5[%swap3A_693, %swap3A_694], %broadcast_in_dim3A_8 {strides = array<i32>} : memref<64x128xf32, #tpu.memory_space<vmem>>, vector<16xf32>,
    %swap3A_696 = arith.constant 21 : i32
    %swap3A_697 = arith.index_cast %swap3A_696 : i32 to index
    %swap3A_698 = arith.constant 64 : index
    %swap3A_699 = tpu.vector_load %arg5[%swap3A_697, %swap3A_698] {strides = array<i32>} : memref<64x128xf32, #tpu.memory_space<vmem>>, vector<16xf32>,
    tpu.vector_store %arg5[%swap3A_697, %swap3A_698], %broadcast_in_dim3A_8 {strides = array<i32>} : memref<64x128xf32, #tpu.memory_space<vmem>>, vector<16xf32>,
    %swap3A_700 = arith.constant 21 : i32
    %swap3A_701 = arith.index_cast %swap3A_700 : i32 to index
    %swap3A_702 = arith.constant 80 : index
    %swap3A_703 = tpu.vector_load %arg5[%swap3A_701, %swap3A_702] {strides = array<i32>} : memref<64x128xf32, #tpu.memory_space<vmem>>, vector<16xf32>,
    tpu.vector_store %arg5[%swap3A_701, %swap3A_702], %broadcast_in_dim3A_8 {strides = array<i32>} : memref<64x128xf32, #tpu.memory_space<vmem>>, vector<16xf32>,
    %swap3A_704 = arith.constant 21 : i32
    %swap3A_705 = arith.index_cast %swap3A_704 : i32 to index
    %swap3A_706 = arith.constant 96 : index
    %swap3A_707 = tpu.vector_load %arg5[%swap3A_705, %swap3A_706] {strides = array<i32>} : memref<64x128xf32, #tpu.memory_space<vmem>>, vector<16xf32>,
    tpu.vector_store %arg5[%swap3A_705, %swap3A_706], %broadcast_in_dim3A_8 {strides = array<i32>} : memref<64x128xf32, #tpu.memory_space<vmem>>, vector<16xf32>,
    %swap3A_708 = arith.constant 21 : i32
    %swap3A_709 = arith.index_cast %swap3A_708 : i32 to index
    %swap3A_710 = arith.constant 112 : index
    %swap3A_711 = tpu.vector_load %arg5[%swap3A_709, %swap3A_710] {strides = array<i32>} : memref<64x128xf32, #tpu.memory_space<vmem>>, vector<16xf32>,
    tpu.vector_store %arg5[%swap3A_709, %swap3A_710], %broadcast_in_dim3A_8 {strides = array<i32>} : memref<64x128xf32, #tpu.memory_space<vmem>>, vector<16xf32>,
    %swap3A_712 = arith.constant 22 : i32
    %swap3A_713 = arith.index_cast %swap3A_712 : i32 to index
    %swap3A_714 = arith.constant 0 : index
    %swap3A_715 = tpu.vector_load %arg5[%swap3A_713, %swap3A_714] {strides = array<i32>} : memref<64x128xf32, #tpu.memory_space<vmem>>, vector<16xf32>,
    tpu.vector_store %arg5[%swap3A_713, %swap3A_714], %broadcast_in_dim3A_8 {strides = array<i32>} : memref<64x128xf32, #tpu.memory_space<vmem>>, vector<16xf32>,
    %swap3A_716 = arith.constant 22 : i32
    %swap3A_717 = arith.index_cast %swap3A_716 : i32 to index
    %swap3A_718 = arith.constant 16 : index
    %swap3A_719 = tpu.vector_load %arg5[%swap3A_717, %swap3A_718] {strides = array<i32>} : memref<64x128xf32, #tpu.memory_space<vmem>>, vector<16xf32>,
    tpu.vector_store %arg5[%swap3A_717, %swap3A_718], %broadcast_in_dim3A_8 {strides = array<i32>} : memref<64x128xf32, #tpu.memory_space<vmem>>, vector<16xf32>,
    %swap3A_720 = arith.constant 22 : i32
    %swap3A_721 = arith.index_cast %swap3A_720 : i32 to index
    %swap3A_722 = arith.constant 32 : index
    %swap3A_723 = tpu.vector_load %arg5[%swap3A_721, %swap3A_722] {strides = array<i32>} : memref<64x128xf32, #tpu.memory_space<vmem>>, vector<16xf32>,
    tpu.vector_store %arg5[%swap3A_721, %swap3A_722], %broadcast_in_dim3A_8 {strides = array<i32>} : memref<64x128xf32, #tpu.memory_space<vmem>>, vector<16xf32>,
    %swap3A_724 = arith.constant 22 : i32
    %swap3A_725 = arith.index_cast %swap3A_724 : i32 to index
    %swap3A_726 = arith.constant 48 : index
    %swap3A_727 = tpu.vector_load %arg5[%swap3A_725, %swap3A_726] {strides = array<i32>} : memref<64x128xf32, #tpu.memory_space<vmem>>, vector<16xf32>,
    tpu.vector_store %arg5[%swap3A_725, %swap3A_726], %broadcast_in_dim3A_8 {strides = array<i32>} : memref<64x128xf32, #tpu.memory_space<vmem>>, vector<16xf32>,
    %swap3A_728 = arith.constant 22 : i32
    %swap3A_729 = arith.index_cast %swap3A_728 : i32 to index
    %swap3A_730 = arith.constant 64 : index
    %swap3A_731 = tpu.vector_load %arg5[%swap3A_729, %swap3A_730] {strides = array<i32>} : memref<64x128xf32, #tpu.memory_space<vmem>>, vector<16xf32>,
    tpu.vector_store %arg5[%swap3A_729, %swap3A_730], %broadcast_in_dim3A_8 {strides = array<i32>} : memref<64x128xf32, #tpu.memory_space<vmem>>, vector<16xf32>,
    %swap3A_732 = arith.constant 22 : i32
    %swap3A_733 = arith.index_cast %swap3A_732 : i32 to index
    %swap3A_734 = arith.constant 80 : index
    %swap3A_735 = tpu.vector_load %arg5[%swap3A_733, %swap3A_734] {strides = array<i32>} : memref<64x128xf32, #tpu.memory_space<vmem>>, vector<16xf32>,
    tpu.vector_store %arg5[%swap3A_733, %swap3A_734], %broadcast_in_dim3A_8 {strides = array<i32>} : memref<64x128xf32, #tpu.memory_space<vmem>>, vector<16xf32>,
    %swap3A_736 = arith.constant 22 : i32
    %swap3A_737 = arith.index_cast %swap3A_736 : i32 to index
    %swap3A_738 = arith.constant 96 : index
    %swap3A_739 = tpu.vector_load %arg5[%swap3A_737, %swap3A_738] {strides = array<i32>} : memref<64x128xf32, #tpu.memory_space<vmem>>, vector<16xf32>,
    tpu.vector_store %arg5[%swap3A_737, %swap3A_738], %broadcast_in_dim3A_8 {strides = array<i32>} : memref<64x128xf32, #tpu.memory_space<vmem>>, vector<16xf32>,
    %swap3A_740 = arith.constant 22 : i32
    %swap3A_741 = arith.index_cast %swap3A_740 : i32 to index
    %swap3A_742 = arith.constant 112 : index
    %swap3A_743 = tpu.vector_load %arg5[%swap3A_741, %swap3A_742] {strides = array<i32>} : memref<64x128xf32, #tpu.memory_space<vmem>>, vector<16xf32>,
    tpu.vector_store %arg5[%swap3A_741, %swap3A_742], %broadcast_in_dim3A_8 {strides = array<i32>} : memref<64x128xf32, #tpu.memory_space<vmem>>, vector<16xf32>,
    %swap3A_744 = arith.constant 23 : i32
    %swap3A_745 = arith.index_cast %swap3A_744 : i32 to index
    %swap3A_746 = arith.constant 0 : index
    %swap3A_747 = tpu.vector_load %arg5[%swap3A_745, %swap3A_746] {strides = array<i32>} : memref<64x128xf32, #tpu.memory_space<vmem>>, vector<16xf32>,
    tpu.vector_store %arg5[%swap3A_745, %swap3A_746], %broadcast_in_dim3A_8 {strides = array<i32>} : memref<64x128xf32, #tpu.memory_space<vmem>>, vector<16xf32>,
    %swap3A_748 = arith.constant 23 : i32
    %swap3A_749 = arith.index_cast %swap3A_748 : i32 to index
    %swap3A_750 = arith.constant 16 : index
    %swap3A_751 = tpu.vector_load %arg5[%swap3A_749, %swap3A_750] {strides = array<i32>} : memref<64x128xf32, #tpu.memory_space<vmem>>, vector<16xf32>,
    tpu.vector_store %arg5[%swap3A_749, %swap3A_750], %broadcast_in_dim3A_8 {strides = array<i32>} : memref<64x128xf32, #tpu.memory_space<vmem>>, vector<16xf32>,
    %swap3A_752 = arith.constant 23 : i32
    %swap3A_753 = arith.index_cast %swap3A_752 : i32 to index
    %swap3A_754 = arith.constant 32 : index
    %swap3A_755 = tpu.vector_load %arg5[%swap3A_753, %swap3A_754] {strides = array<i32>} : memref<64x128xf32, #tpu.memory_space<vmem>>, vector<16xf32>,
    tpu.vector_store %arg5[%swap3A_753, %swap3A_754], %broadcast_in_dim3A_8 {strides = array<i32>} : memref<64x128xf32, #tpu.memory_space<vmem>>, vector<16xf32>,
    %swap3A_756 = arith.constant 23 : i32
    %swap3A_757 = arith.index_cast %swap3A_756 : i32 to index
    %swap3A_758 = arith.constant 48 : index
    %swap3A_759 = tpu.vector_load %arg5[%swap3A_757, %swap3A_758] {strides = array<i32>} : memref<64x128xf32, #tpu.memory_space<vmem>>, vector<16xf32>,
    tpu.vector_store %arg5[%swap3A_757, %swap3A_758], %broadcast_in_dim3A_8 {strides = array<i32>} : memref<64x128xf32, #tpu.memory_space<vmem>>, vector<16xf32>,
    %swap3A_760 = arith.constant 23 : i32
    %swap3A_761 = arith.index_cast %swap3A_760 : i32 to index
    %swap3A_762 = arith.constant 64 : index
    %swap3A_763 = tpu.vector_load %arg5[%swap3A_761, %swap3A_762] {strides = array<i32>} : memref<64x128xf32, #tpu.memory_space<vmem>>, vector<16xf32>,
    tpu.vector_store %arg5[%swap3A_761, %swap3A_762], %broadcast_in_dim3A_8 {strides = array<i32>} : memref<64x128xf32, #tpu.memory_space<vmem>>, vector<16xf32>,
    %swap3A_764 = arith.constant 23 : i32
    %swap3A_765 = arith.index_cast %swap3A_764 : i32 to index
    %swap3A_766 = arith.constant 80 : index
    %swap3A_767 = tpu.vector_load %arg5[%swap3A_765, %swap3A_766] {strides = array<i32>} : memref<64x128xf32, #tpu.memory_space<vmem>>, vector<16xf32>,
    tpu.vector_store %arg5[%swap3A_765, %swap3A_766], %broadcast_in_dim3A_8 {strides = array<i32>} : memref<64x128xf32, #tpu.memory_space<vmem>>, vector<16xf32>,
    %swap3A_768 = arith.constant 23 : i32
    %swap3A_769 = arith.index_cast %swap3A_768 : i32 to index
    %swap3A_770 = arith.constant 96 : index
    %swap3A_771 = tpu.vector_load %arg5[%swap3A_769, %swap3A_770] {strides = array<i32>} : memref<64x128xf32, #tpu.memory_space<vmem>>, vector<16xf32>,
    tpu.vector_store %arg5[%swap3A_769, %swap3A_770], %broadcast_in_dim3A_8 {strides = array<i32>} : memref<64x128xf32, #tpu.memory_space<vmem>>, vector<16xf32>,
    %swap3A_772 = arith.constant 23 : i32
    %swap3A_773 = arith.index_cast %swap3A_772 : i32 to index
    %swap3A_774 = arith.constant 112 : index
    %swap3A_775 = tpu.vector_load %arg5[%swap3A_773, %swap3A_774] {strides = array<i32>} : memref<64x128xf32, #tpu.memory_space<vmem>>, vector<16xf32>,
    tpu.vector_store %arg5[%swap3A_773, %swap3A_774], %broadcast_in_dim3A_8 {strides = array<i32>} : memref<64x128xf32, #tpu.memory_space<vmem>>, vector<16xf32>,
    %swap3A_776 = arith.constant 24 : i32
    %swap3A_777 = arith.index_cast %swap3A_776 : i32 to index
    %swap3A_778 = arith.constant 0 : index
    %swap3A_779 = tpu.vector_load %arg5[%swap3A_777, %swap3A_778] {strides = array<i32>} : memref<64x128xf32, #tpu.memory_space<vmem>>, vector<16xf32>,
    tpu.vector_store %arg5[%swap3A_777, %swap3A_778], %broadcast_in_dim3A_8 {strides = array<i32>} : memref<64x128xf32, #tpu.memory_space<vmem>>, vector<16xf32>,
    %swap3A_780 = arith.constant 24 : i32
    %swap3A_781 = arith.index_cast %swap3A_780 : i32 to index
    %swap3A_782 = arith.constant 16 : index
    %swap3A_783 = tpu.vector_load %arg5[%swap3A_781, %swap3A_782] {strides = array<i32>} : memref<64x128xf32, #tpu.memory_space<vmem>>, vector<16xf32>,
    tpu.vector_store %arg5[%swap3A_781, %swap3A_782], %broadcast_in_dim3A_8 {strides = array<i32>} : memref<64x128xf32, #tpu.memory_space<vmem>>, vector<16xf32>,
    %swap3A_784 = arith.constant 24 : i32
    %swap3A_785 = arith.index_cast %swap3A_784 : i32 to index
    %swap3A_786 = arith.constant 32 : index
    %swap3A_787 = tpu.vector_load %arg5[%swap3A_785, %swap3A_786] {strides = array<i32>} : memref<64x128xf32, #tpu.memory_space<vmem>>, vector<16xf32>,
    tpu.vector_store %arg5[%swap3A_785, %swap3A_786], %broadcast_in_dim3A_8 {strides = array<i32>} : memref<64x128xf32, #tpu.memory_space<vmem>>, vector<16xf32>,
    %swap3A_788 = arith.constant 24 : i32
    %swap3A_789 = arith.index_cast %swap3A_788 : i32 to index
    %swap3A_790 = arith.constant 48 : index
    %swap3A_791 = tpu.vector_load %arg5[%swap3A_789, %swap3A_790] {strides = array<i32>} : memref<64x128xf32, #tpu.memory_space<vmem>>, vector<16xf32>,
    tpu.vector_store %arg5[%swap3A_789, %swap3A_790], %broadcast_in_dim3A_8 {strides = array<i32>} : memref<64x128xf32, #tpu.memory_space<vmem>>, vector<16xf32>,
    %swap3A_792 = arith.constant 24 : i32
    %swap3A_793 = arith.index_cast %swap3A_792 : i32 to index
    %swap3A_794 = arith.constant 64 : index
    %swap3A_795 = tpu.vector_load %arg5[%swap3A_793, %swap3A_794] {strides = array<i32>} : memref<64x128xf32, #tpu.memory_space<vmem>>, vector<16xf32>,
    tpu.vector_store %arg5[%swap3A_793, %swap3A_794], %broadcast_in_dim3A_8 {strides = array<i32>} : memref<64x128xf32, #tpu.memory_space<vmem>>, vector<16xf32>,
    %swap3A_796 = arith.constant 24 : i32
    %swap3A_797 = arith.index_cast %swap3A_796 : i32 to index
    %swap3A_798 = arith.constant 80 : index
    %swap3A_799 = tpu.vector_load %arg5[%swap3A_797, %swap3A_798] {strides = array<i32>} : memref<64x128xf32, #tpu.memory_space<vmem>>, vector<16xf32>,
    tpu.vector_store %arg5[%swap3A_797, %swap3A_798], %broadcast_in_dim3A_8 {strides = array<i32>} : memref<64x128xf32, #tpu.memory_space<vmem>>, vector<16xf32>,
    %swap3A_800 = arith.constant 24 : i32
    %swap3A_801 = arith.index_cast %swap3A_800 : i32 to index
    %swap3A_802 = arith.constant 96 : index
    %swap3A_803 = tpu.vector_load %arg5[%swap3A_801, %swap3A_802] {strides = array<i32>} : memref<64x128xf32, #tpu.memory_space<vmem>>, vector<16xf32>,
    tpu.vector_store %arg5[%swap3A_801, %swap3A_802], %broadcast_in_dim3A_8 {strides = array<i32>} : memref<64x128xf32, #tpu.memory_space<vmem>>, vector<16xf32>,
    %swap3A_804 = arith.constant 24 : i32
    %swap3A_805 = arith.index_cast %swap3A_804 : i32 to index
    %swap3A_806 = arith.constant 112 : index
    %swap3A_807 = tpu.vector_load %arg5[%swap3A_805, %swap3A_806] {strides = array<i32>} : memref<64x128xf32, #tpu.memory_space<vmem>>, vector<16xf32>,
    tpu.vector_store %arg5[%swap3A_805, %swap3A_806], %broadcast_in_dim3A_8 {strides = array<i32>} : memref<64x128xf32, #tpu.memory_space<vmem>>, vector<16xf32>,
    %swap3A_808 = arith.constant 25 : i32
    %swap3A_809 = arith.index_cast %swap3A_808 : i32 to index
    %swap3A_810 = arith.constant 0 : index
    %swap3A_811 = tpu.vector_load %arg5[%swap3A_809, %swap3A_810] {strides = array<i32>} : memref<64x128xf32, #tpu.memory_space<vmem>>, vector<16xf32>,
    tpu.vector_store %arg5[%swap3A_809, %swap3A_810], %broadcast_in_dim3A_8 {strides = array<i32>} : memref<64x128xf32, #tpu.memory_space<vmem>>, vector<16xf32>,
    %swap3A_812 = arith.constant 25 : i32
    %swap3A_813 = arith.index_cast %swap3A_812 : i32 to index
    %swap3A_814 = arith.constant 16 : index
    %swap3A_815 = tpu.vector_load %arg5[%swap3A_813, %swap3A_814] {strides = array<i32>} : memref<64x128xf32, #tpu.memory_space<vmem>>, vector<16xf32>,
    tpu.vector_store %arg5[%swap3A_813, %swap3A_814], %broadcast_in_dim3A_8 {strides = array<i32>} : memref<64x128xf32, #tpu.memory_space<vmem>>, vector<16xf32>,
    %swap3A_816 = arith.constant 25 : i32
    %swap3A_817 = arith.index_cast %swap3A_816 : i32 to index
    %swap3A_818 = arith.constant 32 : index
    %swap3A_819 = tpu.vector_load %arg5[%swap3A_817, %swap3A_818] {strides = array<i32>} : memref<64x128xf32, #tpu.memory_space<vmem>>, vector<16xf32>,
    tpu.vector_store %arg5[%swap3A_817, %swap3A_818], %broadcast_in_dim3A_8 {strides = array<i32>} : memref<64x128xf32, #tpu.memory_space<vmem>>, vector<16xf32>,
    %swap3A_820 = arith.constant 25 : i32
    %swap3A_821 = arith.index_cast %swap3A_820 : i32 to index
    %swap3A_822 = arith.constant 48 : index
    %swap3A_823 = tpu.vector_load %arg5[%swap3A_821, %swap3A_822] {strides = array<i32>} : memref<64x128xf32, #tpu.memory_space<vmem>>, vector<16xf32>,
    tpu.vector_store %arg5[%swap3A_821, %swap3A_822], %broadcast_in_dim3A_8 {strides = array<i32>} : memref<64x128xf32, #tpu.memory_space<vmem>>, vector<16xf32>,
    %swap3A_824 = arith.constant 25 : i32
    %swap3A_825 = arith.index_cast %swap3A_824 : i32 to index
    %swap3A_826 = arith.constant 64 : index
    %swap3A_827 = tpu.vector_load %arg5[%swap3A_825, %swap3A_826] {strides = array<i32>} : memref<64x128xf32, #tpu.memory_space<vmem>>, vector<16xf32>,
    tpu.vector_store %arg5[%swap3A_825, %swap3A_826], %broadcast_in_dim3A_8 {strides = array<i32>} : memref<64x128xf32, #tpu.memory_space<vmem>>, vector<16xf32>,
    %swap3A_828 = arith.constant 25 : i32
    %swap3A_829 = arith.index_cast %swap3A_828 : i32 to index
    %swap3A_830 = arith.constant 80 : index
    %swap3A_831 = tpu.vector_load %arg5[%swap3A_829, %swap3A_830] {strides = array<i32>} : memref<64x128xf32, #tpu.memory_space<vmem>>, vector<16xf32>,
    tpu.vector_store %arg5[%swap3A_829, %swap3A_830], %broadcast_in_dim3A_8 {strides = array<i32>} : memref<64x128xf32, #tpu.memory_space<vmem>>, vector<16xf32>,
    %swap3A_832 = arith.constant 25 : i32
    %swap3A_833 = arith.index_cast %swap3A_832 : i32 to index
    %swap3A_834 = arith.constant 96 : index
    %swap3A_835 = tpu.vector_load %arg5[%swap3A_833, %swap3A_834] {strides = array<i32>} : memref<64x128xf32, #tpu.memory_space<vmem>>, vector<16xf32>,
    tpu.vector_store %arg5[%swap3A_833, %swap3A_834], %broadcast_in_dim3A_8 {strides = array<i32>} : memref<64x128xf32, #tpu.memory_space<vmem>>, vector<16xf32>,
    %swap3A_836 = arith.constant 25 : i32
    %swap3A_837 = arith.index_cast %swap3A_836 : i32 to index
    %swap3A_838 = arith.constant 112 : index
    %swap3A_839 = tpu.vector_load %arg5[%swap3A_837, %swap3A_838] {strides = array<i32>} : memref<64x128xf32, #tpu.memory_space<vmem>>, vector<16xf32>,
    tpu.vector_store %arg5[%swap3A_837, %swap3A_838], %broadcast_in_dim3A_8 {strides = array<i32>} : memref<64x128xf32, #tpu.memory_space<vmem>>, vector<16xf32>,
    %swap3A_840 = arith.constant 26 : i32
    %swap3A_841 = arith.index_cast %swap3A_840 : i32 to index
    %swap3A_842 = arith.constant 0 : index
    %swap3A_843 = tpu.vector_load %arg5[%swap3A_841, %swap3A_842] {strides = array<i32>} : memref<64x128xf32, #tpu.memory_space<vmem>>, vector<16xf32>,
    tpu.vector_store %arg5[%swap3A_841, %swap3A_842], %broadcast_in_dim3A_8 {strides = array<i32>} : memref<64x128xf32, #tpu.memory_space<vmem>>, vector<16xf32>,
    %swap3A_844 = arith.constant 26 : i32
    %swap3A_845 = arith.index_cast %swap3A_844 : i32 to index
    %swap3A_846 = arith.constant 16 : index
    %swap3A_847 = tpu.vector_load %arg5[%swap3A_845, %swap3A_846] {strides = array<i32>} : memref<64x128xf32, #tpu.memory_space<vmem>>, vector<16xf32>,
    tpu.vector_store %arg5[%swap3A_845, %swap3A_846], %broadcast_in_dim3A_8 {strides = array<i32>} : memref<64x128xf32, #tpu.memory_space<vmem>>, vector<16xf32>,
    %swap3A_848 = arith.constant 26 : i32
    %swap3A_849 = arith.index_cast %swap3A_848 : i32 to index
    %swap3A_850 = arith.constant 32 : index
    %swap3A_851 = tpu.vector_load %arg5[%swap3A_849, %swap3A_850] {strides = array<i32>} : memref<64x128xf32, #tpu.memory_space<vmem>>, vector<16xf32>,
    tpu.vector_store %arg5[%swap3A_849, %swap3A_850], %broadcast_in_dim3A_8 {strides = array<i32>} : memref<64x128xf32, #tpu.memory_space<vmem>>, vector<16xf32>,
    %swap3A_852 = arith.constant 26 : i32
    %swap3A_853 = arith.index_cast %swap3A_852 : i32 to index
    %swap3A_854 = arith.constant 48 : index
    %swap3A_855 = tpu.vector_load %arg5[%swap3A_853, %swap3A_854] {strides = array<i32>} : memref<64x128xf32, #tpu.memory_space<vmem>>, vector<16xf32>,
    tpu.vector_store %arg5[%swap3A_853, %swap3A_854], %broadcast_in_dim3A_8 {strides = array<i32>} : memref<64x128xf32, #tpu.memory_space<vmem>>, vector<16xf32>,
    %swap3A_856 = arith.constant 26 : i32
    %swap3A_857 = arith.index_cast %swap3A_856 : i32 to index
    %swap3A_858 = arith.constant 64 : index
    %swap3A_859 = tpu.vector_load %arg5[%swap3A_857, %swap3A_858] {strides = array<i32>} : memref<64x128xf32, #tpu.memory_space<vmem>>, vector<16xf32>,
    tpu.vector_store %arg5[%swap3A_857, %swap3A_858], %broadcast_in_dim3A_8 {strides = array<i32>} : memref<64x128xf32, #tpu.memory_space<vmem>>, vector<16xf32>,
    %swap3A_860 = arith.constant 26 : i32
    %swap3A_861 = arith.index_cast %swap3A_860 : i32 to index
    %swap3A_862 = arith.constant 80 : index
    %swap3A_863 = tpu.vector_load %arg5[%swap3A_861, %swap3A_862] {strides = array<i32>} : memref<64x128xf32, #tpu.memory_space<vmem>>, vector<16xf32>,
    tpu.vector_store %arg5[%swap3A_861, %swap3A_862], %broadcast_in_dim3A_8 {strides = array<i32>} : memref<64x128xf32, #tpu.memory_space<vmem>>, vector<16xf32>,
    %swap3A_864 = arith.constant 26 : i32
    %swap3A_865 = arith.index_cast %swap3A_864 : i32 to index
    %swap3A_866 = arith.constant 96 : index
    %swap3A_867 = tpu.vector_load %arg5[%swap3A_865, %swap3A_866] {strides = array<i32>} : memref<64x128xf32, #tpu.memory_space<vmem>>, vector<16xf32>,
    tpu.vector_store %arg5[%swap3A_865, %swap3A_866], %broadcast_in_dim3A_8 {strides = array<i32>} : memref<64x128xf32, #tpu.memory_space<vmem>>, vector<16xf32>,
    %swap3A_868 = arith.constant 26 : i32
    %swap3A_869 = arith.index_cast %swap3A_868 : i32 to index
    %swap3A_870 = arith.constant 112 : index
    %swap3A_871 = tpu.vector_load %arg5[%swap3A_869, %swap3A_870] {strides = array<i32>} : memref<64x128xf32, #tpu.memory_space<vmem>>, vector<16xf32>,
    tpu.vector_store %arg5[%swap3A_869, %swap3A_870], %broadcast_in_dim3A_8 {strides = array<i32>} : memref<64x128xf32, #tpu.memory_space<vmem>>, vector<16xf32>,
    %swap3A_872 = arith.constant 27 : i32
    %swap3A_873 = arith.index_cast %swap3A_872 : i32 to index
    %swap3A_874 = arith.constant 0 : index
    %swap3A_875 = tpu.vector_load %arg5[%swap3A_873, %swap3A_874] {strides = array<i32>} : memref<64x128xf32, #tpu.memory_space<vmem>>, vector<16xf32>,
    tpu.vector_store %arg5[%swap3A_873, %swap3A_874], %broadcast_in_dim3A_8 {strides = array<i32>} : memref<64x128xf32, #tpu.memory_space<vmem>>, vector<16xf32>,
    %swap3A_876 = arith.constant 27 : i32
    %swap3A_877 = arith.index_cast %swap3A_876 : i32 to index
    %swap3A_878 = arith.constant 16 : index
    %swap3A_879 = tpu.vector_load %arg5[%swap3A_877, %swap3A_878] {strides = array<i32>} : memref<64x128xf32, #tpu.memory_space<vmem>>, vector<16xf32>,
    tpu.vector_store %arg5[%swap3A_877, %swap3A_878], %broadcast_in_dim3A_8 {strides = array<i32>} : memref<64x128xf32, #tpu.memory_space<vmem>>, vector<16xf32>,
    %swap3A_880 = arith.constant 27 : i32
    %swap3A_881 = arith.index_cast %swap3A_880 : i32 to index
    %swap3A_882 = arith.constant 32 : index
    %swap3A_883 = tpu.vector_load %arg5[%swap3A_881, %swap3A_882] {strides = array<i32>} : memref<64x128xf32, #tpu.memory_space<vmem>>, vector<16xf32>,
    tpu.vector_store %arg5[%swap3A_881, %swap3A_882], %broadcast_in_dim3A_8 {strides = array<i32>} : memref<64x128xf32, #tpu.memory_space<vmem>>, vector<16xf32>,
    %swap3A_884 = arith.constant 27 : i32
    %swap3A_885 = arith.index_cast %swap3A_884 : i32 to index
    %swap3A_886 = arith.constant 48 : index
    %swap3A_887 = tpu.vector_load %arg5[%swap3A_885, %swap3A_886] {strides = array<i32>} : memref<64x128xf32, #tpu.memory_space<vmem>>, vector<16xf32>,
    tpu.vector_store %arg5[%swap3A_885, %swap3A_886], %broadcast_in_dim3A_8 {strides = array<i32>} : memref<64x128xf32, #tpu.memory_space<vmem>>, vector<16xf32>,
    %swap3A_888 = arith.constant 27 : i32
    %swap3A_889 = arith.index_cast %swap3A_888 : i32 to index
    %swap3A_890 = arith.constant 64 : index
    %swap3A_891 = tpu.vector_load %arg5[%swap3A_889, %swap3A_890] {strides = array<i32>} : memref<64x128xf32, #tpu.memory_space<vmem>>, vector<16xf32>,
    tpu.vector_store %arg5[%swap3A_889, %swap3A_890], %broadcast_in_dim3A_8 {strides = array<i32>} : memref<64x128xf32, #tpu.memory_space<vmem>>, vector<16xf32>,
    %swap3A_892 = arith.constant 27 : i32
    %swap3A_893 = arith.index_cast %swap3A_892 : i32 to index
    %swap3A_894 = arith.constant 80 : index
    %swap3A_895 = tpu.vector_load %arg5[%swap3A_893, %swap3A_894] {strides = array<i32>} : memref<64x128xf32, #tpu.memory_space<vmem>>, vector<16xf32>,
    tpu.vector_store %arg5[%swap3A_893, %swap3A_894], %broadcast_in_dim3A_8 {strides = array<i32>} : memref<64x128xf32, #tpu.memory_space<vmem>>, vector<16xf32>,
    %swap3A_896 = arith.constant 27 : i32
    %swap3A_897 = arith.index_cast %swap3A_896 : i32 to index
    %swap3A_898 = arith.constant 96 : index
    %swap3A_899 = tpu.vector_load %arg5[%swap3A_897, %swap3A_898] {strides = array<i32>} : memref<64x128xf32, #tpu.memory_space<vmem>>, vector<16xf32>,
    tpu.vector_store %arg5[%swap3A_897, %swap3A_898], %broadcast_in_dim3A_8 {strides = array<i32>} : memref<64x128xf32, #tpu.memory_space<vmem>>, vector<16xf32>,
    %swap3A_900 = arith.constant 27 : i32
    %swap3A_901 = arith.index_cast %swap3A_900 : i32 to index
    %swap3A_902 = arith.constant 112 : index
    %swap3A_903 = tpu.vector_load %arg5[%swap3A_901, %swap3A_902] {strides = array<i32>} : memref<64x128xf32, #tpu.memory_space<vmem>>, vector<16xf32>,
    tpu.vector_store %arg5[%swap3A_901, %swap3A_902], %broadcast_in_dim3A_8 {strides = array<i32>} : memref<64x128xf32, #tpu.memory_space<vmem>>, vector<16xf32>,
    %swap3A_904 = arith.constant 28 : i32
    %swap3A_905 = arith.index_cast %swap3A_904 : i32 to index
    %swap3A_906 = arith.constant 0 : index
    %swap3A_907 = tpu.vector_load %arg5[%swap3A_905, %swap3A_906] {strides = array<i32>} : memref<64x128xf32, #tpu.memory_space<vmem>>, vector<16xf32>,
    tpu.vector_store %arg5[%swap3A_905, %swap3A_906], %broadcast_in_dim3A_8 {strides = array<i32>} : memref<64x128xf32, #tpu.memory_space<vmem>>, vector<16xf32>,
    %swap3A_908 = arith.constant 28 : i32
    %swap3A_909 = arith.index_cast %swap3A_908 : i32 to index
    %swap3A_910 = arith.constant 16 : index
    %swap3A_911 = tpu.vector_load %arg5[%swap3A_909, %swap3A_910] {strides = array<i32>} : memref<64x128xf32, #tpu.memory_space<vmem>>, vector<16xf32>,
    tpu.vector_store %arg5[%swap3A_909, %swap3A_910], %broadcast_in_dim3A_8 {strides = array<i32>} : memref<64x128xf32, #tpu.memory_space<vmem>>, vector<16xf32>,
    %swap3A_912 = arith.constant 28 : i32
    %swap3A_913 = arith.index_cast %swap3A_912 : i32 to index
    %swap3A_914 = arith.constant 32 : index
    %swap3A_915 = tpu.vector_load %arg5[%swap3A_913, %swap3A_914] {strides = array<i32>} : memref<64x128xf32, #tpu.memory_space<vmem>>, vector<16xf32>,
    tpu.vector_store %arg5[%swap3A_913, %swap3A_914], %broadcast_in_dim3A_8 {strides = array<i32>} : memref<64x128xf32, #tpu.memory_space<vmem>>, vector<16xf32>,
    %swap3A_916 = arith.constant 28 : i32
    %swap3A_917 = arith.index_cast %swap3A_916 : i32 to index
    %swap3A_918 = arith.constant 48 : index
    %swap3A_919 = tpu.vector_load %arg5[%swap3A_917, %swap3A_918] {strides = array<i32>} : memref<64x128xf32, #tpu.memory_space<vmem>>, vector<16xf32>,
    tpu.vector_store %arg5[%swap3A_917, %swap3A_918], %broadcast_in_dim3A_8 {strides = array<i32>} : memref<64x128xf32, #tpu.memory_space<vmem>>, vector<16xf32>,
    %swap3A_920 = arith.constant 28 : i32
    %swap3A_921 = arith.index_cast %swap3A_920 : i32 to index
    %swap3A_922 = arith.constant 64 : index
    %swap3A_923 = tpu.vector_load %arg5[%swap3A_921, %swap3A_922] {strides = array<i32>} : memref<64x128xf32, #tpu.memory_space<vmem>>, vector<16xf32>,
    tpu.vector_store %arg5[%swap3A_921, %swap3A_922], %broadcast_in_dim3A_8 {strides = array<i32>} : memref<64x128xf32, #tpu.memory_space<vmem>>, vector<16xf32>,
    %swap3A_924 = arith.constant 28 : i32
    %swap3A_925 = arith.index_cast %swap3A_924 : i32 to index
    %swap3A_926 = arith.constant 80 : index
    %swap3A_927 = tpu.vector_load %arg5[%swap3A_925, %swap3A_926] {strides = array<i32>} : memref<64x128xf32, #tpu.memory_space<vmem>>, vector<16xf32>,
    tpu.vector_store %arg5[%swap3A_925, %swap3A_926], %broadcast_in_dim3A_8 {strides = array<i32>} : memref<64x128xf32, #tpu.memory_space<vmem>>, vector<16xf32>,
    %swap3A_928 = arith.constant 28 : i32
    %swap3A_929 = arith.index_cast %swap3A_928 : i32 to index
    %swap3A_930 = arith.constant 96 : index
    %swap3A_931 = tpu.vector_load %arg5[%swap3A_929, %swap3A_930] {strides = array<i32>} : memref<64x128xf32, #tpu.memory_space<vmem>>, vector<16xf32>,
    tpu.vector_store %arg5[%swap3A_929, %swap3A_930], %broadcast_in_dim3A_8 {strides = array<i32>} : memref<64x128xf32, #tpu.memory_space<vmem>>, vector<16xf32>,
    %swap3A_932 = arith.constant 28 : i32
    %swap3A_933 = arith.index_cast %swap3A_932 : i32 to index
    %swap3A_934 = arith.constant 112 : index
    %swap3A_935 = tpu.vector_load %arg5[%swap3A_933, %swap3A_934] {strides = array<i32>} : memref<64x128xf32, #tpu.memory_space<vmem>>, vector<16xf32>,
    tpu.vector_store %arg5[%swap3A_933, %swap3A_934], %broadcast_in_dim3A_8 {strides = array<i32>} : memref<64x128xf32, #tpu.memory_space<vmem>>, vector<16xf32>,
    %swap3A_936 = arith.constant 29 : i32
    %swap3A_937 = arith.index_cast %swap3A_936 : i32 to index
    %swap3A_938 = arith.constant 0 : index
    %swap3A_939 = tpu.vector_load %arg5[%swap3A_937, %swap3A_938] {strides = array<i32>} : memref<64x128xf32, #tpu.memory_space<vmem>>, vector<16xf32>,
    tpu.vector_store %arg5[%swap3A_937, %swap3A_938], %broadcast_in_dim3A_8 {strides = array<i32>} : memref<64x128xf32, #tpu.memory_space<vmem>>, vector<16xf32>,
    %swap3A_940 = arith.constant 29 : i32
    %swap3A_941 = arith.index_cast %swap3A_940 : i32 to index
    %swap3A_942 = arith.constant 16 : index
    %swap3A_943 = tpu.vector_load %arg5[%swap3A_941, %swap3A_942] {strides = array<i32>} : memref<64x128xf32, #tpu.memory_space<vmem>>, vector<16xf32>,
    tpu.vector_store %arg5[%swap3A_941, %swap3A_942], %broadcast_in_dim3A_8 {strides = array<i32>} : memref<64x128xf32, #tpu.memory_space<vmem>>, vector<16xf32>,
    %swap3A_944 = arith.constant 29 : i32
    %swap3A_945 = arith.index_cast %swap3A_944 : i32 to index
    %swap3A_946 = arith.constant 32 : index
    %swap3A_947 = tpu.vector_load %arg5[%swap3A_945, %swap3A_946] {strides = array<i32>} : memref<64x128xf32, #tpu.memory_space<vmem>>, vector<16xf32>,
    tpu.vector_store %arg5[%swap3A_945, %swap3A_946], %broadcast_in_dim3A_8 {strides = array<i32>} : memref<64x128xf32, #tpu.memory_space<vmem>>, vector<16xf32>,
    %swap3A_948 = arith.constant 29 : i32
    %swap3A_949 = arith.index_cast %swap3A_948 : i32 to index
    %swap3A_950 = arith.constant 48 : index
    %swap3A_951 = tpu.vector_load %arg5[%swap3A_949, %swap3A_950] {strides = array<i32>} : memref<64x128xf32, #tpu.memory_space<vmem>>, vector<16xf32>,
    tpu.vector_store %arg5[%swap3A_949, %swap3A_950], %broadcast_in_dim3A_8 {strides = array<i32>} : memref<64x128xf32, #tpu.memory_space<vmem>>, vector<16xf32>,
    %swap3A_952 = arith.constant 29 : i32
    %swap3A_953 = arith.index_cast %swap3A_952 : i32 to index
    %swap3A_954 = arith.constant 64 : index
    %swap3A_955 = tpu.vector_load %arg5[%swap3A_953, %swap3A_954] {strides = array<i32>} : memref<64x128xf32, #tpu.memory_space<vmem>>, vector<16xf32>,
    tpu.vector_store %arg5[%swap3A_953, %swap3A_954], %broadcast_in_dim3A_8 {strides = array<i32>} : memref<64x128xf32, #tpu.memory_space<vmem>>, vector<16xf32>,
    %swap3A_956 = arith.constant 29 : i32
    %swap3A_957 = arith.index_cast %swap3A_956 : i32 to index
    %swap3A_958 = arith.constant 80 : index
    %swap3A_959 = tpu.vector_load %arg5[%swap3A_957, %swap3A_958] {strides = array<i32>} : memref<64x128xf32, #tpu.memory_space<vmem>>, vector<16xf32>,
    tpu.vector_store %arg5[%swap3A_957, %swap3A_958], %broadcast_in_dim3A_8 {strides = array<i32>} : memref<64x128xf32, #tpu.memory_space<vmem>>, vector<16xf32>,
    %swap3A_960 = arith.constant 29 : i32
    %swap3A_961 = arith.index_cast %swap3A_960 : i32 to index
    %swap3A_962 = arith.constant 96 : index
    %swap3A_963 = tpu.vector_load %arg5[%swap3A_961, %swap3A_962] {strides = array<i32>} : memref<64x128xf32, #tpu.memory_space<vmem>>, vector<16xf32>,
    tpu.vector_store %arg5[%swap3A_961, %swap3A_962], %broadcast_in_dim3A_8 {strides = array<i32>} : memref<64x128xf32, #tpu.memory_space<vmem>>, vector<16xf32>,
    %swap3A_964 = arith.constant 29 : i32
    %swap3A_965 = arith.index_cast %swap3A_964 : i32 to index
    %swap3A_966 = arith.constant 112 : index
    %swap3A_967 = tpu.vector_load %arg5[%swap3A_965, %swap3A_966] {strides = array<i32>} : memref<64x128xf32, #tpu.memory_space<vmem>>, vector<16xf32>,
    tpu.vector_store %arg5[%swap3A_965, %swap3A_966], %broadcast_in_dim3A_8 {strides = array<i32>} : memref<64x128xf32, #tpu.memory_space<vmem>>, vector<16xf32>,
    %swap3A_968 = arith.constant 30 : i32
    %swap3A_969 = arith.index_cast %swap3A_968 : i32 to index
    %swap3A_970 = arith.constant 0 : index
    %swap3A_971 = tpu.vector_load %arg5[%swap3A_969, %swap3A_970] {strides = array<i32>} : memref<64x128xf32, #tpu.memory_space<vmem>>, vector<16xf32>,
    tpu.vector_store %arg5[%swap3A_969, %swap3A_970], %broadcast_in_dim3A_8 {strides = array<i32>} : memref<64x128xf32, #tpu.memory_space<vmem>>, vector<16xf32>,
    %swap3A_972 = arith.constant 30 : i32
    %swap3A_973 = arith.index_cast %swap3A_972 : i32 to index
    %swap3A_974 = arith.constant 16 : index
    %swap3A_975 = tpu.vector_load %arg5[%swap3A_973, %swap3A_974] {strides = array<i32>} : memref<64x128xf32, #tpu.memory_space<vmem>>, vector<16xf32>,
    tpu.vector_store %arg5[%swap3A_973, %swap3A_974], %broadcast_in_dim3A_8 {strides = array<i32>} : memref<64x128xf32, #tpu.memory_space<vmem>>, vector<16xf32>,
    %swap3A_976 = arith.constant 30 : i32
    %swap3A_977 = arith.index_cast %swap3A_976 : i32 to index
    %swap3A_978 = arith.constant 32 : index
    %swap3A_979 = tpu.vector_load %arg5[%swap3A_977, %swap3A_978] {strides = array<i32>} : memref<64x128xf32, #tpu.memory_space<vmem>>, vector<16xf32>,
    tpu.vector_store %arg5[%swap3A_977, %swap3A_978], %broadcast_in_dim3A_8 {strides = array<i32>} : memref<64x128xf32, #tpu.memory_space<vmem>>, vector<16xf32>,
    %swap3A_980 = arith.constant 30 : i32
    %swap3A_981 = arith.index_cast %swap3A_980 : i32 to index
    %swap3A_982 = arith.constant 48 : index
    %swap3A_983 = tpu.vector_load %arg5[%swap3A_981, %swap3A_982] {strides = array<i32>} : memref<64x128xf32, #tpu.memory_space<vmem>>, vector<16xf32>,
    tpu.vector_store %arg5[%swap3A_981, %swap3A_982], %broadcast_in_dim3A_8 {strides = array<i32>} : memref<64x128xf32, #tpu.memory_space<vmem>>, vector<16xf32>,
    %swap3A_984 = arith.constant 30 : i32
    %swap3A_985 = arith.index_cast %swap3A_984 : i32 to index
    %swap3A_986 = arith.constant 64 : index
    %swap3A_987 = tpu.vector_load %arg5[%swap3A_985, %swap3A_986] {strides = array<i32>} : memref<64x128xf32, #tpu.memory_space<vmem>>, vector<16xf32>,
    tpu.vector_store %arg5[%swap3A_985, %swap3A_986], %broadcast_in_dim3A_8 {strides = array<i32>} : memref<64x128xf32, #tpu.memory_space<vmem>>, vector<16xf32>,
    %swap3A_988 = arith.constant 30 : i32
    %swap3A_989 = arith.index_cast %swap3A_988 : i32 to index
    %swap3A_990 = arith.constant 80 : index
    %swap3A_991 = tpu.vector_load %arg5[%swap3A_989, %swap3A_990] {strides = array<i32>} : memref<64x128xf32, #tpu.memory_space<vmem>>, vector<16xf32>,
    tpu.vector_store %arg5[%swap3A_989, %swap3A_990], %broadcast_in_dim3A_8 {strides = array<i32>} : memref<64x128xf32, #tpu.memory_space<vmem>>, vector<16xf32>,
    %swap3A_992 = arith.constant 30 : i32
    %swap3A_993 = arith.index_cast %swap3A_992 : i32 to index
    %swap3A_994 = arith.constant 96 : index
    %swap3A_995 = tpu.vector_load %arg5[%swap3A_993, %swap3A_994] {strides = array<i32>} : memref<64x128xf32, #tpu.memory_space<vmem>>, vector<16xf32>,
    tpu.vector_store %arg5[%swap3A_993, %swap3A_994], %broadcast_in_dim3A_8 {strides = array<i32>} : memref<64x128xf32, #tpu.memory_space<vmem>>, vector<16xf32>,
    %swap3A_996 = arith.constant 30 : i32
    %swap3A_997 = arith.index_cast %swap3A_996 : i32 to index
    %swap3A_998 = arith.constant 112 : index
    %swap3A_999 = tpu.vector_load %arg5[%swap3A_997, %swap3A_998] {strides = array<i32>} : memref<64x128xf32, #tpu.memory_space<vmem>>, vector<16xf32>,
    tpu.vector_store %arg5[%swap3A_997, %swap3A_998], %broadcast_in_dim3A_8 {strides = array<i32>} : memref<64x128xf32, #tpu.memory_space<vmem>>, vector<16xf32>,
    %swap3A_1000 = arith.constant 31 : i32
    %swap3A_1001 = arith.index_cast %swap3A_1000 : i32 to index
    %swap3A_1002 = arith.constant 0 : index
    %swap3A_1003 = tpu.vector_load %arg5[%swap3A_1001, %swap3A_1002] {strides = array<i32>} : memref<64x128xf32, #tpu.memory_space<vmem>>, vector<16xf32>,
    tpu.vector_store %arg5[%swap3A_1001, %swap3A_1002], %broadcast_in_dim3A_8 {strides = array<i32>} : memref<64x128xf32, #tpu.memory_space<vmem>>, vector<16xf32>,
    %swap3A_1004 = arith.constant 31 : i32
    %swap3A_1005 = arith.index_cast %swap3A_1004 : i32 to index
    %swap3A_1006 = arith.constant 16 : index
    %swap3A_1007 = tpu.vector_load %arg5[%swap3A_1005, %swap3A_1006] {strides = array<i32>} : memref<64x128xf32, #tpu.memory_space<vmem>>, vector<16xf32>,
    tpu.vector_store %arg5[%swap3A_1005, %swap3A_1006], %broadcast_in_dim3A_8 {strides = array<i32>} : memref<64x128xf32, #tpu.memory_space<vmem>>, vector<16xf32>,
    %swap3A_1008 = arith.constant 31 : i32
    %swap3A_1009 = arith.index_cast %swap3A_1008 : i32 to index
    %swap3A_1010 = arith.constant 32 : index
    %swap3A_1011 = tpu.vector_load %arg5[%swap3A_1009, %swap3A_1010] {strides = array<i32>} : memref<64x128xf32, #tpu.memory_space<vmem>>, vector<16xf32>,
    tpu.vector_store %arg5[%swap3A_1009, %swap3A_1010], %broadcast_in_dim3A_8 {strides = array<i32>} : memref<64x128xf32, #tpu.memory_space<vmem>>, vector<16xf32>,
    %swap3A_1012 = arith.constant 31 : i32
    %swap3A_1013 = arith.index_cast %swap3A_1012 : i32 to index
    %swap3A_1014 = arith.constant 48 : index
    %swap3A_1015 = tpu.vector_load %arg5[%swap3A_1013, %swap3A_1014] {strides = array<i32>} : memref<64x128xf32, #tpu.memory_space<vmem>>, vector<16xf32>,
    tpu.vector_store %arg5[%swap3A_1013, %swap3A_1014], %broadcast_in_dim3A_8 {strides = array<i32>} : memref<64x128xf32, #tpu.memory_space<vmem>>, vector<16xf32>,
    %swap3A_1016 = arith.constant 31 : i32
    %swap3A_1017 = arith.index_cast %swap3A_1016 : i32 to index
    %swap3A_1018 = arith.constant 64 : index
    %swap3A_1019 = tpu.vector_load %arg5[%swap3A_1017, %swap3A_1018] {strides = array<i32>} : memref<64x128xf32, #tpu.memory_space<vmem>>, vector<16xf32>,
    tpu.vector_store %arg5[%swap3A_1017, %swap3A_1018], %broadcast_in_dim3A_8 {strides = array<i32>} : memref<64x128xf32, #tpu.memory_space<vmem>>, vector<16xf32>,
    %swap3A_1020 = arith.constant 31 : i32
    %swap3A_1021 = arith.index_cast %swap3A_1020 : i32 to index
    %swap3A_1022 = arith.constant 80 : index
    %swap3A_1023 = tpu.vector_load %arg5[%swap3A_1021, %swap3A_1022] {strides = array<i32>} : memref<64x128xf32, #tpu.memory_space<vmem>>, vector<16xf32>,
    tpu.vector_store %arg5[%swap3A_1021, %swap3A_1022], %broadcast_in_dim3A_8 {strides = array<i32>} : memref<64x128xf32, #tpu.memory_space<vmem>>, vector<16xf32>,
    %swap3A_1024 = arith.constant 31 : i32
    %swap3A_1025 = arith.index_cast %swap3A_1024 : i32 to index
    %swap3A_1026 = arith.constant 96 : index
    %swap3A_1027 = tpu.vector_load %arg5[%swap3A_1025, %swap3A_1026] {strides = array<i32>} : memref<64x128xf32, #tpu.memory_space<vmem>>, vector<16xf32>,
    tpu.vector_store %arg5[%swap3A_1025, %swap3A_1026], %broadcast_in_dim3A_8 {strides = array<i32>} : memref<64x128xf32, #tpu.memory_space<vmem>>, vector<16xf32>,
    %swap3A_1028 = arith.constant 31 : i32
    %swap3A_1029 = arith.index_cast %swap3A_1028 : i32 to index
    %swap3A_1030 = arith.constant 112 : index
    %swap3A_1031 = tpu.vector_load %arg5[%swap3A_1029, %swap3A_1030] {strides = array<i32>} : memref<64x128xf32, #tpu.memory_space<vmem>>, vector<16xf32>,
    tpu.vector_store %arg5[%swap3A_1029, %swap3A_1030], %broadcast_in_dim3A_8 {strides = array<i32>} : memref<64x128xf32, #tpu.memory_space<vmem>>, vector<16xf32>,
    %swap3A_1032 = arith.constant 32 : i32
    %swap3A_1033 = arith.index_cast %swap3A_1032 : i32 to index
    %swap3A_1034 = arith.constant 0 : index
    %swap3A_1035 = tpu.vector_load %arg5[%swap3A_1033, %swap3A_1034] {strides = array<i32>} : memref<64x128xf32, #tpu.memory_space<vmem>>, vector<16xf32>,
    tpu.vector_store %arg5[%swap3A_1033, %swap3A_1034], %broadcast_in_dim3A_8 {strides = array<i32>} : memref<64x128xf32, #tpu.memory_space<vmem>>, vector<16xf32>,
    %swap3A_1036 = arith.constant 32 : i32
    %swap3A_1037 = arith.index_cast %swap3A_1036 : i32 to index
    %swap3A_1038 = arith.constant 16 : index
    %swap3A_1039 = tpu.vector_load %arg5[%swap3A_1037, %swap3A_1038] {strides = array<i32>} : memref<64x128xf32, #tpu.memory_space<vmem>>, vector<16xf32>,
    tpu.vector_store %arg5[%swap3A_1037, %swap3A_1038], %broadcast_in_dim3A_8 {strides = array<i32>} : memref<64x128xf32, #tpu.memory_space<vmem>>, vector<16xf32>,
    %swap3A_1040 = arith.constant 32 : i32
    %swap3A_1041 = arith.index_cast %swap3A_1040 : i32 to index
    %swap3A_1042 = arith.constant 32 : index
    %swap3A_1043 = tpu.vector_load %arg5[%swap3A_1041, %swap3A_1042] {strides = array<i32>} : memref<64x128xf32, #tpu.memory_space<vmem>>, vector<16xf32>,
    tpu.vector_store %arg5[%swap3A_1041, %swap3A_1042], %broadcast_in_dim3A_8 {strides = array<i32>} : memref<64x128xf32, #tpu.memory_space<vmem>>, vector<16xf32>,
    %swap3A_1044 = arith.constant 32 : i32
    %swap3A_1045 = arith.index_cast %swap3A_1044 : i32 to index
    %swap3A_1046 = arith.constant 48 : index
    %swap3A_1047 = tpu.vector_load %arg5[%swap3A_1045, %swap3A_1046] {strides = array<i32>} : memref<64x128xf32, #tpu.memory_space<vmem>>, vector<16xf32>,
    tpu.vector_store %arg5[%swap3A_1045, %swap3A_1046], %broadcast_in_dim3A_8 {strides = array<i32>} : memref<64x128xf32, #tpu.memory_space<vmem>>, vector<16xf32>,
    %swap3A_1048 = arith.constant 32 : i32
    %swap3A_1049 = arith.index_cast %swap3A_1048 : i32 to index
    %swap3A_1050 = arith.constant 64 : index
    %swap3A_1051 = tpu.vector_load %arg5[%swap3A_1049, %swap3A_1050] {strides = array<i32>} : memref<64x128xf32, #tpu.memory_space<vmem>>, vector<16xf32>,
    tpu.vector_store %arg5[%swap3A_1049, %swap3A_1050], %broadcast_in_dim3A_8 {strides = array<i32>} : memref<64x128xf32, #tpu.memory_space<vmem>>, vector<16xf32>,
    %swap3A_1052 = arith.constant 32 : i32
    %swap3A_1053 = arith.index_cast %swap3A_1052 : i32 to index
    %swap3A_1054 = arith.constant 80 : index
    %swap3A_1055 = tpu.vector_load %arg5[%swap3A_1053, %swap3A_1054] {strides = array<i32>} : memref<64x128xf32, #tpu.memory_space<vmem>>, vector<16xf32>,
    tpu.vector_store %arg5[%swap3A_1053, %swap3A_1054], %broadcast_in_dim3A_8 {strides = array<i32>} : memref<64x128xf32, #tpu.memory_space<vmem>>, vector<16xf32>,
    %swap3A_1056 = arith.constant 32 : i32
    %swap3A_1057 = arith.index_cast %swap3A_1056 : i32 to index
    %swap3A_1058 = arith.constant 96 : index
    %swap3A_1059 = tpu.vector_load %arg5[%swap3A_1057, %swap3A_1058] {strides = array<i32>} : memref<64x128xf32, #tpu.memory_space<vmem>>, vector<16xf32>,
    tpu.vector_store %arg5[%swap3A_1057, %swap3A_1058], %broadcast_in_dim3A_8 {strides = array<i32>} : memref<64x128xf32, #tpu.memory_space<vmem>>, vector<16xf32>,
    %swap3A_1060 = arith.constant 32 : i32
    %swap3A_1061 = arith.index_cast %swap3A_1060 : i32 to index
    %swap3A_1062 = arith.constant 112 : index
    %swap3A_1063 = tpu.vector_load %arg5[%swap3A_1061, %swap3A_1062] {strides = array<i32>} : memref<64x128xf32, #tpu.memory_space<vmem>>, vector<16xf32>,
    tpu.vector_store %arg5[%swap3A_1061, %swap3A_1062], %broadcast_in_dim3A_8 {strides = array<i32>} : memref<64x128xf32, #tpu.memory_space<vmem>>, vector<16xf32>,
    %swap3A_1064 = arith.constant 33 : i32
    %swap3A_1065 = arith.index_cast %swap3A_1064 : i32 to index
    %swap3A_1066 = arith.constant 0 : index
    %swap3A_1067 = tpu.vector_load %arg5[%swap3A_1065, %swap3A_1066] {strides = array<i32>} : memref<64x128xf32, #tpu.memory_space<vmem>>, vector<16xf32>,
    tpu.vector_store %arg5[%swap3A_1065, %swap3A_1066], %broadcast_in_dim3A_8 {strides = array<i32>} : memref<64x128xf32, #tpu.memory_space<vmem>>, vector<16xf32>,
    %swap3A_1068 = arith.constant 33 : i32
    %swap3A_1069 = arith.index_cast %swap3A_1068 : i32 to index
    %swap3A_1070 = arith.constant 16 : index
    %swap3A_1071 = tpu.vector_load %arg5[%swap3A_1069, %swap3A_1070] {strides = array<i32>} : memref<64x128xf32, #tpu.memory_space<vmem>>, vector<16xf32>,
    tpu.vector_store %arg5[%swap3A_1069, %swap3A_1070], %broadcast_in_dim3A_8 {strides = array<i32>} : memref<64x128xf32, #tpu.memory_space<vmem>>, vector<16xf32>,
    %swap3A_1072 = arith.constant 33 : i32
    %swap3A_1073 = arith.index_cast %swap3A_1072 : i32 to index
    %swap3A_1074 = arith.constant 32 : index
    %swap3A_1075 = tpu.vector_load %arg5[%swap3A_1073, %swap3A_1074] {strides = array<i32>} : memref<64x128xf32, #tpu.memory_space<vmem>>, vector<16xf32>,
    tpu.vector_store %arg5[%swap3A_1073, %swap3A_1074], %broadcast_in_dim3A_8 {strides = array<i32>} : memref<64x128xf32, #tpu.memory_space<vmem>>, vector<16xf32>,
    %swap3A_1076 = arith.constant 33 : i32
    %swap3A_1077 = arith.index_cast %swap3A_1076 : i32 to index
    %swap3A_1078 = arith.constant 48 : index
    %swap3A_1079 = tpu.vector_load %arg5[%swap3A_1077, %swap3A_1078] {strides = array<i32>} : memref<64x128xf32, #tpu.memory_space<vmem>>, vector<16xf32>,
    tpu.vector_store %arg5[%swap3A_1077, %swap3A_1078], %broadcast_in_dim3A_8 {strides = array<i32>} : memref<64x128xf32, #tpu.memory_space<vmem>>, vector<16xf32>,
    %swap3A_1080 = arith.constant 33 : i32
    %swap3A_1081 = arith.index_cast %swap3A_1080 : i32 to index
    %swap3A_1082 = arith.constant 64 : index
    %swap3A_1083 = tpu.vector_load %arg5[%swap3A_1081, %swap3A_1082] {strides = array<i32>} : memref<64x128xf32, #tpu.memory_space<vmem>>, vector<16xf32>,
    tpu.vector_store %arg5[%swap3A_1081, %swap3A_1082], %broadcast_in_dim3A_8 {strides = array<i32>} : memref<64x128xf32, #tpu.memory_space<vmem>>, vector<16xf32>,
    %swap3A_1084 = arith.constant 33 : i32
    %swap3A_1085 = arith.index_cast %swap3A_1084 : i32 to index
    %swap3A_1086 = arith.constant 80 : index
    %swap3A_1087 = tpu.vector_load %arg5[%swap3A_1085, %swap3A_1086] {strides = array<i32>} : memref<64x128xf32, #tpu.memory_space<vmem>>, vector<16xf32>,
    tpu.vector_store %arg5[%swap3A_1085, %swap3A_1086], %broadcast_in_dim3A_8 {strides = array<i32>} : memref<64x128xf32, #tpu.memory_space<vmem>>, vector<16xf32>,
    %swap3A_1088 = arith.constant 33 : i32
    %swap3A_1089 = arith.index_cast %swap3A_1088 : i32 to index
    %swap3A_1090 = arith.constant 96 : index
    %swap3A_1091 = tpu.vector_load %arg5[%swap3A_1089, %swap3A_1090] {strides = array<i32>} : memref<64x128xf32, #tpu.memory_space<vmem>>, vector<16xf32>,
    tpu.vector_store %arg5[%swap3A_1089, %swap3A_1090], %broadcast_in_dim3A_8 {strides = array<i32>} : memref<64x128xf32, #tpu.memory_space<vmem>>, vector<16xf32>,
    %swap3A_1092 = arith.constant 33 : i32
    %swap3A_1093 = arith.index_cast %swap3A_1092 : i32 to index
    %swap3A_1094 = arith.constant 112 : index
    %swap3A_1095 = tpu.vector_load %arg5[%swap3A_1093, %swap3A_1094] {strides = array<i32>} : memref<64x128xf32, #tpu.memory_space<vmem>>, vector<16xf32>,
    tpu.vector_store %arg5[%swap3A_1093, %swap3A_1094], %broadcast_in_dim3A_8 {strides = array<i32>} : memref<64x128xf32, #tpu.memory_space<vmem>>, vector<16xf32>,
    %swap3A_1096 = arith.constant 34 : i32
    %swap3A_1097 = arith.index_cast %swap3A_1096 : i32 to index
    %swap3A_1098 = arith.constant 0 : index
    %swap3A_1099 = tpu.vector_load %arg5[%swap3A_1097, %swap3A_1098] {strides = array<i32>} : memref<64x128xf32, #tpu.memory_space<vmem>>, vector<16xf32>,
    tpu.vector_store %arg5[%swap3A_1097, %swap3A_1098], %broadcast_in_dim3A_8 {strides = array<i32>} : memref<64x128xf32, #tpu.memory_space<vmem>>, vector<16xf32>,
    %swap3A_1100 = arith.constant 34 : i32
    %swap3A_1101 = arith.index_cast %swap3A_1100 : i32 to index
    %swap3A_1102 = arith.constant 16 : index
    %swap3A_1103 = tpu.vector_load %arg5[%swap3A_1101, %swap3A_1102] {strides = array<i32>} : memref<64x128xf32, #tpu.memory_space<vmem>>, vector<16xf32>,
    tpu.vector_store %arg5[%swap3A_1101, %swap3A_1102], %broadcast_in_dim3A_8 {strides = array<i32>} : memref<64x128xf32, #tpu.memory_space<vmem>>, vector<16xf32>,
    %swap3A_1104 = arith.constant 34 : i32
    %swap3A_1105 = arith.index_cast %swap3A_1104 : i32 to index
    %swap3A_1106 = arith.constant 32 : index
    %swap3A_1107 = tpu.vector_load %arg5[%swap3A_1105, %swap3A_1106] {strides = array<i32>} : memref<64x128xf32, #tpu.memory_space<vmem>>, vector<16xf32>,
    tpu.vector_store %arg5[%swap3A_1105, %swap3A_1106], %broadcast_in_dim3A_8 {strides = array<i32>} : memref<64x128xf32, #tpu.memory_space<vmem>>, vector<16xf32>,
    %swap3A_1108 = arith.constant 34 : i32
    %swap3A_1109 = arith.index_cast %swap3A_1108 : i32 to index
    %swap3A_1110 = arith.constant 48 : index
    %swap3A_1111 = tpu.vector_load %arg5[%swap3A_1109, %swap3A_1110] {strides = array<i32>} : memref<64x128xf32, #tpu.memory_space<vmem>>, vector<16xf32>,
    tpu.vector_store %arg5[%swap3A_1109, %swap3A_1110], %broadcast_in_dim3A_8 {strides = array<i32>} : memref<64x128xf32, #tpu.memory_space<vmem>>, vector<16xf32>,
    %swap3A_1112 = arith.constant 34 : i32
    %swap3A_1113 = arith.index_cast %swap3A_1112 : i32 to index
    %swap3A_1114 = arith.constant 64 : index
    %swap3A_1115 = tpu.vector_load %arg5[%swap3A_1113, %swap3A_1114] {strides = array<i32>} : memref<64x128xf32, #tpu.memory_space<vmem>>, vector<16xf32>,
    tpu.vector_store %arg5[%swap3A_1113, %swap3A_1114], %broadcast_in_dim3A_8 {strides = array<i32>} : memref<64x128xf32, #tpu.memory_space<vmem>>, vector<16xf32>,
    %swap3A_1116 = arith.constant 34 : i32
    %swap3A_1117 = arith.index_cast %swap3A_1116 : i32 to index
    %swap3A_1118 = arith.constant 80 : index
    %swap3A_1119 = tpu.vector_load %arg5[%swap3A_1117, %swap3A_1118] {strides = array<i32>} : memref<64x128xf32, #tpu.memory_space<vmem>>, vector<16xf32>,
    tpu.vector_store %arg5[%swap3A_1117, %swap3A_1118], %broadcast_in_dim3A_8 {strides = array<i32>} : memref<64x128xf32, #tpu.memory_space<vmem>>, vector<16xf32>,
    %swap3A_1120 = arith.constant 34 : i32
    %swap3A_1121 = arith.index_cast %swap3A_1120 : i32 to index
    %swap3A_1122 = arith.constant 96 : index
    %swap3A_1123 = tpu.vector_load %arg5[%swap3A_1121, %swap3A_1122] {strides = array<i32>} : memref<64x128xf32, #tpu.memory_space<vmem>>, vector<16xf32>,
    tpu.vector_store %arg5[%swap3A_1121, %swap3A_1122], %broadcast_in_dim3A_8 {strides = array<i32>} : memref<64x128xf32, #tpu.memory_space<vmem>>, vector<16xf32>,
    %swap3A_1124 = arith.constant 34 : i32
    %swap3A_1125 = arith.index_cast %swap3A_1124 : i32 to index
    %swap3A_1126 = arith.constant 112 : index
    %swap3A_1127 = tpu.vector_load %arg5[%swap3A_1125, %swap3A_1126] {strides = array<i32>} : memref<64x128xf32, #tpu.memory_space<vmem>>, vector<16xf32>,
    tpu.vector_store %arg5[%swap3A_1125, %swap3A_1126], %broadcast_in_dim3A_8 {strides = array<i32>} : memref<64x128xf32, #tpu.memory_space<vmem>>, vector<16xf32>,
    %swap3A_1128 = arith.constant 35 : i32
    %swap3A_1129 = arith.index_cast %swap3A_1128 : i32 to index
    %swap3A_1130 = arith.constant 0 : index
    %swap3A_1131 = tpu.vector_load %arg5[%swap3A_1129, %swap3A_1130] {strides = array<i32>} : memref<64x128xf32, #tpu.memory_space<vmem>>, vector<16xf32>,
    tpu.vector_store %arg5[%swap3A_1129, %swap3A_1130], %broadcast_in_dim3A_8 {strides = array<i32>} : memref<64x128xf32, #tpu.memory_space<vmem>>, vector<16xf32>,
    %swap3A_1132 = arith.constant 35 : i32
    %swap3A_1133 = arith.index_cast %swap3A_1132 : i32 to index
    %swap3A_1134 = arith.constant 16 : index
    %swap3A_1135 = tpu.vector_load %arg5[%swap3A_1133, %swap3A_1134] {strides = array<i32>} : memref<64x128xf32, #tpu.memory_space<vmem>>, vector<16xf32>,
    tpu.vector_store %arg5[%swap3A_1133, %swap3A_1134], %broadcast_in_dim3A_8 {strides = array<i32>} : memref<64x128xf32, #tpu.memory_space<vmem>>, vector<16xf32>,
    %swap3A_1136 = arith.constant 35 : i32
    %swap3A_1137 = arith.index_cast %swap3A_1136 : i32 to index
    %swap3A_1138 = arith.constant 32 : index
    %swap3A_1139 = tpu.vector_load %arg5[%swap3A_1137, %swap3A_1138] {strides = array<i32>} : memref<64x128xf32, #tpu.memory_space<vmem>>, vector<16xf32>,
    tpu.vector_store %arg5[%swap3A_1137, %swap3A_1138], %broadcast_in_dim3A_8 {strides = array<i32>} : memref<64x128xf32, #tpu.memory_space<vmem>>, vector<16xf32>,
    %swap3A_1140 = arith.constant 35 : i32
    %swap3A_1141 = arith.index_cast %swap3A_1140 : i32 to index
    %swap3A_1142 = arith.constant 48 : index
    %swap3A_1143 = tpu.vector_load %arg5[%swap3A_1141, %swap3A_1142] {strides = array<i32>} : memref<64x128xf32, #tpu.memory_space<vmem>>, vector<16xf32>,
    tpu.vector_store %arg5[%swap3A_1141, %swap3A_1142], %broadcast_in_dim3A_8 {strides = array<i32>} : memref<64x128xf32, #tpu.memory_space<vmem>>, vector<16xf32>,
    %swap3A_1144 = arith.constant 35 : i32
    %swap3A_1145 = arith.index_cast %swap3A_1144 : i32 to index
    %swap3A_1146 = arith.constant 64 : index
    %swap3A_1147 = tpu.vector_load %arg5[%swap3A_1145, %swap3A_1146] {strides = array<i32>} : memref<64x128xf32, #tpu.memory_space<vmem>>, vector<16xf32>,
    tpu.vector_store %arg5[%swap3A_1145, %swap3A_1146], %broadcast_in_dim3A_8 {strides = array<i32>} : memref<64x128xf32, #tpu.memory_space<vmem>>, vector<16xf32>,
    %swap3A_1148 = arith.constant 35 : i32
    %swap3A_1149 = arith.index_cast %swap3A_1148 : i32 to index
    %swap3A_1150 = arith.constant 80 : index
    %swap3A_1151 = tpu.vector_load %arg5[%swap3A_1149, %swap3A_1150] {strides = array<i32>} : memref<64x128xf32, #tpu.memory_space<vmem>>, vector<16xf32>,
    tpu.vector_store %arg5[%swap3A_1149, %swap3A_1150], %broadcast_in_dim3A_8 {strides = array<i32>} : memref<64x128xf32, #tpu.memory_space<vmem>>, vector<16xf32>,
    %swap3A_1152 = arith.constant 35 : i32
    %swap3A_1153 = arith.index_cast %swap3A_1152 : i32 to index
    %swap3A_1154 = arith.constant 96 : index
    %swap3A_1155 = tpu.vector_load %arg5[%swap3A_1153, %swap3A_1154] {strides = array<i32>} : memref<64x128xf32, #tpu.memory_space<vmem>>, vector<16xf32>,
    tpu.vector_store %arg5[%swap3A_1153, %swap3A_1154], %broadcast_in_dim3A_8 {strides = array<i32>} : memref<64x128xf32, #tpu.memory_space<vmem>>, vector<16xf32>,
    %swap3A_1156 = arith.constant 35 : i32
    %swap3A_1157 = arith.index_cast %swap3A_1156 : i32 to index
    %swap3A_1158 = arith.constant 112 : index
    %swap3A_1159 = tpu.vector_load %arg5[%swap3A_1157, %swap3A_1158] {strides = array<i32>} : memref<64x128xf32, #tpu.memory_space<vmem>>, vector<16xf32>,
    tpu.vector_store %arg5[%swap3A_1157, %swap3A_1158], %broadcast_in_dim3A_8 {strides = array<i32>} : memref<64x128xf32, #tpu.memory_space<vmem>>, vector<16xf32>,
    %swap3A_1160 = arith.constant 36 : i32
    %swap3A_1161 = arith.index_cast %swap3A_1160 : i32 to index
    %swap3A_1162 = arith.constant 0 : index
    %swap3A_1163 = tpu.vector_load %arg5[%swap3A_1161, %swap3A_1162] {strides = array<i32>} : memref<64x128xf32, #tpu.memory_space<vmem>>, vector<16xf32>,
    tpu.vector_store %arg5[%swap3A_1161, %swap3A_1162], %broadcast_in_dim3A_8 {strides = array<i32>} : memref<64x128xf32, #tpu.memory_space<vmem>>, vector<16xf32>,
    %swap3A_1164 = arith.constant 36 : i32
    %swap3A_1165 = arith.index_cast %swap3A_1164 : i32 to index
    %swap3A_1166 = arith.constant 16 : index
    %swap3A_1167 = tpu.vector_load %arg5[%swap3A_1165, %swap3A_1166] {strides = array<i32>} : memref<64x128xf32, #tpu.memory_space<vmem>>, vector<16xf32>,
    tpu.vector_store %arg5[%swap3A_1165, %swap3A_1166], %broadcast_in_dim3A_8 {strides = array<i32>} : memref<64x128xf32, #tpu.memory_space<vmem>>, vector<16xf32>,
    %swap3A_1168 = arith.constant 36 : i32
    %swap3A_1169 = arith.index_cast %swap3A_1168 : i32 to index
    %swap3A_1170 = arith.constant 32 : index
    %swap3A_1171 = tpu.vector_load %arg5[%swap3A_1169, %swap3A_1170] {strides = array<i32>} : memref<64x128xf32, #tpu.memory_space<vmem>>, vector<16xf32>,
    tpu.vector_store %arg5[%swap3A_1169, %swap3A_1170], %broadcast_in_dim3A_8 {strides = array<i32>} : memref<64x128xf32, #tpu.memory_space<vmem>>, vector<16xf32>,
    %swap3A_1172 = arith.constant 36 : i32
    %swap3A_1173 = arith.index_cast %swap3A_1172 : i32 to index
    %swap3A_1174 = arith.constant 48 : index
    %swap3A_1175 = tpu.vector_load %arg5[%swap3A_1173, %swap3A_1174] {strides = array<i32>} : memref<64x128xf32, #tpu.memory_space<vmem>>, vector<16xf32>,
    tpu.vector_store %arg5[%swap3A_1173, %swap3A_1174], %broadcast_in_dim3A_8 {strides = array<i32>} : memref<64x128xf32, #tpu.memory_space<vmem>>, vector<16xf32>,
    %swap3A_1176 = arith.constant 36 : i32
    %swap3A_1177 = arith.index_cast %swap3A_1176 : i32 to index
    %swap3A_1178 = arith.constant 64 : index
    %swap3A_1179 = tpu.vector_load %arg5[%swap3A_1177, %swap3A_1178] {strides = array<i32>} : memref<64x128xf32, #tpu.memory_space<vmem>>, vector<16xf32>,
    tpu.vector_store %arg5[%swap3A_1177, %swap3A_1178], %broadcast_in_dim3A_8 {strides = array<i32>} : memref<64x128xf32, #tpu.memory_space<vmem>>, vector<16xf32>,
    %swap3A_1180 = arith.constant 36 : i32
    %swap3A_1181 = arith.index_cast %swap3A_1180 : i32 to index
    %swap3A_1182 = arith.constant 80 : index
    %swap3A_1183 = tpu.vector_load %arg5[%swap3A_1181, %swap3A_1182] {strides = array<i32>} : memref<64x128xf32, #tpu.memory_space<vmem>>, vector<16xf32>,
    tpu.vector_store %arg5[%swap3A_1181, %swap3A_1182], %broadcast_in_dim3A_8 {strides = array<i32>} : memref<64x128xf32, #tpu.memory_space<vmem>>, vector<16xf32>,
    %swap3A_1184 = arith.constant 36 : i32
    %swap3A_1185 = arith.index_cast %swap3A_1184 : i32 to index
    %swap3A_1186 = arith.constant 96 : index
    %swap3A_1187 = tpu.vector_load %arg5[%swap3A_1185, %swap3A_1186] {strides = array<i32>} : memref<64x128xf32, #tpu.memory_space<vmem>>, vector<16xf32>,
    tpu.vector_store %arg5[%swap3A_1185, %swap3A_1186], %broadcast_in_dim3A_8 {strides = array<i32>} : memref<64x128xf32, #tpu.memory_space<vmem>>, vector<16xf32>,
    %swap3A_1188 = arith.constant 36 : i32
    %swap3A_1189 = arith.index_cast %swap3A_1188 : i32 to index
    %swap3A_1190 = arith.constant 112 : index
    %swap3A_1191 = tpu.vector_load %arg5[%swap3A_1189, %swap3A_1190] {strides = array<i32>} : memref<64x128xf32, #tpu.memory_space<vmem>>, vector<16xf32>,
    tpu.vector_store %arg5[%swap3A_1189, %swap3A_1190], %broadcast_in_dim3A_8 {strides = array<i32>} : memref<64x128xf32, #tpu.memory_space<vmem>>, vector<16xf32>,
    %swap3A_1192 = arith.constant 37 : i32
    %swap3A_1193 = arith.index_cast %swap3A_1192 : i32 to index
    %swap3A_1194 = arith.constant 0 : index
    %swap3A_1195 = tpu.vector_load %arg5[%swap3A_1193, %swap3A_1194] {strides = array<i32>} : memref<64x128xf32, #tpu.memory_space<vmem>>, vector<16xf32>,
    tpu.vector_store %arg5[%swap3A_1193, %swap3A_1194], %broadcast_in_dim3A_8 {strides = array<i32>} : memref<64x128xf32, #tpu.memory_space<vmem>>, vector<16xf32>,
    %swap3A_1196 = arith.constant 37 : i32
    %swap3A_1197 = arith.index_cast %swap3A_1196 : i32 to index
    %swap3A_1198 = arith.constant 16 : index
    %swap3A_1199 = tpu.vector_load %arg5[%swap3A_1197, %swap3A_1198] {strides = array<i32>} : memref<64x128xf32, #tpu.memory_space<vmem>>, vector<16xf32>,
    tpu.vector_store %arg5[%swap3A_1197, %swap3A_1198], %broadcast_in_dim3A_8 {strides = array<i32>} : memref<64x128xf32, #tpu.memory_space<vmem>>, vector<16xf32>,
    %swap3A_1200 = arith.constant 37 : i32
    %swap3A_1201 = arith.index_cast %swap3A_1200 : i32 to index
    %swap3A_1202 = arith.constant 32 : index
    %swap3A_1203 = tpu.vector_load %arg5[%swap3A_1201, %swap3A_1202] {strides = array<i32>} : memref<64x128xf32, #tpu.memory_space<vmem>>, vector<16xf32>,
    tpu.vector_store %arg5[%swap3A_1201, %swap3A_1202], %broadcast_in_dim3A_8 {strides = array<i32>} : memref<64x128xf32, #tpu.memory_space<vmem>>, vector<16xf32>,
    %swap3A_1204 = arith.constant 37 : i32
    %swap3A_1205 = arith.index_cast %swap3A_1204 : i32 to index
    %swap3A_1206 = arith.constant 48 : index
    %swap3A_1207 = tpu.vector_load %arg5[%swap3A_1205, %swap3A_1206] {strides = array<i32>} : memref<64x128xf32, #tpu.memory_space<vmem>>, vector<16xf32>,
    tpu.vector_store %arg5[%swap3A_1205, %swap3A_1206], %broadcast_in_dim3A_8 {strides = array<i32>} : memref<64x128xf32, #tpu.memory_space<vmem>>, vector<16xf32>,
    %swap3A_1208 = arith.constant 37 : i32
    %swap3A_1209 = arith.index_cast %swap3A_1208 : i32 to index
    %swap3A_1210 = arith.constant 64 : index
    %swap3A_1211 = tpu.vector_load %arg5[%swap3A_1209, %swap3A_1210] {strides = array<i32>} : memref<64x128xf32, #tpu.memory_space<vmem>>, vector<16xf32>,
    tpu.vector_store %arg5[%swap3A_1209, %swap3A_1210], %broadcast_in_dim3A_8 {strides = array<i32>} : memref<64x128xf32, #tpu.memory_space<vmem>>, vector<16xf32>,
    %swap3A_1212 = arith.constant 37 : i32
    %swap3A_1213 = arith.index_cast %swap3A_1212 : i32 to index
    %swap3A_1214 = arith.constant 80 : index
    %swap3A_1215 = tpu.vector_load %arg5[%swap3A_1213, %swap3A_1214] {strides = array<i32>} : memref<64x128xf32, #tpu.memory_space<vmem>>, vector<16xf32>,
    tpu.vector_store %arg5[%swap3A_1213, %swap3A_1214], %broadcast_in_dim3A_8 {strides = array<i32>} : memref<64x128xf32, #tpu.memory_space<vmem>>, vector<16xf32>,
    %swap3A_1216 = arith.constant 37 : i32
    %swap3A_1217 = arith.index_cast %swap3A_1216 : i32 to index
    %swap3A_1218 = arith.constant 96 : index
    %swap3A_1219 = tpu.vector_load %arg5[%swap3A_1217, %swap3A_1218] {strides = array<i32>} : memref<64x128xf32, #tpu.memory_space<vmem>>, vector<16xf32>,
    tpu.vector_store %arg5[%swap3A_1217, %swap3A_1218], %broadcast_in_dim3A_8 {strides = array<i32>} : memref<64x128xf32, #tpu.memory_space<vmem>>, vector<16xf32>,
    %swap3A_1220 = arith.constant 37 : i32
    %swap3A_1221 = arith.index_cast %swap3A_1220 : i32 to index
    %swap3A_1222 = arith.constant 112 : index
    %swap3A_1223 = tpu.vector_load %arg5[%swap3A_1221, %swap3A_1222] {strides = array<i32>} : memref<64x128xf32, #tpu.memory_space<vmem>>, vector<16xf32>,
    tpu.vector_store %arg5[%swap3A_1221, %swap3A_1222], %broadcast_in_dim3A_8 {strides = array<i32>} : memref<64x128xf32, #tpu.memory_space<vmem>>, vector<16xf32>,
    %swap3A_1224 = arith.constant 38 : i32
    %swap3A_1225 = arith.index_cast %swap3A_1224 : i32 to index
    %swap3A_1226 = arith.constant 0 : index
    %swap3A_1227 = tpu.vector_load %arg5[%swap3A_1225, %swap3A_1226] {strides = array<i32>} : memref<64x128xf32, #tpu.memory_space<vmem>>, vector<16xf32>,
    tpu.vector_store %arg5[%swap3A_1225, %swap3A_1226], %broadcast_in_dim3A_8 {strides = array<i32>} : memref<64x128xf32, #tpu.memory_space<vmem>>, vector<16xf32>,
    %swap3A_1228 = arith.constant 38 : i32
    %swap3A_1229 = arith.index_cast %swap3A_1228 : i32 to index
    %swap3A_1230 = arith.constant 16 : index
    %swap3A_1231 = tpu.vector_load %arg5[%swap3A_1229, %swap3A_1230] {strides = array<i32>} : memref<64x128xf32, #tpu.memory_space<vmem>>, vector<16xf32>,
    tpu.vector_store %arg5[%swap3A_1229, %swap3A_1230], %broadcast_in_dim3A_8 {strides = array<i32>} : memref<64x128xf32, #tpu.memory_space<vmem>>, vector<16xf32>,
    %swap3A_1232 = arith.constant 38 : i32
    %swap3A_1233 = arith.index_cast %swap3A_1232 : i32 to index
    %swap3A_1234 = arith.constant 32 : index
    %swap3A_1235 = tpu.vector_load %arg5[%swap3A_1233, %swap3A_1234] {strides = array<i32>} : memref<64x128xf32, #tpu.memory_space<vmem>>, vector<16xf32>,
    tpu.vector_store %arg5[%swap3A_1233, %swap3A_1234], %broadcast_in_dim3A_8 {strides = array<i32>} : memref<64x128xf32, #tpu.memory_space<vmem>>, vector<16xf32>,
    %swap3A_1236 = arith.constant 38 : i32
    %swap3A_1237 = arith.index_cast %swap3A_1236 : i32 to index
    %swap3A_1238 = arith.constant 48 : index
    %swap3A_1239 = tpu.vector_load %arg5[%swap3A_1237, %swap3A_1238] {strides = array<i32>} : memref<64x128xf32, #tpu.memory_space<vmem>>, vector<16xf32>,
    tpu.vector_store %arg5[%swap3A_1237, %swap3A_1238], %broadcast_in_dim3A_8 {strides = array<i32>} : memref<64x128xf32, #tpu.memory_space<vmem>>, vector<16xf32>,
    %swap3A_1240 = arith.constant 38 : i32
    %swap3A_1241 = arith.index_cast %swap3A_1240 : i32 to index
    %swap3A_1242 = arith.constant 64 : index
    %swap3A_1243 = tpu.vector_load %arg5[%swap3A_1241, %swap3A_1242] {strides = array<i32>} : memref<64x128xf32, #tpu.memory_space<vmem>>, vector<16xf32>,
    tpu.vector_store %arg5[%swap3A_1241, %swap3A_1242], %broadcast_in_dim3A_8 {strides = array<i32>} : memref<64x128xf32, #tpu.memory_space<vmem>>, vector<16xf32>,
    %swap3A_1244 = arith.constant 38 : i32
    %swap3A_1245 = arith.index_cast %swap3A_1244 : i32 to index
    %swap3A_1246 = arith.constant 80 : index
    %swap3A_1247 = tpu.vector_load %arg5[%swap3A_1245, %swap3A_1246] {strides = array<i32>} : memref<64x128xf32, #tpu.memory_space<vmem>>, vector<16xf32>,
    tpu.vector_store %arg5[%swap3A_1245, %swap3A_1246], %broadcast_in_dim3A_8 {strides = array<i32>} : memref<64x128xf32, #tpu.memory_space<vmem>>, vector<16xf32>,
    %swap3A_1248 = arith.constant 38 : i32
    %swap3A_1249 = arith.index_cast %swap3A_1248 : i32 to index
    %swap3A_1250 = arith.constant 96 : index
    %swap3A_1251 = tpu.vector_load %arg5[%swap3A_1249, %swap3A_1250] {strides = array<i32>} : memref<64x128xf32, #tpu.memory_space<vmem>>, vector<16xf32>,
    tpu.vector_store %arg5[%swap3A_1249, %swap3A_1250], %broadcast_in_dim3A_8 {strides = array<i32>} : memref<64x128xf32, #tpu.memory_space<vmem>>, vector<16xf32>,
    %swap3A_1252 = arith.constant 38 : i32
    %swap3A_1253 = arith.index_cast %swap3A_1252 : i32 to index
    %swap3A_1254 = arith.constant 112 : index
    %swap3A_1255 = tpu.vector_load %arg5[%swap3A_1253, %swap3A_1254] {strides = array<i32>} : memref<64x128xf32, #tpu.memory_space<vmem>>, vector<16xf32>,
    tpu.vector_store %arg5[%swap3A_1253, %swap3A_1254], %broadcast_in_dim3A_8 {strides = array<i32>} : memref<64x128xf32, #tpu.memory_space<vmem>>, vector<16xf32>,
    %swap3A_1256 = arith.constant 39 : i32
    %swap3A_1257 = arith.index_cast %swap3A_1256 : i32 to index
    %swap3A_1258 = arith.constant 0 : index
    %swap3A_1259 = tpu.vector_load %arg5[%swap3A_1257, %swap3A_1258] {strides = array<i32>} : memref<64x128xf32, #tpu.memory_space<vmem>>, vector<16xf32>,
    tpu.vector_store %arg5[%swap3A_1257, %swap3A_1258], %broadcast_in_dim3A_8 {strides = array<i32>} : memref<64x128xf32, #tpu.memory_space<vmem>>, vector<16xf32>,
    %swap3A_1260 = arith.constant 39 : i32
    %swap3A_1261 = arith.index_cast %swap3A_1260 : i32 to index
    %swap3A_1262 = arith.constant 16 : index
    %swap3A_1263 = tpu.vector_load %arg5[%swap3A_1261, %swap3A_1262] {strides = array<i32>} : memref<64x128xf32, #tpu.memory_space<vmem>>, vector<16xf32>,
    tpu.vector_store %arg5[%swap3A_1261, %swap3A_1262], %broadcast_in_dim3A_8 {strides = array<i32>} : memref<64x128xf32, #tpu.memory_space<vmem>>, vector<16xf32>,
    %swap3A_1264 = arith.constant 39 : i32
    %swap3A_1265 = arith.index_cast %swap3A_1264 : i32 to index
    %swap3A_1266 = arith.constant 32 : index
    %swap3A_1267 = tpu.vector_load %arg5[%swap3A_1265, %swap3A_1266] {strides = array<i32>} : memref<64x128xf32, #tpu.memory_space<vmem>>, vector<16xf32>,
    tpu.vector_store %arg5[%swap3A_1265, %swap3A_1266], %broadcast_in_dim3A_8 {strides = array<i32>} : memref<64x128xf32, #tpu.memory_space<vmem>>, vector<16xf32>,
    %swap3A_1268 = arith.constant 39 : i32
    %swap3A_1269 = arith.index_cast %swap3A_1268 : i32 to index
    %swap3A_1270 = arith.constant 48 : index
    %swap3A_1271 = tpu.vector_load %arg5[%swap3A_1269, %swap3A_1270] {strides = array<i32>} : memref<64x128xf32, #tpu.memory_space<vmem>>, vector<16xf32>,
    tpu.vector_store %arg5[%swap3A_1269, %swap3A_1270], %broadcast_in_dim3A_8 {strides = array<i32>} : memref<64x128xf32, #tpu.memory_space<vmem>>, vector<16xf32>,
    %swap3A_1272 = arith.constant 39 : i32
    %swap3A_1273 = arith.index_cast %swap3A_1272 : i32 to index
    %swap3A_1274 = arith.constant 64 : index
    %swap3A_1275 = tpu.vector_load %arg5[%swap3A_1273, %swap3A_1274] {strides = array<i32>} : memref<64x128xf32, #tpu.memory_space<vmem>>, vector<16xf32>,
    tpu.vector_store %arg5[%swap3A_1273, %swap3A_1274], %broadcast_in_dim3A_8 {strides = array<i32>} : memref<64x128xf32, #tpu.memory_space<vmem>>, vector<16xf32>,
    %swap3A_1276 = arith.constant 39 : i32
    %swap3A_1277 = arith.index_cast %swap3A_1276 : i32 to index
    %swap3A_1278 = arith.constant 80 : index
    %swap3A_1279 = tpu.vector_load %arg5[%swap3A_1277, %swap3A_1278] {strides = array<i32>} : memref<64x128xf32, #tpu.memory_space<vmem>>, vector<16xf32>,
    tpu.vector_store %arg5[%swap3A_1277, %swap3A_1278], %broadcast_in_dim3A_8 {strides = array<i32>} : memref<64x128xf32, #tpu.memory_space<vmem>>, vector<16xf32>,
    %swap3A_1280 = arith.constant 39 : i32
    %swap3A_1281 = arith.index_cast %swap3A_1280 : i32 to index
    %swap3A_1282 = arith.constant 96 : index
    %swap3A_1283 = tpu.vector_load %arg5[%swap3A_1281, %swap3A_1282] {strides = array<i32>} : memref<64x128xf32, #tpu.memory_space<vmem>>, vector<16xf32>,
    tpu.vector_store %arg5[%swap3A_1281, %swap3A_1282], %broadcast_in_dim3A_8 {strides = array<i32>} : memref<64x128xf32, #tpu.memory_space<vmem>>, vector<16xf32>,
    %swap3A_1284 = arith.constant 39 : i32
    %swap3A_1285 = arith.index_cast %swap3A_1284 : i32 to index
    %swap3A_1286 = arith.constant 112 : index
    %swap3A_1287 = tpu.vector_load %arg5[%swap3A_1285, %swap3A_1286] {strides = array<i32>} : memref<64x128xf32, #tpu.memory_space<vmem>>, vector<16xf32>,
    tpu.vector_store %arg5[%swap3A_1285, %swap3A_1286], %broadcast_in_dim3A_8 {strides = array<i32>} : memref<64x128xf32, #tpu.memory_space<vmem>>, vector<16xf32>,
    %swap3A_1288 = arith.constant 40 : i32
    %swap3A_1289 = arith.index_cast %swap3A_1288 : i32 to index
    %swap3A_1290 = arith.constant 0 : index
    %swap3A_1291 = tpu.vector_load %arg5[%swap3A_1289, %swap3A_1290] {strides = array<i32>} : memref<64x128xf32, #tpu.memory_space<vmem>>, vector<16xf32>,
    tpu.vector_store %arg5[%swap3A_1289, %swap3A_1290], %broadcast_in_dim3A_8 {strides = array<i32>} : memref<64x128xf32, #tpu.memory_space<vmem>>, vector<16xf32>,
    %swap3A_1292 = arith.constant 40 : i32
    %swap3A_1293 = arith.index_cast %swap3A_1292 : i32 to index
    %swap3A_1294 = arith.constant 16 : index
    %swap3A_1295 = tpu.vector_load %arg5[%swap3A_1293, %swap3A_1294] {strides = array<i32>} : memref<64x128xf32, #tpu.memory_space<vmem>>, vector<16xf32>,
    tpu.vector_store %arg5[%swap3A_1293, %swap3A_1294], %broadcast_in_dim3A_8 {strides = array<i32>} : memref<64x128xf32, #tpu.memory_space<vmem>>, vector<16xf32>,
    %swap3A_1296 = arith.constant 40 : i32
    %swap3A_1297 = arith.index_cast %swap3A_1296 : i32 to index
    %swap3A_1298 = arith.constant 32 : index
    %swap3A_1299 = tpu.vector_load %arg5[%swap3A_1297, %swap3A_1298] {strides = array<i32>} : memref<64x128xf32, #tpu.memory_space<vmem>>, vector<16xf32>,
    tpu.vector_store %arg5[%swap3A_1297, %swap3A_1298], %broadcast_in_dim3A_8 {strides = array<i32>} : memref<64x128xf32, #tpu.memory_space<vmem>>, vector<16xf32>,
    %swap3A_1300 = arith.constant 40 : i32
    %swap3A_1301 = arith.index_cast %swap3A_1300 : i32 to index
    %swap3A_1302 = arith.constant 48 : index
    %swap3A_1303 = tpu.vector_load %arg5[%swap3A_1301, %swap3A_1302] {strides = array<i32>} : memref<64x128xf32, #tpu.memory_space<vmem>>, vector<16xf32>,
    tpu.vector_store %arg5[%swap3A_1301, %swap3A_1302], %broadcast_in_dim3A_8 {strides = array<i32>} : memref<64x128xf32, #tpu.memory_space<vmem>>, vector<16xf32>,
    %swap3A_1304 = arith.constant 40 : i32
    %swap3A_1305 = arith.index_cast %swap3A_1304 : i32 to index
    %swap3A_1306 = arith.constant 64 : index
    %swap3A_1307 = tpu.vector_load %arg5[%swap3A_1305, %swap3A_1306] {strides = array<i32>} : memref<64x128xf32, #tpu.memory_space<vmem>>, vector<16xf32>,
    tpu.vector_store %arg5[%swap3A_1305, %swap3A_1306], %broadcast_in_dim3A_8 {strides = array<i32>} : memref<64x128xf32, #tpu.memory_space<vmem>>, vector<16xf32>,
    %swap3A_1308 = arith.constant 40 : i32
    %swap3A_1309 = arith.index_cast %swap3A_1308 : i32 to index
    %swap3A_1310 = arith.constant 80 : index
    %swap3A_1311 = tpu.vector_load %arg5[%swap3A_1309, %swap3A_1310] {strides = array<i32>} : memref<64x128xf32, #tpu.memory_space<vmem>>, vector<16xf32>,
    tpu.vector_store %arg5[%swap3A_1309, %swap3A_1310], %broadcast_in_dim3A_8 {strides = array<i32>} : memref<64x128xf32, #tpu.memory_space<vmem>>, vector<16xf32>,
    %swap3A_1312 = arith.constant 40 : i32
    %swap3A_1313 = arith.index_cast %swap3A_1312 : i32 to index
    %swap3A_1314 = arith.constant 96 : index
    %swap3A_1315 = tpu.vector_load %arg5[%swap3A_1313, %swap3A_1314] {strides = array<i32>} : memref<64x128xf32, #tpu.memory_space<vmem>>, vector<16xf32>,
    tpu.vector_store %arg5[%swap3A_1313, %swap3A_1314], %broadcast_in_dim3A_8 {strides = array<i32>} : memref<64x128xf32, #tpu.memory_space<vmem>>, vector<16xf32>,
    %swap3A_1316 = arith.constant 40 : i32
    %swap3A_1317 = arith.index_cast %swap3A_1316 : i32 to index
    %swap3A_1318 = arith.constant 112 : index
    %swap3A_1319 = tpu.vector_load %arg5[%swap3A_1317, %swap3A_1318] {strides = array<i32>} : memref<64x128xf32, #tpu.memory_space<vmem>>, vector<16xf32>,
    tpu.vector_store %arg5[%swap3A_1317, %swap3A_1318], %broadcast_in_dim3A_8 {strides = array<i32>} : memref<64x128xf32, #tpu.memory_space<vmem>>, vector<16xf32>,
    %swap3A_1320 = arith.constant 41 : i32
    %swap3A_1321 = arith.index_cast %swap3A_1320 : i32 to index
    %swap3A_1322 = arith.constant 0 : index
    %swap3A_1323 = tpu.vector_load %arg5[%swap3A_1321, %swap3A_1322] {strides = array<i32>} : memref<64x128xf32, #tpu.memory_space<vmem>>, vector<16xf32>,
    tpu.vector_store %arg5[%swap3A_1321, %swap3A_1322], %broadcast_in_dim3A_8 {strides = array<i32>} : memref<64x128xf32, #tpu.memory_space<vmem>>, vector<16xf32>,
    %swap3A_1324 = arith.constant 41 : i32
    %swap3A_1325 = arith.index_cast %swap3A_1324 : i32 to index
    %swap3A_1326 = arith.constant 16 : index
    %swap3A_1327 = tpu.vector_load %arg5[%swap3A_1325, %swap3A_1326] {strides = array<i32>} : memref<64x128xf32, #tpu.memory_space<vmem>>, vector<16xf32>,
    tpu.vector_store %arg5[%swap3A_1325, %swap3A_1326], %broadcast_in_dim3A_8 {strides = array<i32>} : memref<64x128xf32, #tpu.memory_space<vmem>>, vector<16xf32>,
    %swap3A_1328 = arith.constant 41 : i32
    %swap3A_1329 = arith.index_cast %swap3A_1328 : i32 to index
    %swap3A_1330 = arith.constant 32 : index
    %swap3A_1331 = tpu.vector_load %arg5[%swap3A_1329, %swap3A_1330] {strides = array<i32>} : memref<64x128xf32, #tpu.memory_space<vmem>>, vector<16xf32>,
    tpu.vector_store %arg5[%swap3A_1329, %swap3A_1330], %broadcast_in_dim3A_8 {strides = array<i32>} : memref<64x128xf32, #tpu.memory_space<vmem>>, vector<16xf32>,
    %swap3A_1332 = arith.constant 41 : i32
    %swap3A_1333 = arith.index_cast %swap3A_1332 : i32 to index
    %swap3A_1334 = arith.constant 48 : index
    %swap3A_1335 = tpu.vector_load %arg5[%swap3A_1333, %swap3A_1334] {strides = array<i32>} : memref<64x128xf32, #tpu.memory_space<vmem>>, vector<16xf32>,
    tpu.vector_store %arg5[%swap3A_1333, %swap3A_1334], %broadcast_in_dim3A_8 {strides = array<i32>} : memref<64x128xf32, #tpu.memory_space<vmem>>, vector<16xf32>,
    %swap3A_1336 = arith.constant 41 : i32
    %swap3A_1337 = arith.index_cast %swap3A_1336 : i32 to index
    %swap3A_1338 = arith.constant 64 : index
    %swap3A_1339 = tpu.vector_load %arg5[%swap3A_1337, %swap3A_1338] {strides = array<i32>} : memref<64x128xf32, #tpu.memory_space<vmem>>, vector<16xf32>,
    tpu.vector_store %arg5[%swap3A_1337, %swap3A_1338], %broadcast_in_dim3A_8 {strides = array<i32>} : memref<64x128xf32, #tpu.memory_space<vmem>>, vector<16xf32>,
    %swap3A_1340 = arith.constant 41 : i32
    %swap3A_1341 = arith.index_cast %swap3A_1340 : i32 to index
    %swap3A_1342 = arith.constant 80 : index
    %swap3A_1343 = tpu.vector_load %arg5[%swap3A_1341, %swap3A_1342] {strides = array<i32>} : memref<64x128xf32, #tpu.memory_space<vmem>>, vector<16xf32>,
    tpu.vector_store %arg5[%swap3A_1341, %swap3A_1342], %broadcast_in_dim3A_8 {strides = array<i32>} : memref<64x128xf32, #tpu.memory_space<vmem>>, vector<16xf32>,
    %swap3A_1344 = arith.constant 41 : i32
    %swap3A_1345 = arith.index_cast %swap3A_1344 : i32 to index
    %swap3A_1346 = arith.constant 96 : index
    %swap3A_1347 = tpu.vector_load %arg5[%swap3A_1345, %swap3A_1346] {strides = array<i32>} : memref<64x128xf32, #tpu.memory_space<vmem>>, vector<16xf32>,
    tpu.vector_store %arg5[%swap3A_1345, %swap3A_1346], %broadcast_in_dim3A_8 {strides = array<i32>} : memref<64x128xf32, #tpu.memory_space<vmem>>, vector<16xf32>,
    %swap3A_1348 = arith.constant 41 : i32
    %swap3A_1349 = arith.index_cast %swap3A_1348 : i32 to index
    %swap3A_1350 = arith.constant 112 : index
    %swap3A_1351 = tpu.vector_load %arg5[%swap3A_1349, %swap3A_1350] {strides = array<i32>} : memref<64x128xf32, #tpu.memory_space<vmem>>, vector<16xf32>,
    tpu.vector_store %arg5[%swap3A_1349, %swap3A_1350], %broadcast_in_dim3A_8 {strides = array<i32>} : memref<64x128xf32, #tpu.memory_space<vmem>>, vector<16xf32>,
    %swap3A_1352 = arith.constant 42 : i32
    %swap3A_1353 = arith.index_cast %swap3A_1352 : i32 to index
    %swap3A_1354 = arith.constant 0 : index
    %swap3A_1355 = tpu.vector_load %arg5[%swap3A_1353, %swap3A_1354] {strides = array<i32>} : memref<64x128xf32, #tpu.memory_space<vmem>>, vector<16xf32>,
    tpu.vector_store %arg5[%swap3A_1353, %swap3A_1354], %broadcast_in_dim3A_8 {strides = array<i32>} : memref<64x128xf32, #tpu.memory_space<vmem>>, vector<16xf32>,
    %swap3A_1356 = arith.constant 42 : i32
    %swap3A_1357 = arith.index_cast %swap3A_1356 : i32 to index
    %swap3A_1358 = arith.constant 16 : index
    %swap3A_1359 = tpu.vector_load %arg5[%swap3A_1357, %swap3A_1358] {strides = array<i32>} : memref<64x128xf32, #tpu.memory_space<vmem>>, vector<16xf32>,
    tpu.vector_store %arg5[%swap3A_1357, %swap3A_1358], %broadcast_in_dim3A_8 {strides = array<i32>} : memref<64x128xf32, #tpu.memory_space<vmem>>, vector<16xf32>,
    %swap3A_1360 = arith.constant 42 : i32
    %swap3A_1361 = arith.index_cast %swap3A_1360 : i32 to index
    %swap3A_1362 = arith.constant 32 : index
    %swap3A_1363 = tpu.vector_load %arg5[%swap3A_1361, %swap3A_1362] {strides = array<i32>} : memref<64x128xf32, #tpu.memory_space<vmem>>, vector<16xf32>,
    tpu.vector_store %arg5[%swap3A_1361, %swap3A_1362], %broadcast_in_dim3A_8 {strides = array<i32>} : memref<64x128xf32, #tpu.memory_space<vmem>>, vector<16xf32>,
    %swap3A_1364 = arith.constant 42 : i32
    %swap3A_1365 = arith.index_cast %swap3A_1364 : i32 to index
    %swap3A_1366 = arith.constant 48 : index
    %swap3A_1367 = tpu.vector_load %arg5[%swap3A_1365, %swap3A_1366] {strides = array<i32>} : memref<64x128xf32, #tpu.memory_space<vmem>>, vector<16xf32>,
    tpu.vector_store %arg5[%swap3A_1365, %swap3A_1366], %broadcast_in_dim3A_8 {strides = array<i32>} : memref<64x128xf32, #tpu.memory_space<vmem>>, vector<16xf32>,
    %swap3A_1368 = arith.constant 42 : i32
    %swap3A_1369 = arith.index_cast %swap3A_1368 : i32 to index
    %swap3A_1370 = arith.constant 64 : index
    %swap3A_1371 = tpu.vector_load %arg5[%swap3A_1369, %swap3A_1370] {strides = array<i32>} : memref<64x128xf32, #tpu.memory_space<vmem>>, vector<16xf32>,
    tpu.vector_store %arg5[%swap3A_1369, %swap3A_1370], %broadcast_in_dim3A_8 {strides = array<i32>} : memref<64x128xf32, #tpu.memory_space<vmem>>, vector<16xf32>,
    %swap3A_1372 = arith.constant 42 : i32
    %swap3A_1373 = arith.index_cast %swap3A_1372 : i32 to index
    %swap3A_1374 = arith.constant 80 : index
    %swap3A_1375 = tpu.vector_load %arg5[%swap3A_1373, %swap3A_1374] {strides = array<i32>} : memref<64x128xf32, #tpu.memory_space<vmem>>, vector<16xf32>,
    tpu.vector_store %arg5[%swap3A_1373, %swap3A_1374], %broadcast_in_dim3A_8 {strides = array<i32>} : memref<64x128xf32, #tpu.memory_space<vmem>>, vector<16xf32>,
    %swap3A_1376 = arith.constant 42 : i32
    %swap3A_1377 = arith.index_cast %swap3A_1376 : i32 to index
    %swap3A_1378 = arith.constant 96 : index
    %swap3A_1379 = tpu.vector_load %arg5[%swap3A_1377, %swap3A_1378] {strides = array<i32>} : memref<64x128xf32, #tpu.memory_space<vmem>>, vector<16xf32>,
    tpu.vector_store %arg5[%swap3A_1377, %swap3A_1378], %broadcast_in_dim3A_8 {strides = array<i32>} : memref<64x128xf32, #tpu.memory_space<vmem>>, vector<16xf32>,
    %swap3A_1380 = arith.constant 42 : i32
    %swap3A_1381 = arith.index_cast %swap3A_1380 : i32 to index
    %swap3A_1382 = arith.constant 112 : index
    %swap3A_1383 = tpu.vector_load %arg5[%swap3A_1381, %swap3A_1382] {strides = array<i32>} : memref<64x128xf32, #tpu.memory_space<vmem>>, vector<16xf32>,
    tpu.vector_store %arg5[%swap3A_1381, %swap3A_1382], %broadcast_in_dim3A_8 {strides = array<i32>} : memref<64x128xf32, #tpu.memory_space<vmem>>, vector<16xf32>,
    %swap3A_1384 = arith.constant 43 : i32
    %swap3A_1385 = arith.index_cast %swap3A_1384 : i32 to index
    %swap3A_1386 = arith.constant 0 : index
    %swap3A_1387 = tpu.vector_load %arg5[%swap3A_1385, %swap3A_1386] {strides = array<i32>} : memref<64x128xf32, #tpu.memory_space<vmem>>, vector<16xf32>,
    tpu.vector_store %arg5[%swap3A_1385, %swap3A_1386], %broadcast_in_dim3A_8 {strides = array<i32>} : memref<64x128xf32, #tpu.memory_space<vmem>>, vector<16xf32>,
    %swap3A_1388 = arith.constant 43 : i32
    %swap3A_1389 = arith.index_cast %swap3A_1388 : i32 to index
    %swap3A_1390 = arith.constant 16 : index
    %swap3A_1391 = tpu.vector_load %arg5[%swap3A_1389, %swap3A_1390] {strides = array<i32>} : memref<64x128xf32, #tpu.memory_space<vmem>>, vector<16xf32>,
    tpu.vector_store %arg5[%swap3A_1389, %swap3A_1390], %broadcast_in_dim3A_8 {strides = array<i32>} : memref<64x128xf32, #tpu.memory_space<vmem>>, vector<16xf32>,
    %swap3A_1392 = arith.constant 43 : i32
    %swap3A_1393 = arith.index_cast %swap3A_1392 : i32 to index
    %swap3A_1394 = arith.constant 32 : index
    %swap3A_1395 = tpu.vector_load %arg5[%swap3A_1393, %swap3A_1394] {strides = array<i32>} : memref<64x128xf32, #tpu.memory_space<vmem>>, vector<16xf32>,
    tpu.vector_store %arg5[%swap3A_1393, %swap3A_1394], %broadcast_in_dim3A_8 {strides = array<i32>} : memref<64x128xf32, #tpu.memory_space<vmem>>, vector<16xf32>,
    %swap3A_1396 = arith.constant 43 : i32
    %swap3A_1397 = arith.index_cast %swap3A_1396 : i32 to index
    %swap3A_1398 = arith.constant 48 : index
    %swap3A_1399 = tpu.vector_load %arg5[%swap3A_1397, %swap3A_1398] {strides = array<i32>} : memref<64x128xf32, #tpu.memory_space<vmem>>, vector<16xf32>,
    tpu.vector_store %arg5[%swap3A_1397, %swap3A_1398], %broadcast_in_dim3A_8 {strides = array<i32>} : memref<64x128xf32, #tpu.memory_space<vmem>>, vector<16xf32>,
    %swap3A_1400 = arith.constant 43 : i32
    %swap3A_1401 = arith.index_cast %swap3A_1400 : i32 to index
    %swap3A_1402 = arith.constant 64 : index
    %swap3A_1403 = tpu.vector_load %arg5[%swap3A_1401, %swap3A_1402] {strides = array<i32>} : memref<64x128xf32, #tpu.memory_space<vmem>>, vector<16xf32>,
    tpu.vector_store %arg5[%swap3A_1401, %swap3A_1402], %broadcast_in_dim3A_8 {strides = array<i32>} : memref<64x128xf32, #tpu.memory_space<vmem>>, vector<16xf32>,
    %swap3A_1404 = arith.constant 43 : i32
    %swap3A_1405 = arith.index_cast %swap3A_1404 : i32 to index
    %swap3A_1406 = arith.constant 80 : index
    %swap3A_1407 = tpu.vector_load %arg5[%swap3A_1405, %swap3A_1406] {strides = array<i32>} : memref<64x128xf32, #tpu.memory_space<vmem>>, vector<16xf32>,
    tpu.vector_store %arg5[%swap3A_1405, %swap3A_1406], %broadcast_in_dim3A_8 {strides = array<i32>} : memref<64x128xf32, #tpu.memory_space<vmem>>, vector<16xf32>,
    %swap3A_1408 = arith.constant 43 : i32
    %swap3A_1409 = arith.index_cast %swap3A_1408 : i32 to index
    %swap3A_1410 = arith.constant 96 : index
    %swap3A_1411 = tpu.vector_load %arg5[%swap3A_1409, %swap3A_1410] {strides = array<i32>} : memref<64x128xf32, #tpu.memory_space<vmem>>, vector<16xf32>,
    tpu.vector_store %arg5[%swap3A_1409, %swap3A_1410], %broadcast_in_dim3A_8 {strides = array<i32>} : memref<64x128xf32, #tpu.memory_space<vmem>>, vector<16xf32>,
    %swap3A_1412 = arith.constant 43 : i32
    %swap3A_1413 = arith.index_cast %swap3A_1412 : i32 to index
    %swap3A_1414 = arith.constant 112 : index
    %swap3A_1415 = tpu.vector_load %arg5[%swap3A_1413, %swap3A_1414] {strides = array<i32>} : memref<64x128xf32, #tpu.memory_space<vmem>>, vector<16xf32>,
    tpu.vector_store %arg5[%swap3A_1413, %swap3A_1414], %broadcast_in_dim3A_8 {strides = array<i32>} : memref<64x128xf32, #tpu.memory_space<vmem>>, vector<16xf32>,
    %swap3A_1416 = arith.constant 44 : i32
    %swap3A_1417 = arith.index_cast %swap3A_1416 : i32 to index
    %swap3A_1418 = arith.constant 0 : index
    %swap3A_1419 = tpu.vector_load %arg5[%swap3A_1417, %swap3A_1418] {strides = array<i32>} : memref<64x128xf32, #tpu.memory_space<vmem>>, vector<16xf32>,
    tpu.vector_store %arg5[%swap3A_1417, %swap3A_1418], %broadcast_in_dim3A_8 {strides = array<i32>} : memref<64x128xf32, #tpu.memory_space<vmem>>, vector<16xf32>,
    %swap3A_1420 = arith.constant 44 : i32
    %swap3A_1421 = arith.index_cast %swap3A_1420 : i32 to index
    %swap3A_1422 = arith.constant 16 : index
    %swap3A_1423 = tpu.vector_load %arg5[%swap3A_1421, %swap3A_1422] {strides = array<i32>} : memref<64x128xf32, #tpu.memory_space<vmem>>, vector<16xf32>,
    tpu.vector_store %arg5[%swap3A_1421, %swap3A_1422], %broadcast_in_dim3A_8 {strides = array<i32>} : memref<64x128xf32, #tpu.memory_space<vmem>>, vector<16xf32>,
    %swap3A_1424 = arith.constant 44 : i32
    %swap3A_1425 = arith.index_cast %swap3A_1424 : i32 to index
    %swap3A_1426 = arith.constant 32 : index
    %swap3A_1427 = tpu.vector_load %arg5[%swap3A_1425, %swap3A_1426] {strides = array<i32>} : memref<64x128xf32, #tpu.memory_space<vmem>>, vector<16xf32>,
    tpu.vector_store %arg5[%swap3A_1425, %swap3A_1426], %broadcast_in_dim3A_8 {strides = array<i32>} : memref<64x128xf32, #tpu.memory_space<vmem>>, vector<16xf32>,
    %swap3A_1428 = arith.constant 44 : i32
    %swap3A_1429 = arith.index_cast %swap3A_1428 : i32 to index
    %swap3A_1430 = arith.constant 48 : index
    %swap3A_1431 = tpu.vector_load %arg5[%swap3A_1429, %swap3A_1430] {strides = array<i32>} : memref<64x128xf32, #tpu.memory_space<vmem>>, vector<16xf32>,
    tpu.vector_store %arg5[%swap3A_1429, %swap3A_1430], %broadcast_in_dim3A_8 {strides = array<i32>} : memref<64x128xf32, #tpu.memory_space<vmem>>, vector<16xf32>,
    %swap3A_1432 = arith.constant 44 : i32
    %swap3A_1433 = arith.index_cast %swap3A_1432 : i32 to index
    %swap3A_1434 = arith.constant 64 : index
    %swap3A_1435 = tpu.vector_load %arg5[%swap3A_1433, %swap3A_1434] {strides = array<i32>} : memref<64x128xf32, #tpu.memory_space<vmem>>, vector<16xf32>,
    tpu.vector_store %arg5[%swap3A_1433, %swap3A_1434], %broadcast_in_dim3A_8 {strides = array<i32>} : memref<64x128xf32, #tpu.memory_space<vmem>>, vector<16xf32>,
    %swap3A_1436 = arith.constant 44 : i32
    %swap3A_1437 = arith.index_cast %swap3A_1436 : i32 to index
    %swap3A_1438 = arith.constant 80 : index
    %swap3A_1439 = tpu.vector_load %arg5[%swap3A_1437, %swap3A_1438] {strides = array<i32>} : memref<64x128xf32, #tpu.memory_space<vmem>>, vector<16xf32>,
    tpu.vector_store %arg5[%swap3A_1437, %swap3A_1438], %broadcast_in_dim3A_8 {strides = array<i32>} : memref<64x128xf32, #tpu.memory_space<vmem>>, vector<16xf32>,
    %swap3A_1440 = arith.constant 44 : i32
    %swap3A_1441 = arith.index_cast %swap3A_1440 : i32 to index
    %swap3A_1442 = arith.constant 96 : index
    %swap3A_1443 = tpu.vector_load %arg5[%swap3A_1441, %swap3A_1442] {strides = array<i32>} : memref<64x128xf32, #tpu.memory_space<vmem>>, vector<16xf32>,
    tpu.vector_store %arg5[%swap3A_1441, %swap3A_1442], %broadcast_in_dim3A_8 {strides = array<i32>} : memref<64x128xf32, #tpu.memory_space<vmem>>, vector<16xf32>,
    %swap3A_1444 = arith.constant 44 : i32
    %swap3A_1445 = arith.index_cast %swap3A_1444 : i32 to index
    %swap3A_1446 = arith.constant 112 : index
    %swap3A_1447 = tpu.vector_load %arg5[%swap3A_1445, %swap3A_1446] {strides = array<i32>} : memref<64x128xf32, #tpu.memory_space<vmem>>, vector<16xf32>,
    tpu.vector_store %arg5[%swap3A_1445, %swap3A_1446], %broadcast_in_dim3A_8 {strides = array<i32>} : memref<64x128xf32, #tpu.memory_space<vmem>>, vector<16xf32>,
    %swap3A_1448 = arith.constant 45 : i32
    %swap3A_1449 = arith.index_cast %swap3A_1448 : i32 to index
    %swap3A_1450 = arith.constant 0 : index
    %swap3A_1451 = tpu.vector_load %arg5[%swap3A_1449, %swap3A_1450] {strides = array<i32>} : memref<64x128xf32, #tpu.memory_space<vmem>>, vector<16xf32>,
    tpu.vector_store %arg5[%swap3A_1449, %swap3A_1450], %broadcast_in_dim3A_8 {strides = array<i32>} : memref<64x128xf32, #tpu.memory_space<vmem>>, vector<16xf32>,
    %swap3A_1452 = arith.constant 45 : i32
    %swap3A_1453 = arith.index_cast %swap3A_1452 : i32 to index
    %swap3A_1454 = arith.constant 16 : index
    %swap3A_1455 = tpu.vector_load %arg5[%swap3A_1453, %swap3A_1454] {strides = array<i32>} : memref<64x128xf32, #tpu.memory_space<vmem>>, vector<16xf32>,
    tpu.vector_store %arg5[%swap3A_1453, %swap3A_1454], %broadcast_in_dim3A_8 {strides = array<i32>} : memref<64x128xf32, #tpu.memory_space<vmem>>, vector<16xf32>,
    %swap3A_1456 = arith.constant 45 : i32
    %swap3A_1457 = arith.index_cast %swap3A_1456 : i32 to index
    %swap3A_1458 = arith.constant 32 : index
    %swap3A_1459 = tpu.vector_load %arg5[%swap3A_1457, %swap3A_1458] {strides = array<i32>} : memref<64x128xf32, #tpu.memory_space<vmem>>, vector<16xf32>,
    tpu.vector_store %arg5[%swap3A_1457, %swap3A_1458], %broadcast_in_dim3A_8 {strides = array<i32>} : memref<64x128xf32, #tpu.memory_space<vmem>>, vector<16xf32>,
    %swap3A_1460 = arith.constant 45 : i32
    %swap3A_1461 = arith.index_cast %swap3A_1460 : i32 to index
    %swap3A_1462 = arith.constant 48 : index
    %swap3A_1463 = tpu.vector_load %arg5[%swap3A_1461, %swap3A_1462] {strides = array<i32>} : memref<64x128xf32, #tpu.memory_space<vmem>>, vector<16xf32>,
    tpu.vector_store %arg5[%swap3A_1461, %swap3A_1462], %broadcast_in_dim3A_8 {strides = array<i32>} : memref<64x128xf32, #tpu.memory_space<vmem>>, vector<16xf32>,
    %swap3A_1464 = arith.constant 45 : i32
    %swap3A_1465 = arith.index_cast %swap3A_1464 : i32 to index
    %swap3A_1466 = arith.constant 64 : index
    %swap3A_1467 = tpu.vector_load %arg5[%swap3A_1465, %swap3A_1466] {strides = array<i32>} : memref<64x128xf32, #tpu.memory_space<vmem>>, vector<16xf32>,
    tpu.vector_store %arg5[%swap3A_1465, %swap3A_1466], %broadcast_in_dim3A_8 {strides = array<i32>} : memref<64x128xf32, #tpu.memory_space<vmem>>, vector<16xf32>,
    %swap3A_1468 = arith.constant 45 : i32
    %swap3A_1469 = arith.index_cast %swap3A_1468 : i32 to index
    %swap3A_1470 = arith.constant 80 : index
    %swap3A_1471 = tpu.vector_load %arg5[%swap3A_1469, %swap3A_1470] {strides = array<i32>} : memref<64x128xf32, #tpu.memory_space<vmem>>, vector<16xf32>,
    tpu.vector_store %arg5[%swap3A_1469, %swap3A_1470], %broadcast_in_dim3A_8 {strides = array<i32>} : memref<64x128xf32, #tpu.memory_space<vmem>>, vector<16xf32>,
    %swap3A_1472 = arith.constant 45 : i32
    %swap3A_1473 = arith.index_cast %swap3A_1472 : i32 to index
    %swap3A_1474 = arith.constant 96 : index
    %swap3A_1475 = tpu.vector_load %arg5[%swap3A_1473, %swap3A_1474] {strides = array<i32>} : memref<64x128xf32, #tpu.memory_space<vmem>>, vector<16xf32>,
    tpu.vector_store %arg5[%swap3A_1473, %swap3A_1474], %broadcast_in_dim3A_8 {strides = array<i32>} : memref<64x128xf32, #tpu.memory_space<vmem>>, vector<16xf32>,
    %swap3A_1476 = arith.constant 45 : i32
    %swap3A_1477 = arith.index_cast %swap3A_1476 : i32 to index
    %swap3A_1478 = arith.constant 112 : index
    %swap3A_1479 = tpu.vector_load %arg5[%swap3A_1477, %swap3A_1478] {strides = array<i32>} : memref<64x128xf32, #tpu.memory_space<vmem>>, vector<16xf32>,
    tpu.vector_store %arg5[%swap3A_1477, %swap3A_1478], %broadcast_in_dim3A_8 {strides = array<i32>} : memref<64x128xf32, #tpu.memory_space<vmem>>, vector<16xf32>,
    %swap3A_1480 = arith.constant 46 : i32
    %swap3A_1481 = arith.index_cast %swap3A_1480 : i32 to index
    %swap3A_1482 = arith.constant 0 : index
    %swap3A_1483 = tpu.vector_load %arg5[%swap3A_1481, %swap3A_1482] {strides = array<i32>} : memref<64x128xf32, #tpu.memory_space<vmem>>, vector<16xf32>,
    tpu.vector_store %arg5[%swap3A_1481, %swap3A_1482], %broadcast_in_dim3A_8 {strides = array<i32>} : memref<64x128xf32, #tpu.memory_space<vmem>>, vector<16xf32>,
    %swap3A_1484 = arith.constant 46 : i32
    %swap3A_1485 = arith.index_cast %swap3A_1484 : i32 to index
    %swap3A_1486 = arith.constant 16 : index
    %swap3A_1487 = tpu.vector_load %arg5[%swap3A_1485, %swap3A_1486] {strides = array<i32>} : memref<64x128xf32, #tpu.memory_space<vmem>>, vector<16xf32>,
    tpu.vector_store %arg5[%swap3A_1485, %swap3A_1486], %broadcast_in_dim3A_8 {strides = array<i32>} : memref<64x128xf32, #tpu.memory_space<vmem>>, vector<16xf32>,
    %swap3A_1488 = arith.constant 46 : i32
    %swap3A_1489 = arith.index_cast %swap3A_1488 : i32 to index
    %swap3A_1490 = arith.constant 32 : index
    %swap3A_1491 = tpu.vector_load %arg5[%swap3A_1489, %swap3A_1490] {strides = array<i32>} : memref<64x128xf32, #tpu.memory_space<vmem>>, vector<16xf32>,
    tpu.vector_store %arg5[%swap3A_1489, %swap3A_1490], %broadcast_in_dim3A_8 {strides = array<i32>} : memref<64x128xf32, #tpu.memory_space<vmem>>, vector<16xf32>,
    %swap3A_1492 = arith.constant 46 : i32
    %swap3A_1493 = arith.index_cast %swap3A_1492 : i32 to index
    %swap3A_1494 = arith.constant 48 : index
    %swap3A_1495 = tpu.vector_load %arg5[%swap3A_1493, %swap3A_1494] {strides = array<i32>} : memref<64x128xf32, #tpu.memory_space<vmem>>, vector<16xf32>,
    tpu.vector_store %arg5[%swap3A_1493, %swap3A_1494], %broadcast_in_dim3A_8 {strides = array<i32>} : memref<64x128xf32, #tpu.memory_space<vmem>>, vector<16xf32>,
    %swap3A_1496 = arith.constant 46 : i32
    %swap3A_1497 = arith.index_cast %swap3A_1496 : i32 to index
    %swap3A_1498 = arith.constant 64 : index
    %swap3A_1499 = tpu.vector_load %arg5[%swap3A_1497, %swap3A_1498] {strides = array<i32>} : memref<64x128xf32, #tpu.memory_space<vmem>>, vector<16xf32>,
    tpu.vector_store %arg5[%swap3A_1497, %swap3A_1498], %broadcast_in_dim3A_8 {strides = array<i32>} : memref<64x128xf32, #tpu.memory_space<vmem>>, vector<16xf32>,
    %swap3A_1500 = arith.constant 46 : i32
    %swap3A_1501 = arith.index_cast %swap3A_1500 : i32 to index
    %swap3A_1502 = arith.constant 80 : index
    %swap3A_1503 = tpu.vector_load %arg5[%swap3A_1501, %swap3A_1502] {strides = array<i32>} : memref<64x128xf32, #tpu.memory_space<vmem>>, vector<16xf32>,
    tpu.vector_store %arg5[%swap3A_1501, %swap3A_1502], %broadcast_in_dim3A_8 {strides = array<i32>} : memref<64x128xf32, #tpu.memory_space<vmem>>, vector<16xf32>,
    %swap3A_1504 = arith.constant 46 : i32
    %swap3A_1505 = arith.index_cast %swap3A_1504 : i32 to index
    %swap3A_1506 = arith.constant 96 : index
    %swap3A_1507 = tpu.vector_load %arg5[%swap3A_1505, %swap3A_1506] {strides = array<i32>} : memref<64x128xf32, #tpu.memory_space<vmem>>, vector<16xf32>,
    tpu.vector_store %arg5[%swap3A_1505, %swap3A_1506], %broadcast_in_dim3A_8 {strides = array<i32>} : memref<64x128xf32, #tpu.memory_space<vmem>>, vector<16xf32>,
    %swap3A_1508 = arith.constant 46 : i32
    %swap3A_1509 = arith.index_cast %swap3A_1508 : i32 to index
    %swap3A_1510 = arith.constant 112 : index
    %swap3A_1511 = tpu.vector_load %arg5[%swap3A_1509, %swap3A_1510] {strides = array<i32>} : memref<64x128xf32, #tpu.memory_space<vmem>>, vector<16xf32>,
    tpu.vector_store %arg5[%swap3A_1509, %swap3A_1510], %broadcast_in_dim3A_8 {strides = array<i32>} : memref<64x128xf32, #tpu.memory_space<vmem>>, vector<16xf32>,
    %swap3A_1512 = arith.constant 47 : i32
    %swap3A_1513 = arith.index_cast %swap3A_1512 : i32 to index
    %swap3A_1514 = arith.constant 0 : index
    %swap3A_1515 = tpu.vector_load %arg5[%swap3A_1513, %swap3A_1514] {strides = array<i32>} : memref<64x128xf32, #tpu.memory_space<vmem>>, vector<16xf32>,
    tpu.vector_store %arg5[%swap3A_1513, %swap3A_1514], %broadcast_in_dim3A_8 {strides = array<i32>} : memref<64x128xf32, #tpu.memory_space<vmem>>, vector<16xf32>,
    %swap3A_1516 = arith.constant 47 : i32
    %swap3A_1517 = arith.index_cast %swap3A_1516 : i32 to index
    %swap3A_1518 = arith.constant 16 : index
    %swap3A_1519 = tpu.vector_load %arg5[%swap3A_1517, %swap3A_1518] {strides = array<i32>} : memref<64x128xf32, #tpu.memory_space<vmem>>, vector<16xf32>,
    tpu.vector_store %arg5[%swap3A_1517, %swap3A_1518], %broadcast_in_dim3A_8 {strides = array<i32>} : memref<64x128xf32, #tpu.memory_space<vmem>>, vector<16xf32>,
    %swap3A_1520 = arith.constant 47 : i32
    %swap3A_1521 = arith.index_cast %swap3A_1520 : i32 to index
    %swap3A_1522 = arith.constant 32 : index
    %swap3A_1523 = tpu.vector_load %arg5[%swap3A_1521, %swap3A_1522] {strides = array<i32>} : memref<64x128xf32, #tpu.memory_space<vmem>>, vector<16xf32>,
    tpu.vector_store %arg5[%swap3A_1521, %swap3A_1522], %broadcast_in_dim3A_8 {strides = array<i32>} : memref<64x128xf32, #tpu.memory_space<vmem>>, vector<16xf32>,
    %swap3A_1524 = arith.constant 47 : i32
    %swap3A_1525 = arith.index_cast %swap3A_1524 : i32 to index
    %swap3A_1526 = arith.constant 48 : index
    %swap3A_1527 = tpu.vector_load %arg5[%swap3A_1525, %swap3A_1526] {strides = array<i32>} : memref<64x128xf32, #tpu.memory_space<vmem>>, vector<16xf32>,
    tpu.vector_store %arg5[%swap3A_1525, %swap3A_1526], %broadcast_in_dim3A_8 {strides = array<i32>} : memref<64x128xf32, #tpu.memory_space<vmem>>, vector<16xf32>,
    %swap3A_1528 = arith.constant 47 : i32
    %swap3A_1529 = arith.index_cast %swap3A_1528 : i32 to index
    %swap3A_1530 = arith.constant 64 : index
    %swap3A_1531 = tpu.vector_load %arg5[%swap3A_1529, %swap3A_1530] {strides = array<i32>} : memref<64x128xf32, #tpu.memory_space<vmem>>, vector<16xf32>,
    tpu.vector_store %arg5[%swap3A_1529, %swap3A_1530], %broadcast_in_dim3A_8 {strides = array<i32>} : memref<64x128xf32, #tpu.memory_space<vmem>>, vector<16xf32>,
    %swap3A_1532 = arith.constant 47 : i32
    %swap3A_1533 = arith.index_cast %swap3A_1532 : i32 to index
    %swap3A_1534 = arith.constant 80 : index
    %swap3A_1535 = tpu.vector_load %arg5[%swap3A_1533, %swap3A_1534] {strides = array<i32>} : memref<64x128xf32, #tpu.memory_space<vmem>>, vector<16xf32>,
    tpu.vector_store %arg5[%swap3A_1533, %swap3A_1534], %broadcast_in_dim3A_8 {strides = array<i32>} : memref<64x128xf32, #tpu.memory_space<vmem>>, vector<16xf32>,
    %swap3A_1536 = arith.constant 47 : i32
    %swap3A_1537 = arith.index_cast %swap3A_1536 : i32 to index
    %swap3A_1538 = arith.constant 96 : index
    %swap3A_1539 = tpu.vector_load %arg5[%swap3A_1537, %swap3A_1538] {strides = array<i32>} : memref<64x128xf32, #tpu.memory_space<vmem>>, vector<16xf32>,
    tpu.vector_store %arg5[%swap3A_1537, %swap3A_1538], %broadcast_in_dim3A_8 {strides = array<i32>} : memref<64x128xf32, #tpu.memory_space<vmem>>, vector<16xf32>,
    %swap3A_1540 = arith.constant 47 : i32
    %swap3A_1541 = arith.index_cast %swap3A_1540 : i32 to index
    %swap3A_1542 = arith.constant 112 : index
    %swap3A_1543 = tpu.vector_load %arg5[%swap3A_1541, %swap3A_1542] {strides = array<i32>} : memref<64x128xf32, #tpu.memory_space<vmem>>, vector<16xf32>,
    tpu.vector_store %arg5[%swap3A_1541, %swap3A_1542], %broadcast_in_dim3A_8 {strides = array<i32>} : memref<64x128xf32, #tpu.memory_space<vmem>>, vector<16xf32>,
    %swap3A_1544 = arith.constant 48 : i32
    %swap3A_1545 = arith.index_cast %swap3A_1544 : i32 to index
    %swap3A_1546 = arith.constant 0 : index
    %swap3A_1547 = tpu.vector_load %arg5[%swap3A_1545, %swap3A_1546] {strides = array<i32>} : memref<64x128xf32, #tpu.memory_space<vmem>>, vector<16xf32>,
    tpu.vector_store %arg5[%swap3A_1545, %swap3A_1546], %broadcast_in_dim3A_8 {strides = array<i32>} : memref<64x128xf32, #tpu.memory_space<vmem>>, vector<16xf32>,
    %swap3A_1548 = arith.constant 48 : i32
    %swap3A_1549 = arith.index_cast %swap3A_1548 : i32 to index
    %swap3A_1550 = arith.constant 16 : index
    %swap3A_1551 = tpu.vector_load %arg5[%swap3A_1549, %swap3A_1550] {strides = array<i32>} : memref<64x128xf32, #tpu.memory_space<vmem>>, vector<16xf32>,
    tpu.vector_store %arg5[%swap3A_1549, %swap3A_1550], %broadcast_in_dim3A_8 {strides = array<i32>} : memref<64x128xf32, #tpu.memory_space<vmem>>, vector<16xf32>,
    %swap3A_1552 = arith.constant 48 : i32
    %swap3A_1553 = arith.index_cast %swap3A_1552 : i32 to index
    %swap3A_1554 = arith.constant 32 : index
    %swap3A_1555 = tpu.vector_load %arg5[%swap3A_1553, %swap3A_1554] {strides = array<i32>} : memref<64x128xf32, #tpu.memory_space<vmem>>, vector<16xf32>,
    tpu.vector_store %arg5[%swap3A_1553, %swap3A_1554], %broadcast_in_dim3A_8 {strides = array<i32>} : memref<64x128xf32, #tpu.memory_space<vmem>>, vector<16xf32>,
    %swap3A_1556 = arith.constant 48 : i32
    %swap3A_1557 = arith.index_cast %swap3A_1556 : i32 to index
    %swap3A_1558 = arith.constant 48 : index
    %swap3A_1559 = tpu.vector_load %arg5[%swap3A_1557, %swap3A_1558] {strides = array<i32>} : memref<64x128xf32, #tpu.memory_space<vmem>>, vector<16xf32>,
    tpu.vector_store %arg5[%swap3A_1557, %swap3A_1558], %broadcast_in_dim3A_8 {strides = array<i32>} : memref<64x128xf32, #tpu.memory_space<vmem>>, vector<16xf32>,
    %swap3A_1560 = arith.constant 48 : i32
    %swap3A_1561 = arith.index_cast %swap3A_1560 : i32 to index
    %swap3A_1562 = arith.constant 64 : index
    %swap3A_1563 = tpu.vector_load %arg5[%swap3A_1561, %swap3A_1562] {strides = array<i32>} : memref<64x128xf32, #tpu.memory_space<vmem>>, vector<16xf32>,
    tpu.vector_store %arg5[%swap3A_1561, %swap3A_1562], %broadcast_in_dim3A_8 {strides = array<i32>} : memref<64x128xf32, #tpu.memory_space<vmem>>, vector<16xf32>,
    %swap3A_1564 = arith.constant 48 : i32
    %swap3A_1565 = arith.index_cast %swap3A_1564 : i32 to index
    %swap3A_1566 = arith.constant 80 : index
    %swap3A_1567 = tpu.vector_load %arg5[%swap3A_1565, %swap3A_1566] {strides = array<i32>} : memref<64x128xf32, #tpu.memory_space<vmem>>, vector<16xf32>,
    tpu.vector_store %arg5[%swap3A_1565, %swap3A_1566], %broadcast_in_dim3A_8 {strides = array<i32>} : memref<64x128xf32, #tpu.memory_space<vmem>>, vector<16xf32>,
    %swap3A_1568 = arith.constant 48 : i32
    %swap3A_1569 = arith.index_cast %swap3A_1568 : i32 to index
    %swap3A_1570 = arith.constant 96 : index
    %swap3A_1571 = tpu.vector_load %arg5[%swap3A_1569, %swap3A_1570] {strides = array<i32>} : memref<64x128xf32, #tpu.memory_space<vmem>>, vector<16xf32>,
    tpu.vector_store %arg5[%swap3A_1569, %swap3A_1570], %broadcast_in_dim3A_8 {strides = array<i32>} : memref<64x128xf32, #tpu.memory_space<vmem>>, vector<16xf32>,
    %swap3A_1572 = arith.constant 48 : i32
    %swap3A_1573 = arith.index_cast %swap3A_1572 : i32 to index
    %swap3A_1574 = arith.constant 112 : index
    %swap3A_1575 = tpu.vector_load %arg5[%swap3A_1573, %swap3A_1574] {strides = array<i32>} : memref<64x128xf32, #tpu.memory_space<vmem>>, vector<16xf32>,
    tpu.vector_store %arg5[%swap3A_1573, %swap3A_1574], %broadcast_in_dim3A_8 {strides = array<i32>} : memref<64x128xf32, #tpu.memory_space<vmem>>, vector<16xf32>,
    %swap3A_1576 = arith.constant 49 : i32
    %swap3A_1577 = arith.index_cast %swap3A_1576 : i32 to index
    %swap3A_1578 = arith.constant 0 : index
    %swap3A_1579 = tpu.vector_load %arg5[%swap3A_1577, %swap3A_1578] {strides = array<i32>} : memref<64x128xf32, #tpu.memory_space<vmem>>, vector<16xf32>,
    tpu.vector_store %arg5[%swap3A_1577, %swap3A_1578], %broadcast_in_dim3A_8 {strides = array<i32>} : memref<64x128xf32, #tpu.memory_space<vmem>>, vector<16xf32>,
    %swap3A_1580 = arith.constant 49 : i32
    %swap3A_1581 = arith.index_cast %swap3A_1580 : i32 to index
    %swap3A_1582 = arith.constant 16 : index
    %swap3A_1583 = tpu.vector_load %arg5[%swap3A_1581, %swap3A_1582] {strides = array<i32>} : memref<64x128xf32, #tpu.memory_space<vmem>>, vector<16xf32>,
    tpu.vector_store %arg5[%swap3A_1581, %swap3A_1582], %broadcast_in_dim3A_8 {strides = array<i32>} : memref<64x128xf32, #tpu.memory_space<vmem>>, vector<16xf32>,
    %swap3A_1584 = arith.constant 49 : i32
    %swap3A_1585 = arith.index_cast %swap3A_1584 : i32 to index
    %swap3A_1586 = arith.constant 32 : index
    %swap3A_1587 = tpu.vector_load %arg5[%swap3A_1585, %swap3A_1586] {strides = array<i32>} : memref<64x128xf32, #tpu.memory_space<vmem>>, vector<16xf32>,
    tpu.vector_store %arg5[%swap3A_1585, %swap3A_1586], %broadcast_in_dim3A_8 {strides = array<i32>} : memref<64x128xf32, #tpu.memory_space<vmem>>, vector<16xf32>,
    %swap3A_1588 = arith.constant 49 : i32
    %swap3A_1589 = arith.index_cast %swap3A_1588 : i32 to index
    %swap3A_1590 = arith.constant 48 : index
    %swap3A_1591 = tpu.vector_load %arg5[%swap3A_1589, %swap3A_1590] {strides = array<i32>} : memref<64x128xf32, #tpu.memory_space<vmem>>, vector<16xf32>,
    tpu.vector_store %arg5[%swap3A_1589, %swap3A_1590], %broadcast_in_dim3A_8 {strides = array<i32>} : memref<64x128xf32, #tpu.memory_space<vmem>>, vector<16xf32>,
    %swap3A_1592 = arith.constant 49 : i32
    %swap3A_1593 = arith.index_cast %swap3A_1592 : i32 to index
    %swap3A_1594 = arith.constant 64 : index
    %swap3A_1595 = tpu.vector_load %arg5[%swap3A_1593, %swap3A_1594] {strides = array<i32>} : memref<64x128xf32, #tpu.memory_space<vmem>>, vector<16xf32>,
    tpu.vector_store %arg5[%swap3A_1593, %swap3A_1594], %broadcast_in_dim3A_8 {strides = array<i32>} : memref<64x128xf32, #tpu.memory_space<vmem>>, vector<16xf32>,
    %swap3A_1596 = arith.constant 49 : i32
    %swap3A_1597 = arith.index_cast %swap3A_1596 : i32 to index
    %swap3A_1598 = arith.constant 80 : index
    %swap3A_1599 = tpu.vector_load %arg5[%swap3A_1597, %swap3A_1598] {strides = array<i32>} : memref<64x128xf32, #tpu.memory_space<vmem>>, vector<16xf32>,
    tpu.vector_store %arg5[%swap3A_1597, %swap3A_1598], %broadcast_in_dim3A_8 {strides = array<i32>} : memref<64x128xf32, #tpu.memory_space<vmem>>, vector<16xf32>,
    %swap3A_1600 = arith.constant 49 : i32
    %swap3A_1601 = arith.index_cast %swap3A_1600 : i32 to index
    %swap3A_1602 = arith.constant 96 : index
    %swap3A_1603 = tpu.vector_load %arg5[%swap3A_1601, %swap3A_1602] {strides = array<i32>} : memref<64x128xf32, #tpu.memory_space<vmem>>, vector<16xf32>,
    tpu.vector_store %arg5[%swap3A_1601, %swap3A_1602], %broadcast_in_dim3A_8 {strides = array<i32>} : memref<64x128xf32, #tpu.memory_space<vmem>>, vector<16xf32>,
    %swap3A_1604 = arith.constant 49 : i32
    %swap3A_1605 = arith.index_cast %swap3A_1604 : i32 to index
    %swap3A_1606 = arith.constant 112 : index
    %swap3A_1607 = tpu.vector_load %arg5[%swap3A_1605, %swap3A_1606] {strides = array<i32>} : memref<64x128xf32, #tpu.memory_space<vmem>>, vector<16xf32>,
    tpu.vector_store %arg5[%swap3A_1605, %swap3A_1606], %broadcast_in_dim3A_8 {strides = array<i32>} : memref<64x128xf32, #tpu.memory_space<vmem>>, vector<16xf32>,
    %swap3A_1608 = arith.constant 50 : i32
    %swap3A_1609 = arith.index_cast %swap3A_1608 : i32 to index
    %swap3A_1610 = arith.constant 0 : index
    %swap3A_1611 = tpu.vector_load %arg5[%swap3A_1609, %swap3A_1610] {strides = array<i32>} : memref<64x128xf32, #tpu.memory_space<vmem>>, vector<16xf32>,
    tpu.vector_store %arg5[%swap3A_1609, %swap3A_1610], %broadcast_in_dim3A_8 {strides = array<i32>} : memref<64x128xf32, #tpu.memory_space<vmem>>, vector<16xf32>,
    %swap3A_1612 = arith.constant 50 : i32
    %swap3A_1613 = arith.index_cast %swap3A_1612 : i32 to index
    %swap3A_1614 = arith.constant 16 : index
    %swap3A_1615 = tpu.vector_load %arg5[%swap3A_1613, %swap3A_1614] {strides = array<i32>} : memref<64x128xf32, #tpu.memory_space<vmem>>, vector<16xf32>,
    tpu.vector_store %arg5[%swap3A_1613, %swap3A_1614], %broadcast_in_dim3A_8 {strides = array<i32>} : memref<64x128xf32, #tpu.memory_space<vmem>>, vector<16xf32>,
    %swap3A_1616 = arith.constant 50 : i32
    %swap3A_1617 = arith.index_cast %swap3A_1616 : i32 to index
    %swap3A_1618 = arith.constant 32 : index
    %swap3A_1619 = tpu.vector_load %arg5[%swap3A_1617, %swap3A_1618] {strides = array<i32>} : memref<64x128xf32, #tpu.memory_space<vmem>>, vector<16xf32>,
    tpu.vector_store %arg5[%swap3A_1617, %swap3A_1618], %broadcast_in_dim3A_8 {strides = array<i32>} : memref<64x128xf32, #tpu.memory_space<vmem>>, vector<16xf32>,
    %swap3A_1620 = arith.constant 50 : i32
    %swap3A_1621 = arith.index_cast %swap3A_1620 : i32 to index
    %swap3A_1622 = arith.constant 48 : index
    %swap3A_1623 = tpu.vector_load %arg5[%swap3A_1621, %swap3A_1622] {strides = array<i32>} : memref<64x128xf32, #tpu.memory_space<vmem>>, vector<16xf32>,
    tpu.vector_store %arg5[%swap3A_1621, %swap3A_1622], %broadcast_in_dim3A_8 {strides = array<i32>} : memref<64x128xf32, #tpu.memory_space<vmem>>, vector<16xf32>,
    %swap3A_1624 = arith.constant 50 : i32
    %swap3A_1625 = arith.index_cast %swap3A_1624 : i32 to index
    %swap3A_1626 = arith.constant 64 : index
    %swap3A_1627 = tpu.vector_load %arg5[%swap3A_1625, %swap3A_1626] {strides = array<i32>} : memref<64x128xf32, #tpu.memory_space<vmem>>, vector<16xf32>,
    tpu.vector_store %arg5[%swap3A_1625, %swap3A_1626], %broadcast_in_dim3A_8 {strides = array<i32>} : memref<64x128xf32, #tpu.memory_space<vmem>>, vector<16xf32>,
    %swap3A_1628 = arith.constant 50 : i32
    %swap3A_1629 = arith.index_cast %swap3A_1628 : i32 to index
    %swap3A_1630 = arith.constant 80 : index
    %swap3A_1631 = tpu.vector_load %arg5[%swap3A_1629, %swap3A_1630] {strides = array<i32>} : memref<64x128xf32, #tpu.memory_space<vmem>>, vector<16xf32>,
    tpu.vector_store %arg5[%swap3A_1629, %swap3A_1630], %broadcast_in_dim3A_8 {strides = array<i32>} : memref<64x128xf32, #tpu.memory_space<vmem>>, vector<16xf32>,
    %swap3A_1632 = arith.constant 50 : i32
    %swap3A_1633 = arith.index_cast %swap3A_1632 : i32 to index
    %swap3A_1634 = arith.constant 96 : index
    %swap3A_1635 = tpu.vector_load %arg5[%swap3A_1633, %swap3A_1634] {strides = array<i32>} : memref<64x128xf32, #tpu.memory_space<vmem>>, vector<16xf32>,
    tpu.vector_store %arg5[%swap3A_1633, %swap3A_1634], %broadcast_in_dim3A_8 {strides = array<i32>} : memref<64x128xf32, #tpu.memory_space<vmem>>, vector<16xf32>,
    %swap3A_1636 = arith.constant 50 : i32
    %swap3A_1637 = arith.index_cast %swap3A_1636 : i32 to index
    %swap3A_1638 = arith.constant 112 : index
    %swap3A_1639 = tpu.vector_load %arg5[%swap3A_1637, %swap3A_1638] {strides = array<i32>} : memref<64x128xf32, #tpu.memory_space<vmem>>, vector<16xf32>,
    tpu.vector_store %arg5[%swap3A_1637, %swap3A_1638], %broadcast_in_dim3A_8 {strides = array<i32>} : memref<64x128xf32, #tpu.memory_space<vmem>>, vector<16xf32>,
    %swap3A_1640 = arith.constant 51 : i32
    %swap3A_1641 = arith.index_cast %swap3A_1640 : i32 to index
    %swap3A_1642 = arith.constant 0 : index
    %swap3A_1643 = tpu.vector_load %arg5[%swap3A_1641, %swap3A_1642] {strides = array<i32>} : memref<64x128xf32, #tpu.memory_space<vmem>>, vector<16xf32>,
    tpu.vector_store %arg5[%swap3A_1641, %swap3A_1642], %broadcast_in_dim3A_8 {strides = array<i32>} : memref<64x128xf32, #tpu.memory_space<vmem>>, vector<16xf32>,
    %swap3A_1644 = arith.constant 51 : i32
    %swap3A_1645 = arith.index_cast %swap3A_1644 : i32 to index
    %swap3A_1646 = arith.constant 16 : index
    %swap3A_1647 = tpu.vector_load %arg5[%swap3A_1645, %swap3A_1646] {strides = array<i32>} : memref<64x128xf32, #tpu.memory_space<vmem>>, vector<16xf32>,
    tpu.vector_store %arg5[%swap3A_1645, %swap3A_1646], %broadcast_in_dim3A_8 {strides = array<i32>} : memref<64x128xf32, #tpu.memory_space<vmem>>, vector<16xf32>,
    %swap3A_1648 = arith.constant 51 : i32
    %swap3A_1649 = arith.index_cast %swap3A_1648 : i32 to index
    %swap3A_1650 = arith.constant 32 : index
    %swap3A_1651 = tpu.vector_load %arg5[%swap3A_1649, %swap3A_1650] {strides = array<i32>} : memref<64x128xf32, #tpu.memory_space<vmem>>, vector<16xf32>,
    tpu.vector_store %arg5[%swap3A_1649, %swap3A_1650], %broadcast_in_dim3A_8 {strides = array<i32>} : memref<64x128xf32, #tpu.memory_space<vmem>>, vector<16xf32>,
    %swap3A_1652 = arith.constant 51 : i32
    %swap3A_1653 = arith.index_cast %swap3A_1652 : i32 to index
    %swap3A_1654 = arith.constant 48 : index
    %swap3A_1655 = tpu.vector_load %arg5[%swap3A_1653, %swap3A_1654] {strides = array<i32>} : memref<64x128xf32, #tpu.memory_space<vmem>>, vector<16xf32>,
    tpu.vector_store %arg5[%swap3A_1653, %swap3A_1654], %broadcast_in_dim3A_8 {strides = array<i32>} : memref<64x128xf32, #tpu.memory_space<vmem>>, vector<16xf32>,
    %swap3A_1656 = arith.constant 51 : i32
    %swap3A_1657 = arith.index_cast %swap3A_1656 : i32 to index
    %swap3A_1658 = arith.constant 64 : index
    %swap3A_1659 = tpu.vector_load %arg5[%swap3A_1657, %swap3A_1658] {strides = array<i32>} : memref<64x128xf32, #tpu.memory_space<vmem>>, vector<16xf32>,
    tpu.vector_store %arg5[%swap3A_1657, %swap3A_1658], %broadcast_in_dim3A_8 {strides = array<i32>} : memref<64x128xf32, #tpu.memory_space<vmem>>, vector<16xf32>,
    %swap3A_1660 = arith.constant 51 : i32
    %swap3A_1661 = arith.index_cast %swap3A_1660 : i32 to index
    %swap3A_1662 = arith.constant 80 : index
    %swap3A_1663 = tpu.vector_load %arg5[%swap3A_1661, %swap3A_1662] {strides = array<i32>} : memref<64x128xf32, #tpu.memory_space<vmem>>, vector<16xf32>,
    tpu.vector_store %arg5[%swap3A_1661, %swap3A_1662], %broadcast_in_dim3A_8 {strides = array<i32>} : memref<64x128xf32, #tpu.memory_space<vmem>>, vector<16xf32>,
    %swap3A_1664 = arith.constant 51 : i32
    %swap3A_1665 = arith.index_cast %swap3A_1664 : i32 to index
    %swap3A_1666 = arith.constant 96 : index
    %swap3A_1667 = tpu.vector_load %arg5[%swap3A_1665, %swap3A_1666] {strides = array<i32>} : memref<64x128xf32, #tpu.memory_space<vmem>>, vector<16xf32>,
    tpu.vector_store %arg5[%swap3A_1665, %swap3A_1666], %broadcast_in_dim3A_8 {strides = array<i32>} : memref<64x128xf32, #tpu.memory_space<vmem>>, vector<16xf32>,
    %swap3A_1668 = arith.constant 51 : i32
    %swap3A_1669 = arith.index_cast %swap3A_1668 : i32 to index
    %swap3A_1670 = arith.constant 112 : index
    %swap3A_1671 = tpu.vector_load %arg5[%swap3A_1669, %swap3A_1670] {strides = array<i32>} : memref<64x128xf32, #tpu.memory_space<vmem>>, vector<16xf32>,
    tpu.vector_store %arg5[%swap3A_1669, %swap3A_1670], %broadcast_in_dim3A_8 {strides = array<i32>} : memref<64x128xf32, #tpu.memory_space<vmem>>, vector<16xf32>,
    %swap3A_1672 = arith.constant 52 : i32
    %swap3A_1673 = arith.index_cast %swap3A_1672 : i32 to index
    %swap3A_1674 = arith.constant 0 : index
    %swap3A_1675 = tpu.vector_load %arg5[%swap3A_1673, %swap3A_1674] {strides = array<i32>} : memref<64x128xf32, #tpu.memory_space<vmem>>, vector<16xf32>,
    tpu.vector_store %arg5[%swap3A_1673, %swap3A_1674], %broadcast_in_dim3A_8 {strides = array<i32>} : memref<64x128xf32, #tpu.memory_space<vmem>>, vector<16xf32>,
    %swap3A_1676 = arith.constant 52 : i32
    %swap3A_1677 = arith.index_cast %swap3A_1676 : i32 to index
    %swap3A_1678 = arith.constant 16 : index
    %swap3A_1679 = tpu.vector_load %arg5[%swap3A_1677, %swap3A_1678] {strides = array<i32>} : memref<64x128xf32, #tpu.memory_space<vmem>>, vector<16xf32>,
    tpu.vector_store %arg5[%swap3A_1677, %swap3A_1678], %broadcast_in_dim3A_8 {strides = array<i32>} : memref<64x128xf32, #tpu.memory_space<vmem>>, vector<16xf32>,
    %swap3A_1680 = arith.constant 52 : i32
    %swap3A_1681 = arith.index_cast %swap3A_1680 : i32 to index
    %swap3A_1682 = arith.constant 32 : index
    %swap3A_1683 = tpu.vector_load %arg5[%swap3A_1681, %swap3A_1682] {strides = array<i32>} : memref<64x128xf32, #tpu.memory_space<vmem>>, vector<16xf32>,
    tpu.vector_store %arg5[%swap3A_1681, %swap3A_1682], %broadcast_in_dim3A_8 {strides = array<i32>} : memref<64x128xf32, #tpu.memory_space<vmem>>, vector<16xf32>,
    %swap3A_1684 = arith.constant 52 : i32
    %swap3A_1685 = arith.index_cast %swap3A_1684 : i32 to index
    %swap3A_1686 = arith.constant 48 : index
    %swap3A_1687 = tpu.vector_load %arg5[%swap3A_1685, %swap3A_1686] {strides = array<i32>} : memref<64x128xf32, #tpu.memory_space<vmem>>, vector<16xf32>,
    tpu.vector_store %arg5[%swap3A_1685, %swap3A_1686], %broadcast_in_dim3A_8 {strides = array<i32>} : memref<64x128xf32, #tpu.memory_space<vmem>>, vector<16xf32>,
    %swap3A_1688 = arith.constant 52 : i32
    %swap3A_1689 = arith.index_cast %swap3A_1688 : i32 to index
    %swap3A_1690 = arith.constant 64 : index
    %swap3A_1691 = tpu.vector_load %arg5[%swap3A_1689, %swap3A_1690] {strides = array<i32>} : memref<64x128xf32, #tpu.memory_space<vmem>>, vector<16xf32>,
    tpu.vector_store %arg5[%swap3A_1689, %swap3A_1690], %broadcast_in_dim3A_8 {strides = array<i32>} : memref<64x128xf32, #tpu.memory_space<vmem>>, vector<16xf32>,
    %swap3A_1692 = arith.constant 52 : i32
    %swap3A_1693 = arith.index_cast %swap3A_1692 : i32 to index
    %swap3A_1694 = arith.constant 80 : index
    %swap3A_1695 = tpu.vector_load %arg5[%swap3A_1693, %swap3A_1694] {strides = array<i32>} : memref<64x128xf32, #tpu.memory_space<vmem>>, vector<16xf32>,
    tpu.vector_store %arg5[%swap3A_1693, %swap3A_1694], %broadcast_in_dim3A_8 {strides = array<i32>} : memref<64x128xf32, #tpu.memory_space<vmem>>, vector<16xf32>,
    %swap3A_1696 = arith.constant 52 : i32
    %swap3A_1697 = arith.index_cast %swap3A_1696 : i32 to index
    %swap3A_1698 = arith.constant 96 : index
    %swap3A_1699 = tpu.vector_load %arg5[%swap3A_1697, %swap3A_1698] {strides = array<i32>} : memref<64x128xf32, #tpu.memory_space<vmem>>, vector<16xf32>,
    tpu.vector_store %arg5[%swap3A_1697, %swap3A_1698], %broadcast_in_dim3A_8 {strides = array<i32>} : memref<64x128xf32, #tpu.memory_space<vmem>>, vector<16xf32>,
    %swap3A_1700 = arith.constant 52 : i32
    %swap3A_1701 = arith.index_cast %swap3A_1700 : i32 to index
    %swap3A_1702 = arith.constant 112 : index
    %swap3A_1703 = tpu.vector_load %arg5[%swap3A_1701, %swap3A_1702] {strides = array<i32>} : memref<64x128xf32, #tpu.memory_space<vmem>>, vector<16xf32>,
    tpu.vector_store %arg5[%swap3A_1701, %swap3A_1702], %broadcast_in_dim3A_8 {strides = array<i32>} : memref<64x128xf32, #tpu.memory_space<vmem>>, vector<16xf32>,
    %swap3A_1704 = arith.constant 53 : i32
    %swap3A_1705 = arith.index_cast %swap3A_1704 : i32 to index
    %swap3A_1706 = arith.constant 0 : index
    %swap3A_1707 = tpu.vector_load %arg5[%swap3A_1705, %swap3A_1706] {strides = array<i32>} : memref<64x128xf32, #tpu.memory_space<vmem>>, vector<16xf32>,
    tpu.vector_store %arg5[%swap3A_1705, %swap3A_1706], %broadcast_in_dim3A_8 {strides = array<i32>} : memref<64x128xf32, #tpu.memory_space<vmem>>, vector<16xf32>,
    %swap3A_1708 = arith.constant 53 : i32
    %swap3A_1709 = arith.index_cast %swap3A_1708 : i32 to index
    %swap3A_1710 = arith.constant 16 : index
    %swap3A_1711 = tpu.vector_load %arg5[%swap3A_1709, %swap3A_1710] {strides = array<i32>} : memref<64x128xf32, #tpu.memory_space<vmem>>, vector<16xf32>,
    tpu.vector_store %arg5[%swap3A_1709, %swap3A_1710], %broadcast_in_dim3A_8 {strides = array<i32>} : memref<64x128xf32, #tpu.memory_space<vmem>>, vector<16xf32>,
    %swap3A_1712 = arith.constant 53 : i32
    %swap3A_1713 = arith.index_cast %swap3A_1712 : i32 to index
    %swap3A_1714 = arith.constant 32 : index
    %swap3A_1715 = tpu.vector_load %arg5[%swap3A_1713, %swap3A_1714] {strides = array<i32>} : memref<64x128xf32, #tpu.memory_space<vmem>>, vector<16xf32>,
    tpu.vector_store %arg5[%swap3A_1713, %swap3A_1714], %broadcast_in_dim3A_8 {strides = array<i32>} : memref<64x128xf32, #tpu.memory_space<vmem>>, vector<16xf32>,
    %swap3A_1716 = arith.constant 53 : i32
    %swap3A_1717 = arith.index_cast %swap3A_1716 : i32 to index
    %swap3A_1718 = arith.constant 48 : index
    %swap3A_1719 = tpu.vector_load %arg5[%swap3A_1717, %swap3A_1718] {strides = array<i32>} : memref<64x128xf32, #tpu.memory_space<vmem>>, vector<16xf32>,
    tpu.vector_store %arg5[%swap3A_1717, %swap3A_1718], %broadcast_in_dim3A_8 {strides = array<i32>} : memref<64x128xf32, #tpu.memory_space<vmem>>, vector<16xf32>,
    %swap3A_1720 = arith.constant 53 : i32
    %swap3A_1721 = arith.index_cast %swap3A_1720 : i32 to index
    %swap3A_1722 = arith.constant 64 : index
    %swap3A_1723 = tpu.vector_load %arg5[%swap3A_1721, %swap3A_1722] {strides = array<i32>} : memref<64x128xf32, #tpu.memory_space<vmem>>, vector<16xf32>,
    tpu.vector_store %arg5[%swap3A_1721, %swap3A_1722], %broadcast_in_dim3A_8 {strides = array<i32>} : memref<64x128xf32, #tpu.memory_space<vmem>>, vector<16xf32>,
    %swap3A_1724 = arith.constant 53 : i32
    %swap3A_1725 = arith.index_cast %swap3A_1724 : i32 to index
    %swap3A_1726 = arith.constant 80 : index
    %swap3A_1727 = tpu.vector_load %arg5[%swap3A_1725, %swap3A_1726] {strides = array<i32>} : memref<64x128xf32, #tpu.memory_space<vmem>>, vector<16xf32>,
    tpu.vector_store %arg5[%swap3A_1725, %swap3A_1726], %broadcast_in_dim3A_8 {strides = array<i32>} : memref<64x128xf32, #tpu.memory_space<vmem>>, vector<16xf32>,
    %swap3A_1728 = arith.constant 53 : i32
    %swap3A_1729 = arith.index_cast %swap3A_1728 : i32 to index
    %swap3A_1730 = arith.constant 96 : index
    %swap3A_1731 = tpu.vector_load %arg5[%swap3A_1729, %swap3A_1730] {strides = array<i32>} : memref<64x128xf32, #tpu.memory_space<vmem>>, vector<16xf32>,
    tpu.vector_store %arg5[%swap3A_1729, %swap3A_1730], %broadcast_in_dim3A_8 {strides = array<i32>} : memref<64x128xf32, #tpu.memory_space<vmem>>, vector<16xf32>,
    %swap3A_1732 = arith.constant 53 : i32
    %swap3A_1733 = arith.index_cast %swap3A_1732 : i32 to index
    %swap3A_1734 = arith.constant 112 : index
    %swap3A_1735 = tpu.vector_load %arg5[%swap3A_1733, %swap3A_1734] {strides = array<i32>} : memref<64x128xf32, #tpu.memory_space<vmem>>, vector<16xf32>,
    tpu.vector_store %arg5[%swap3A_1733, %swap3A_1734], %broadcast_in_dim3A_8 {strides = array<i32>} : memref<64x128xf32, #tpu.memory_space<vmem>>, vector<16xf32>,
    %swap3A_1736 = arith.constant 54 : i32
    %swap3A_1737 = arith.index_cast %swap3A_1736 : i32 to index
    %swap3A_1738 = arith.constant 0 : index
    %swap3A_1739 = tpu.vector_load %arg5[%swap3A_1737, %swap3A_1738] {strides = array<i32>} : memref<64x128xf32, #tpu.memory_space<vmem>>, vector<16xf32>,
    tpu.vector_store %arg5[%swap3A_1737, %swap3A_1738], %broadcast_in_dim3A_8 {strides = array<i32>} : memref<64x128xf32, #tpu.memory_space<vmem>>, vector<16xf32>,
    %swap3A_1740 = arith.constant 54 : i32
    %swap3A_1741 = arith.index_cast %swap3A_1740 : i32 to index
    %swap3A_1742 = arith.constant 16 : index
    %swap3A_1743 = tpu.vector_load %arg5[%swap3A_1741, %swap3A_1742] {strides = array<i32>} : memref<64x128xf32, #tpu.memory_space<vmem>>, vector<16xf32>,
    tpu.vector_store %arg5[%swap3A_1741, %swap3A_1742], %broadcast_in_dim3A_8 {strides = array<i32>} : memref<64x128xf32, #tpu.memory_space<vmem>>, vector<16xf32>,
    %swap3A_1744 = arith.constant 54 : i32
    %swap3A_1745 = arith.index_cast %swap3A_1744 : i32 to index
    %swap3A_1746 = arith.constant 32 : index
    %swap3A_1747 = tpu.vector_load %arg5[%swap3A_1745, %swap3A_1746] {strides = array<i32>} : memref<64x128xf32, #tpu.memory_space<vmem>>, vector<16xf32>,
    tpu.vector_store %arg5[%swap3A_1745, %swap3A_1746], %broadcast_in_dim3A_8 {strides = array<i32>} : memref<64x128xf32, #tpu.memory_space<vmem>>, vector<16xf32>,
    %swap3A_1748 = arith.constant 54 : i32
    %swap3A_1749 = arith.index_cast %swap3A_1748 : i32 to index
    %swap3A_1750 = arith.constant 48 : index
    %swap3A_1751 = tpu.vector_load %arg5[%swap3A_1749, %swap3A_1750] {strides = array<i32>} : memref<64x128xf32, #tpu.memory_space<vmem>>, vector<16xf32>,
    tpu.vector_store %arg5[%swap3A_1749, %swap3A_1750], %broadcast_in_dim3A_8 {strides = array<i32>} : memref<64x128xf32, #tpu.memory_space<vmem>>, vector<16xf32>,
    %swap3A_1752 = arith.constant 54 : i32
    %swap3A_1753 = arith.index_cast %swap3A_1752 : i32 to index
    %swap3A_1754 = arith.constant 64 : index
    %swap3A_1755 = tpu.vector_load %arg5[%swap3A_1753, %swap3A_1754] {strides = array<i32>} : memref<64x128xf32, #tpu.memory_space<vmem>>, vector<16xf32>,
    tpu.vector_store %arg5[%swap3A_1753, %swap3A_1754], %broadcast_in_dim3A_8 {strides = array<i32>} : memref<64x128xf32, #tpu.memory_space<vmem>>, vector<16xf32>,
    %swap3A_1756 = arith.constant 54 : i32
    %swap3A_1757 = arith.index_cast %swap3A_1756 : i32 to index
    %swap3A_1758 = arith.constant 80 : index
    %swap3A_1759 = tpu.vector_load %arg5[%swap3A_1757, %swap3A_1758] {strides = array<i32>} : memref<64x128xf32, #tpu.memory_space<vmem>>, vector<16xf32>,
    tpu.vector_store %arg5[%swap3A_1757, %swap3A_1758], %broadcast_in_dim3A_8 {strides = array<i32>} : memref<64x128xf32, #tpu.memory_space<vmem>>, vector<16xf32>,
    %swap3A_1760 = arith.constant 54 : i32
    %swap3A_1761 = arith.index_cast %swap3A_1760 : i32 to index
    %swap3A_1762 = arith.constant 96 : index
    %swap3A_1763 = tpu.vector_load %arg5[%swap3A_1761, %swap3A_1762] {strides = array<i32>} : memref<64x128xf32, #tpu.memory_space<vmem>>, vector<16xf32>,
    tpu.vector_store %arg5[%swap3A_1761, %swap3A_1762], %broadcast_in_dim3A_8 {strides = array<i32>} : memref<64x128xf32, #tpu.memory_space<vmem>>, vector<16xf32>,
    %swap3A_1764 = arith.constant 54 : i32
    %swap3A_1765 = arith.index_cast %swap3A_1764 : i32 to index
    %swap3A_1766 = arith.constant 112 : index
    %swap3A_1767 = tpu.vector_load %arg5[%swap3A_1765, %swap3A_1766] {strides = array<i32>} : memref<64x128xf32, #tpu.memory_space<vmem>>, vector<16xf32>,
    tpu.vector_store %arg5[%swap3A_1765, %swap3A_1766], %broadcast_in_dim3A_8 {strides = array<i32>} : memref<64x128xf32, #tpu.memory_space<vmem>>, vector<16xf32>,
    %swap3A_1768 = arith.constant 55 : i32
    %swap3A_1769 = arith.index_cast %swap3A_1768 : i32 to index
    %swap3A_1770 = arith.constant 0 : index
    %swap3A_1771 = tpu.vector_load %arg5[%swap3A_1769, %swap3A_1770] {strides = array<i32>} : memref<64x128xf32, #tpu.memory_space<vmem>>, vector<16xf32>,
    tpu.vector_store %arg5[%swap3A_1769, %swap3A_1770], %broadcast_in_dim3A_8 {strides = array<i32>} : memref<64x128xf32, #tpu.memory_space<vmem>>, vector<16xf32>,
    %swap3A_1772 = arith.constant 55 : i32
    %swap3A_1773 = arith.index_cast %swap3A_1772 : i32 to index
    %swap3A_1774 = arith.constant 16 : index
    %swap3A_1775 = tpu.vector_load %arg5[%swap3A_1773, %swap3A_1774] {strides = array<i32>} : memref<64x128xf32, #tpu.memory_space<vmem>>, vector<16xf32>,
    tpu.vector_store %arg5[%swap3A_1773, %swap3A_1774], %broadcast_in_dim3A_8 {strides = array<i32>} : memref<64x128xf32, #tpu.memory_space<vmem>>, vector<16xf32>,
    %swap3A_1776 = arith.constant 55 : i32
    %swap3A_1777 = arith.index_cast %swap3A_1776 : i32 to index
    %swap3A_1778 = arith.constant 32 : index
    %swap3A_1779 = tpu.vector_load %arg5[%swap3A_1777, %swap3A_1778] {strides = array<i32>} : memref<64x128xf32, #tpu.memory_space<vmem>>, vector<16xf32>,
    tpu.vector_store %arg5[%swap3A_1777, %swap3A_1778], %broadcast_in_dim3A_8 {strides = array<i32>} : memref<64x128xf32, #tpu.memory_space<vmem>>, vector<16xf32>,
    %swap3A_1780 = arith.constant 55 : i32
    %swap3A_1781 = arith.index_cast %swap3A_1780 : i32 to index
    %swap3A_1782 = arith.constant 48 : index
    %swap3A_1783 = tpu.vector_load %arg5[%swap3A_1781, %swap3A_1782] {strides = array<i32>} : memref<64x128xf32, #tpu.memory_space<vmem>>, vector<16xf32>,
    tpu.vector_store %arg5[%swap3A_1781, %swap3A_1782], %broadcast_in_dim3A_8 {strides = array<i32>} : memref<64x128xf32, #tpu.memory_space<vmem>>, vector<16xf32>,
    %swap3A_1784 = arith.constant 55 : i32
    %swap3A_1785 = arith.index_cast %swap3A_1784 : i32 to index
    %swap3A_1786 = arith.constant 64 : index
    %swap3A_1787 = tpu.vector_load %arg5[%swap3A_1785, %swap3A_1786] {strides = array<i32>} : memref<64x128xf32, #tpu.memory_space<vmem>>, vector<16xf32>,
    tpu.vector_store %arg5[%swap3A_1785, %swap3A_1786], %broadcast_in_dim3A_8 {strides = array<i32>} : memref<64x128xf32, #tpu.memory_space<vmem>>, vector<16xf32>,
    %swap3A_1788 = arith.constant 55 : i32
    %swap3A_1789 = arith.index_cast %swap3A_1788 : i32 to index
    %swap3A_1790 = arith.constant 80 : index
    %swap3A_1791 = tpu.vector_load %arg5[%swap3A_1789, %swap3A_1790] {strides = array<i32>} : memref<64x128xf32, #tpu.memory_space<vmem>>, vector<16xf32>,
    tpu.vector_store %arg5[%swap3A_1789, %swap3A_1790], %broadcast_in_dim3A_8 {strides = array<i32>} : memref<64x128xf32, #tpu.memory_space<vmem>>, vector<16xf32>,
    %swap3A_1792 = arith.constant 55 : i32
    %swap3A_1793 = arith.index_cast %swap3A_1792 : i32 to index
    %swap3A_1794 = arith.constant 96 : index
    %swap3A_1795 = tpu.vector_load %arg5[%swap3A_1793, %swap3A_1794] {strides = array<i32>} : memref<64x128xf32, #tpu.memory_space<vmem>>, vector<16xf32>,
    tpu.vector_store %arg5[%swap3A_1793, %swap3A_1794], %broadcast_in_dim3A_8 {strides = array<i32>} : memref<64x128xf32, #tpu.memory_space<vmem>>, vector<16xf32>,
    %swap3A_1796 = arith.constant 55 : i32
    %swap3A_1797 = arith.index_cast %swap3A_1796 : i32 to index
    %swap3A_1798 = arith.constant 112 : index
    %swap3A_1799 = tpu.vector_load %arg5[%swap3A_1797, %swap3A_1798] {strides = array<i32>} : memref<64x128xf32, #tpu.memory_space<vmem>>, vector<16xf32>,
    tpu.vector_store %arg5[%swap3A_1797, %swap3A_1798], %broadcast_in_dim3A_8 {strides = array<i32>} : memref<64x128xf32, #tpu.memory_space<vmem>>, vector<16xf32>,
    %swap3A_1800 = arith.constant 56 : i32
    %swap3A_1801 = arith.index_cast %swap3A_1800 : i32 to index
    %swap3A_1802 = arith.constant 0 : index
    %swap3A_1803 = tpu.vector_load %arg5[%swap3A_1801, %swap3A_1802] {strides = array<i32>} : memref<64x128xf32, #tpu.memory_space<vmem>>, vector<16xf32>,
    tpu.vector_store %arg5[%swap3A_1801, %swap3A_1802], %broadcast_in_dim3A_8 {strides = array<i32>} : memref<64x128xf32, #tpu.memory_space<vmem>>, vector<16xf32>,
    %swap3A_1804 = arith.constant 56 : i32
    %swap3A_1805 = arith.index_cast %swap3A_1804 : i32 to index
    %swap3A_1806 = arith.constant 16 : index
    %swap3A_1807 = tpu.vector_load %arg5[%swap3A_1805, %swap3A_1806] {strides = array<i32>} : memref<64x128xf32, #tpu.memory_space<vmem>>, vector<16xf32>,
    tpu.vector_store %arg5[%swap3A_1805, %swap3A_1806], %broadcast_in_dim3A_8 {strides = array<i32>} : memref<64x128xf32, #tpu.memory_space<vmem>>, vector<16xf32>,
    %swap3A_1808 = arith.constant 56 : i32
    %swap3A_1809 = arith.index_cast %swap3A_1808 : i32 to index
    %swap3A_1810 = arith.constant 32 : index
    %swap3A_1811 = tpu.vector_load %arg5[%swap3A_1809, %swap3A_1810] {strides = array<i32>} : memref<64x128xf32, #tpu.memory_space<vmem>>, vector<16xf32>,
    tpu.vector_store %arg5[%swap3A_1809, %swap3A_1810], %broadcast_in_dim3A_8 {strides = array<i32>} : memref<64x128xf32, #tpu.memory_space<vmem>>, vector<16xf32>,
    %swap3A_1812 = arith.constant 56 : i32
    %swap3A_1813 = arith.index_cast %swap3A_1812 : i32 to index
    %swap3A_1814 = arith.constant 48 : index
    %swap3A_1815 = tpu.vector_load %arg5[%swap3A_1813, %swap3A_1814] {strides = array<i32>} : memref<64x128xf32, #tpu.memory_space<vmem>>, vector<16xf32>,
    tpu.vector_store %arg5[%swap3A_1813, %swap3A_1814], %broadcast_in_dim3A_8 {strides = array<i32>} : memref<64x128xf32, #tpu.memory_space<vmem>>, vector<16xf32>,
    %swap3A_1816 = arith.constant 56 : i32
    %swap3A_1817 = arith.index_cast %swap3A_1816 : i32 to index
    %swap3A_1818 = arith.constant 64 : index
    %swap3A_1819 = tpu.vector_load %arg5[%swap3A_1817, %swap3A_1818] {strides = array<i32>} : memref<64x128xf32, #tpu.memory_space<vmem>>, vector<16xf32>,
    tpu.vector_store %arg5[%swap3A_1817, %swap3A_1818], %broadcast_in_dim3A_8 {strides = array<i32>} : memref<64x128xf32, #tpu.memory_space<vmem>>, vector<16xf32>,
    %swap3A_1820 = arith.constant 56 : i32
    %swap3A_1821 = arith.index_cast %swap3A_1820 : i32 to index
    %swap3A_1822 = arith.constant 80 : index
    %swap3A_1823 = tpu.vector_load %arg5[%swap3A_1821, %swap3A_1822] {strides = array<i32>} : memref<64x128xf32, #tpu.memory_space<vmem>>, vector<16xf32>,
    tpu.vector_store %arg5[%swap3A_1821, %swap3A_1822], %broadcast_in_dim3A_8 {strides = array<i32>} : memref<64x128xf32, #tpu.memory_space<vmem>>, vector<16xf32>,
    %swap3A_1824 = arith.constant 56 : i32
    %swap3A_1825 = arith.index_cast %swap3A_1824 : i32 to index
    %swap3A_1826 = arith.constant 96 : index
    %swap3A_1827 = tpu.vector_load %arg5[%swap3A_1825, %swap3A_1826] {strides = array<i32>} : memref<64x128xf32, #tpu.memory_space<vmem>>, vector<16xf32>,
    tpu.vector_store %arg5[%swap3A_1825, %swap3A_1826], %broadcast_in_dim3A_8 {strides = array<i32>} : memref<64x128xf32, #tpu.memory_space<vmem>>, vector<16xf32>,
    %swap3A_1828 = arith.constant 56 : i32
    %swap3A_1829 = arith.index_cast %swap3A_1828 : i32 to index
    %swap3A_1830 = arith.constant 112 : index
    %swap3A_1831 = tpu.vector_load %arg5[%swap3A_1829, %swap3A_1830] {strides = array<i32>} : memref<64x128xf32, #tpu.memory_space<vmem>>, vector<16xf32>,
    tpu.vector_store %arg5[%swap3A_1829, %swap3A_1830], %broadcast_in_dim3A_8 {strides = array<i32>} : memref<64x128xf32, #tpu.memory_space<vmem>>, vector<16xf32>,
    %swap3A_1832 = arith.constant 57 : i32
    %swap3A_1833 = arith.index_cast %swap3A_1832 : i32 to index
    %swap3A_1834 = arith.constant 0 : index
    %swap3A_1835 = tpu.vector_load %arg5[%swap3A_1833, %swap3A_1834] {strides = array<i32>} : memref<64x128xf32, #tpu.memory_space<vmem>>, vector<16xf32>,
    tpu.vector_store %arg5[%swap3A_1833, %swap3A_1834], %broadcast_in_dim3A_8 {strides = array<i32>} : memref<64x128xf32, #tpu.memory_space<vmem>>, vector<16xf32>,
    %swap3A_1836 = arith.constant 57 : i32
    %swap3A_1837 = arith.index_cast %swap3A_1836 : i32 to index
    %swap3A_1838 = arith.constant 16 : index
    %swap3A_1839 = tpu.vector_load %arg5[%swap3A_1837, %swap3A_1838] {strides = array<i32>} : memref<64x128xf32, #tpu.memory_space<vmem>>, vector<16xf32>,
    tpu.vector_store %arg5[%swap3A_1837, %swap3A_1838], %broadcast_in_dim3A_8 {strides = array<i32>} : memref<64x128xf32, #tpu.memory_space<vmem>>, vector<16xf32>,
    %swap3A_1840 = arith.constant 57 : i32
    %swap3A_1841 = arith.index_cast %swap3A_1840 : i32 to index
    %swap3A_1842 = arith.constant 32 : index
    %swap3A_1843 = tpu.vector_load %arg5[%swap3A_1841, %swap3A_1842] {strides = array<i32>} : memref<64x128xf32, #tpu.memory_space<vmem>>, vector<16xf32>,
    tpu.vector_store %arg5[%swap3A_1841, %swap3A_1842], %broadcast_in_dim3A_8 {strides = array<i32>} : memref<64x128xf32, #tpu.memory_space<vmem>>, vector<16xf32>,
    %swap3A_1844 = arith.constant 57 : i32
    %swap3A_1845 = arith.index_cast %swap3A_1844 : i32 to index
    %swap3A_1846 = arith.constant 48 : index
    %swap3A_1847 = tpu.vector_load %arg5[%swap3A_1845, %swap3A_1846] {strides = array<i32>} : memref<64x128xf32, #tpu.memory_space<vmem>>, vector<16xf32>,
    tpu.vector_store %arg5[%swap3A_1845, %swap3A_1846], %broadcast_in_dim3A_8 {strides = array<i32>} : memref<64x128xf32, #tpu.memory_space<vmem>>, vector<16xf32>,
    %swap3A_1848 = arith.constant 57 : i32
    %swap3A_1849 = arith.index_cast %swap3A_1848 : i32 to index
    %swap3A_1850 = arith.constant 64 : index
    %swap3A_1851 = tpu.vector_load %arg5[%swap3A_1849, %swap3A_1850] {strides = array<i32>} : memref<64x128xf32, #tpu.memory_space<vmem>>, vector<16xf32>,
    tpu.vector_store %arg5[%swap3A_1849, %swap3A_1850], %broadcast_in_dim3A_8 {strides = array<i32>} : memref<64x128xf32, #tpu.memory_space<vmem>>, vector<16xf32>,
    %swap3A_1852 = arith.constant 57 : i32
    %swap3A_1853 = arith.index_cast %swap3A_1852 : i32 to index
    %swap3A_1854 = arith.constant 80 : index
    %swap3A_1855 = tpu.vector_load %arg5[%swap3A_1853, %swap3A_1854] {strides = array<i32>} : memref<64x128xf32, #tpu.memory_space<vmem>>, vector<16xf32>,
    tpu.vector_store %arg5[%swap3A_1853, %swap3A_1854], %broadcast_in_dim3A_8 {strides = array<i32>} : memref<64x128xf32, #tpu.memory_space<vmem>>, vector<16xf32>,
    %swap3A_1856 = arith.constant 57 : i32
    %swap3A_1857 = arith.index_cast %swap3A_1856 : i32 to index
    %swap3A_1858 = arith.constant 96 : index
    %swap3A_1859 = tpu.vector_load %arg5[%swap3A_1857, %swap3A_1858] {strides = array<i32>} : memref<64x128xf32, #tpu.memory_space<vmem>>, vector<16xf32>,
    tpu.vector_store %arg5[%swap3A_1857, %swap3A_1858], %broadcast_in_dim3A_8 {strides = array<i32>} : memref<64x128xf32, #tpu.memory_space<vmem>>, vector<16xf32>,
    %swap3A_1860 = arith.constant 57 : i32
    %swap3A_1861 = arith.index_cast %swap3A_1860 : i32 to index
    %swap3A_1862 = arith.constant 112 : index
    %swap3A_1863 = tpu.vector_load %arg5[%swap3A_1861, %swap3A_1862] {strides = array<i32>} : memref<64x128xf32, #tpu.memory_space<vmem>>, vector<16xf32>,
    tpu.vector_store %arg5[%swap3A_1861, %swap3A_1862], %broadcast_in_dim3A_8 {strides = array<i32>} : memref<64x128xf32, #tpu.memory_space<vmem>>, vector<16xf32>,
    %swap3A_1864 = arith.constant 58 : i32
    %swap3A_1865 = arith.index_cast %swap3A_1864 : i32 to index
    %swap3A_1866 = arith.constant 0 : index
    %swap3A_1867 = tpu.vector_load %arg5[%swap3A_1865, %swap3A_1866] {strides = array<i32>} : memref<64x128xf32, #tpu.memory_space<vmem>>, vector<16xf32>,
    tpu.vector_store %arg5[%swap3A_1865, %swap3A_1866], %broadcast_in_dim3A_8 {strides = array<i32>} : memref<64x128xf32, #tpu.memory_space<vmem>>, vector<16xf32>,
    %swap3A_1868 = arith.constant 58 : i32
    %swap3A_1869 = arith.index_cast %swap3A_1868 : i32 to index
    %swap3A_1870 = arith.constant 16 : index
    %swap3A_1871 = tpu.vector_load %arg5[%swap3A_1869, %swap3A_1870] {strides = array<i32>} : memref<64x128xf32, #tpu.memory_space<vmem>>, vector<16xf32>,
    tpu.vector_store %arg5[%swap3A_1869, %swap3A_1870], %broadcast_in_dim3A_8 {strides = array<i32>} : memref<64x128xf32, #tpu.memory_space<vmem>>, vector<16xf32>,
    %swap3A_1872 = arith.constant 58 : i32
    %swap3A_1873 = arith.index_cast %swap3A_1872 : i32 to index
    %swap3A_1874 = arith.constant 32 : index
    %swap3A_1875 = tpu.vector_load %arg5[%swap3A_1873, %swap3A_1874] {strides = array<i32>} : memref<64x128xf32, #tpu.memory_space<vmem>>, vector<16xf32>,
    tpu.vector_store %arg5[%swap3A_1873, %swap3A_1874], %broadcast_in_dim3A_8 {strides = array<i32>} : memref<64x128xf32, #tpu.memory_space<vmem>>, vector<16xf32>,
    %swap3A_1876 = arith.constant 58 : i32
    %swap3A_1877 = arith.index_cast %swap3A_1876 : i32 to index
    %swap3A_1878 = arith.constant 48 : index
    %swap3A_1879 = tpu.vector_load %arg5[%swap3A_1877, %swap3A_1878] {strides = array<i32>} : memref<64x128xf32, #tpu.memory_space<vmem>>, vector<16xf32>,
    tpu.vector_store %arg5[%swap3A_1877, %swap3A_1878], %broadcast_in_dim3A_8 {strides = array<i32>} : memref<64x128xf32, #tpu.memory_space<vmem>>, vector<16xf32>,
    %swap3A_1880 = arith.constant 58 : i32
    %swap3A_1881 = arith.index_cast %swap3A_1880 : i32 to index
    %swap3A_1882 = arith.constant 64 : index
    %swap3A_1883 = tpu.vector_load %arg5[%swap3A_1881, %swap3A_1882] {strides = array<i32>} : memref<64x128xf32, #tpu.memory_space<vmem>>, vector<16xf32>,
    tpu.vector_store %arg5[%swap3A_1881, %swap3A_1882], %broadcast_in_dim3A_8 {strides = array<i32>} : memref<64x128xf32, #tpu.memory_space<vmem>>, vector<16xf32>,
    %swap3A_1884 = arith.constant 58 : i32
    %swap3A_1885 = arith.index_cast %swap3A_1884 : i32 to index
    %swap3A_1886 = arith.constant 80 : index
    %swap3A_1887 = tpu.vector_load %arg5[%swap3A_1885, %swap3A_1886] {strides = array<i32>} : memref<64x128xf32, #tpu.memory_space<vmem>>, vector<16xf32>,
    tpu.vector_store %arg5[%swap3A_1885, %swap3A_1886], %broadcast_in_dim3A_8 {strides = array<i32>} : memref<64x128xf32, #tpu.memory_space<vmem>>, vector<16xf32>,
    %swap3A_1888 = arith.constant 58 : i32
    %swap3A_1889 = arith.index_cast %swap3A_1888 : i32 to index
    %swap3A_1890 = arith.constant 96 : index
    %swap3A_1891 = tpu.vector_load %arg5[%swap3A_1889, %swap3A_1890] {strides = array<i32>} : memref<64x128xf32, #tpu.memory_space<vmem>>, vector<16xf32>,
    tpu.vector_store %arg5[%swap3A_1889, %swap3A_1890], %broadcast_in_dim3A_8 {strides = array<i32>} : memref<64x128xf32, #tpu.memory_space<vmem>>, vector<16xf32>,
    %swap3A_1892 = arith.constant 58 : i32
    %swap3A_1893 = arith.index_cast %swap3A_1892 : i32 to index
    %swap3A_1894 = arith.constant 112 : index
    %swap3A_1895 = tpu.vector_load %arg5[%swap3A_1893, %swap3A_1894] {strides = array<i32>} : memref<64x128xf32, #tpu.memory_space<vmem>>, vector<16xf32>,
    tpu.vector_store %arg5[%swap3A_1893, %swap3A_1894], %broadcast_in_dim3A_8 {strides = array<i32>} : memref<64x128xf32, #tpu.memory_space<vmem>>, vector<16xf32>,
    %swap3A_1896 = arith.constant 59 : i32
    %swap3A_1897 = arith.index_cast %swap3A_1896 : i32 to index
    %swap3A_1898 = arith.constant 0 : index
    %swap3A_1899 = tpu.vector_load %arg5[%swap3A_1897, %swap3A_1898] {strides = array<i32>} : memref<64x128xf32, #tpu.memory_space<vmem>>, vector<16xf32>,
    tpu.vector_store %arg5[%swap3A_1897, %swap3A_1898], %broadcast_in_dim3A_8 {strides = array<i32>} : memref<64x128xf32, #tpu.memory_space<vmem>>, vector<16xf32>,
    %swap3A_1900 = arith.constant 59 : i32
    %swap3A_1901 = arith.index_cast %swap3A_1900 : i32 to index
    %swap3A_1902 = arith.constant 16 : index
    %swap3A_1903 = tpu.vector_load %arg5[%swap3A_1901, %swap3A_1902] {strides = array<i32>} : memref<64x128xf32, #tpu.memory_space<vmem>>, vector<16xf32>,
    tpu.vector_store %arg5[%swap3A_1901, %swap3A_1902], %broadcast_in_dim3A_8 {strides = array<i32>} : memref<64x128xf32, #tpu.memory_space<vmem>>, vector<16xf32>,
    %swap3A_1904 = arith.constant 59 : i32
    %swap3A_1905 = arith.index_cast %swap3A_1904 : i32 to index
    %swap3A_1906 = arith.constant 32 : index
    %swap3A_1907 = tpu.vector_load %arg5[%swap3A_1905, %swap3A_1906] {strides = array<i32>} : memref<64x128xf32, #tpu.memory_space<vmem>>, vector<16xf32>,
    tpu.vector_store %arg5[%swap3A_1905, %swap3A_1906], %broadcast_in_dim3A_8 {strides = array<i32>} : memref<64x128xf32, #tpu.memory_space<vmem>>, vector<16xf32>,
    %swap3A_1908 = arith.constant 59 : i32
    %swap3A_1909 = arith.index_cast %swap3A_1908 : i32 to index
    %swap3A_1910 = arith.constant 48 : index
    %swap3A_1911 = tpu.vector_load %arg5[%swap3A_1909, %swap3A_1910] {strides = array<i32>} : memref<64x128xf32, #tpu.memory_space<vmem>>, vector<16xf32>,
    tpu.vector_store %arg5[%swap3A_1909, %swap3A_1910], %broadcast_in_dim3A_8 {strides = array<i32>} : memref<64x128xf32, #tpu.memory_space<vmem>>, vector<16xf32>,
    %swap3A_1912 = arith.constant 59 : i32
    %swap3A_1913 = arith.index_cast %swap3A_1912 : i32 to index
    %swap3A_1914 = arith.constant 64 : index
    %swap3A_1915 = tpu.vector_load %arg5[%swap3A_1913, %swap3A_1914] {strides = array<i32>} : memref<64x128xf32, #tpu.memory_space<vmem>>, vector<16xf32>,
    tpu.vector_store %arg5[%swap3A_1913, %swap3A_1914], %broadcast_in_dim3A_8 {strides = array<i32>} : memref<64x128xf32, #tpu.memory_space<vmem>>, vector<16xf32>,
    %swap3A_1916 = arith.constant 59 : i32
    %swap3A_1917 = arith.index_cast %swap3A_1916 : i32 to index
    %swap3A_1918 = arith.constant 80 : index
    %swap3A_1919 = tpu.vector_load %arg5[%swap3A_1917, %swap3A_1918] {strides = array<i32>} : memref<64x128xf32, #tpu.memory_space<vmem>>, vector<16xf32>,
    tpu.vector_store %arg5[%swap3A_1917, %swap3A_1918], %broadcast_in_dim3A_8 {strides = array<i32>} : memref<64x128xf32, #tpu.memory_space<vmem>>, vector<16xf32>,
    %swap3A_1920 = arith.constant 59 : i32
    %swap3A_1921 = arith.index_cast %swap3A_1920 : i32 to index
    %swap3A_1922 = arith.constant 96 : index
    %swap3A_1923 = tpu.vector_load %arg5[%swap3A_1921, %swap3A_1922] {strides = array<i32>} : memref<64x128xf32, #tpu.memory_space<vmem>>, vector<16xf32>,
    tpu.vector_store %arg5[%swap3A_1921, %swap3A_1922], %broadcast_in_dim3A_8 {strides = array<i32>} : memref<64x128xf32, #tpu.memory_space<vmem>>, vector<16xf32>,
    %swap3A_1924 = arith.constant 59 : i32
    %swap3A_1925 = arith.index_cast %swap3A_1924 : i32 to index
    %swap3A_1926 = arith.constant 112 : index
    %swap3A_1927 = tpu.vector_load %arg5[%swap3A_1925, %swap3A_1926] {strides = array<i32>} : memref<64x128xf32, #tpu.memory_space<vmem>>, vector<16xf32>,
    tpu.vector_store %arg5[%swap3A_1925, %swap3A_1926], %broadcast_in_dim3A_8 {strides = array<i32>} : memref<64x128xf32, #tpu.memory_space<vmem>>, vector<16xf32>,
    %swap3A_1928 = arith.constant 60 : i32
    %swap3A_1929 = arith.index_cast %swap3A_1928 : i32 to index
    %swap3A_1930 = arith.constant 0 : index
    %swap3A_1931 = tpu.vector_load %arg5[%swap3A_1929, %swap3A_1930] {strides = array<i32>} : memref<64x128xf32, #tpu.memory_space<vmem>>, vector<16xf32>,
    tpu.vector_store %arg5[%swap3A_1929, %swap3A_1930], %broadcast_in_dim3A_8 {strides = array<i32>} : memref<64x128xf32, #tpu.memory_space<vmem>>, vector<16xf32>,
    %swap3A_1932 = arith.constant 60 : i32
    %swap3A_1933 = arith.index_cast %swap3A_1932 : i32 to index
    %swap3A_1934 = arith.constant 16 : index
    %swap3A_1935 = tpu.vector_load %arg5[%swap3A_1933, %swap3A_1934] {strides = array<i32>} : memref<64x128xf32, #tpu.memory_space<vmem>>, vector<16xf32>,
    tpu.vector_store %arg5[%swap3A_1933, %swap3A_1934], %broadcast_in_dim3A_8 {strides = array<i32>} : memref<64x128xf32, #tpu.memory_space<vmem>>, vector<16xf32>,
    %swap3A_1936 = arith.constant 60 : i32
    %swap3A_1937 = arith.index_cast %swap3A_1936 : i32 to index
    %swap3A_1938 = arith.constant 32 : index
    %swap3A_1939 = tpu.vector_load %arg5[%swap3A_1937, %swap3A_1938] {strides = array<i32>} : memref<64x128xf32, #tpu.memory_space<vmem>>, vector<16xf32>,
    tpu.vector_store %arg5[%swap3A_1937, %swap3A_1938], %broadcast_in_dim3A_8 {strides = array<i32>} : memref<64x128xf32, #tpu.memory_space<vmem>>, vector<16xf32>,
    %swap3A_1940 = arith.constant 60 : i32
    %swap3A_1941 = arith.index_cast %swap3A_1940 : i32 to index
    %swap3A_1942 = arith.constant 48 : index
    %swap3A_1943 = tpu.vector_load %arg5[%swap3A_1941, %swap3A_1942] {strides = array<i32>} : memref<64x128xf32, #tpu.memory_space<vmem>>, vector<16xf32>,
    tpu.vector_store %arg5[%swap3A_1941, %swap3A_1942], %broadcast_in_dim3A_8 {strides = array<i32>} : memref<64x128xf32, #tpu.memory_space<vmem>>, vector<16xf32>,
    %swap3A_1944 = arith.constant 60 : i32
    %swap3A_1945 = arith.index_cast %swap3A_1944 : i32 to index
    %swap3A_1946 = arith.constant 64 : index
    %swap3A_1947 = tpu.vector_load %arg5[%swap3A_1945, %swap3A_1946] {strides = array<i32>} : memref<64x128xf32, #tpu.memory_space<vmem>>, vector<16xf32>,
    tpu.vector_store %arg5[%swap3A_1945, %swap3A_1946], %broadcast_in_dim3A_8 {strides = array<i32>} : memref<64x128xf32, #tpu.memory_space<vmem>>, vector<16xf32>,
    %swap3A_1948 = arith.constant 60 : i32
    %swap3A_1949 = arith.index_cast %swap3A_1948 : i32 to index
    %swap3A_1950 = arith.constant 80 : index
    %swap3A_1951 = tpu.vector_load %arg5[%swap3A_1949, %swap3A_1950] {strides = array<i32>} : memref<64x128xf32, #tpu.memory_space<vmem>>, vector<16xf32>,
    tpu.vector_store %arg5[%swap3A_1949, %swap3A_1950], %broadcast_in_dim3A_8 {strides = array<i32>} : memref<64x128xf32, #tpu.memory_space<vmem>>, vector<16xf32>,
    %swap3A_1952 = arith.constant 60 : i32
    %swap3A_1953 = arith.index_cast %swap3A_1952 : i32 to index
    %swap3A_1954 = arith.constant 96 : index
    %swap3A_1955 = tpu.vector_load %arg5[%swap3A_1953, %swap3A_1954] {strides = array<i32>} : memref<64x128xf32, #tpu.memory_space<vmem>>, vector<16xf32>,
    tpu.vector_store %arg5[%swap3A_1953, %swap3A_1954], %broadcast_in_dim3A_8 {strides = array<i32>} : memref<64x128xf32, #tpu.memory_space<vmem>>, vector<16xf32>,
    %swap3A_1956 = arith.constant 60 : i32
    %swap3A_1957 = arith.index_cast %swap3A_1956 : i32 to index
    %swap3A_1958 = arith.constant 112 : index
    %swap3A_1959 = tpu.vector_load %arg5[%swap3A_1957, %swap3A_1958] {strides = array<i32>} : memref<64x128xf32, #tpu.memory_space<vmem>>, vector<16xf32>,
    tpu.vector_store %arg5[%swap3A_1957, %swap3A_1958], %broadcast_in_dim3A_8 {strides = array<i32>} : memref<64x128xf32, #tpu.memory_space<vmem>>, vector<16xf32>,
    %swap3A_1960 = arith.constant 61 : i32
    %swap3A_1961 = arith.index_cast %swap3A_1960 : i32 to index
    %swap3A_1962 = arith.constant 0 : index
    %swap3A_1963 = tpu.vector_load %arg5[%swap3A_1961, %swap3A_1962] {strides = array<i32>} : memref<64x128xf32, #tpu.memory_space<vmem>>, vector<16xf32>,
    tpu.vector_store %arg5[%swap3A_1961, %swap3A_1962], %broadcast_in_dim3A_8 {strides = array<i32>} : memref<64x128xf32, #tpu.memory_space<vmem>>, vector<16xf32>,
    %swap3A_1964 = arith.constant 61 : i32
    %swap3A_1965 = arith.index_cast %swap3A_1964 : i32 to index
    %swap3A_1966 = arith.constant 16 : index
    %swap3A_1967 = tpu.vector_load %arg5[%swap3A_1965, %swap3A_1966] {strides = array<i32>} : memref<64x128xf32, #tpu.memory_space<vmem>>, vector<16xf32>,
    tpu.vector_store %arg5[%swap3A_1965, %swap3A_1966], %broadcast_in_dim3A_8 {strides = array<i32>} : memref<64x128xf32, #tpu.memory_space<vmem>>, vector<16xf32>,
    %swap3A_1968 = arith.constant 61 : i32
    %swap3A_1969 = arith.index_cast %swap3A_1968 : i32 to index
    %swap3A_1970 = arith.constant 32 : index
    %swap3A_1971 = tpu.vector_load %arg5[%swap3A_1969, %swap3A_1970] {strides = array<i32>} : memref<64x128xf32, #tpu.memory_space<vmem>>, vector<16xf32>,
    tpu.vector_store %arg5[%swap3A_1969, %swap3A_1970], %broadcast_in_dim3A_8 {strides = array<i32>} : memref<64x128xf32, #tpu.memory_space<vmem>>, vector<16xf32>,
    %swap3A_1972 = arith.constant 61 : i32
    %swap3A_1973 = arith.index_cast %swap3A_1972 : i32 to index
    %swap3A_1974 = arith.constant 48 : index
    %swap3A_1975 = tpu.vector_load %arg5[%swap3A_1973, %swap3A_1974] {strides = array<i32>} : memref<64x128xf32, #tpu.memory_space<vmem>>, vector<16xf32>,
    tpu.vector_store %arg5[%swap3A_1973, %swap3A_1974], %broadcast_in_dim3A_8 {strides = array<i32>} : memref<64x128xf32, #tpu.memory_space<vmem>>, vector<16xf32>,
    %swap3A_1976 = arith.constant 61 : i32
    %swap3A_1977 = arith.index_cast %swap3A_1976 : i32 to index
    %swap3A_1978 = arith.constant 64 : index
    %swap3A_1979 = tpu.vector_load %arg5[%swap3A_1977, %swap3A_1978] {strides = array<i32>} : memref<64x128xf32, #tpu.memory_space<vmem>>, vector<16xf32>,
    tpu.vector_store %arg5[%swap3A_1977, %swap3A_1978], %broadcast_in_dim3A_8 {strides = array<i32>} : memref<64x128xf32, #tpu.memory_space<vmem>>, vector<16xf32>,
    %swap3A_1980 = arith.constant 61 : i32
    %swap3A_1981 = arith.index_cast %swap3A_1980 : i32 to index
    %swap3A_1982 = arith.constant 80 : index
    %swap3A_1983 = tpu.vector_load %arg5[%swap3A_1981, %swap3A_1982] {strides = array<i32>} : memref<64x128xf32, #tpu.memory_space<vmem>>, vector<16xf32>,
    tpu.vector_store %arg5[%swap3A_1981, %swap3A_1982], %broadcast_in_dim3A_8 {strides = array<i32>} : memref<64x128xf32, #tpu.memory_space<vmem>>, vector<16xf32>,
    %swap3A_1984 = arith.constant 61 : i32
    %swap3A_1985 = arith.index_cast %swap3A_1984 : i32 to index
    %swap3A_1986 = arith.constant 96 : index
    %swap3A_1987 = tpu.vector_load %arg5[%swap3A_1985, %swap3A_1986] {strides = array<i32>} : memref<64x128xf32, #tpu.memory_space<vmem>>, vector<16xf32>,
    tpu.vector_store %arg5[%swap3A_1985, %swap3A_1986], %broadcast_in_dim3A_8 {strides = array<i32>} : memref<64x128xf32, #tpu.memory_space<vmem>>, vector<16xf32>,
    %swap3A_1988 = arith.constant 61 : i32
    %swap3A_1989 = arith.index_cast %swap3A_1988 : i32 to index
    %swap3A_1990 = arith.constant 112 : index
    %swap3A_1991 = tpu.vector_load %arg5[%swap3A_1989, %swap3A_1990] {strides = array<i32>} : memref<64x128xf32, #tpu.memory_space<vmem>>, vector<16xf32>,
    tpu.vector_store %arg5[%swap3A_1989, %swap3A_1990], %broadcast_in_dim3A_8 {strides = array<i32>} : memref<64x128xf32, #tpu.memory_space<vmem>>, vector<16xf32>,
    %swap3A_1992 = arith.constant 62 : i32
    %swap3A_1993 = arith.index_cast %swap3A_1992 : i32 to index
    %swap3A_1994 = arith.constant 0 : index
    %swap3A_1995 = tpu.vector_load %arg5[%swap3A_1993, %swap3A_1994] {strides = array<i32>} : memref<64x128xf32, #tpu.memory_space<vmem>>, vector<16xf32>,
    tpu.vector_store %arg5[%swap3A_1993, %swap3A_1994], %broadcast_in_dim3A_8 {strides = array<i32>} : memref<64x128xf32, #tpu.memory_space<vmem>>, vector<16xf32>,
    %swap3A_1996 = arith.constant 62 : i32
    %swap3A_1997 = arith.index_cast %swap3A_1996 : i32 to index
    %swap3A_1998 = arith.constant 16 : index
    %swap3A_1999 = tpu.vector_load %arg5[%swap3A_1997, %swap3A_1998] {strides = array<i32>} : memref<64x128xf32, #tpu.memory_space<vmem>>, vector<16xf32>,
    tpu.vector_store %arg5[%swap3A_1997, %swap3A_1998], %broadcast_in_dim3A_8 {strides = array<i32>} : memref<64x128xf32, #tpu.memory_space<vmem>>, vector<16xf32>,
    %swap3A_2000 = arith.constant 62 : i32
    %swap3A_2001 = arith.index_cast %swap3A_2000 : i32 to index
    %swap3A_2002 = arith.constant 32 : index
    %swap3A_2003 = tpu.vector_load %arg5[%swap3A_2001, %swap3A_2002] {strides = array<i32>} : memref<64x128xf32, #tpu.memory_space<vmem>>, vector<16xf32>,
    tpu.vector_store %arg5[%swap3A_2001, %swap3A_2002], %broadcast_in_dim3A_8 {strides = array<i32>} : memref<64x128xf32, #tpu.memory_space<vmem>>, vector<16xf32>,
    %swap3A_2004 = arith.constant 62 : i32
    %swap3A_2005 = arith.index_cast %swap3A_2004 : i32 to index
    %swap3A_2006 = arith.constant 48 : index
    %swap3A_2007 = tpu.vector_load %arg5[%swap3A_2005, %swap3A_2006] {strides = array<i32>} : memref<64x128xf32, #tpu.memory_space<vmem>>, vector<16xf32>,
    tpu.vector_store %arg5[%swap3A_2005, %swap3A_2006], %broadcast_in_dim3A_8 {strides = array<i32>} : memref<64x128xf32, #tpu.memory_space<vmem>>, vector<16xf32>,
    %swap3A_2008 = arith.constant 62 : i32
    %swap3A_2009 = arith.index_cast %swap3A_2008 : i32 to index
    %swap3A_2010 = arith.constant 64 : index
    %swap3A_2011 = tpu.vector_load %arg5[%swap3A_2009, %swap3A_2010] {strides = array<i32>} : memref<64x128xf32, #tpu.memory_space<vmem>>, vector<16xf32>,
    tpu.vector_store %arg5[%swap3A_2009, %swap3A_2010], %broadcast_in_dim3A_8 {strides = array<i32>} : memref<64x128xf32, #tpu.memory_space<vmem>>, vector<16xf32>,
    %swap3A_2012 = arith.constant 62 : i32
    %swap3A_2013 = arith.index_cast %swap3A_2012 : i32 to index
    %swap3A_2014 = arith.constant 80 : index
    %swap3A_2015 = tpu.vector_load %arg5[%swap3A_2013, %swap3A_2014] {strides = array<i32>} : memref<64x128xf32, #tpu.memory_space<vmem>>, vector<16xf32>,
    tpu.vector_store %arg5[%swap3A_2013, %swap3A_2014], %broadcast_in_dim3A_8 {strides = array<i32>} : memref<64x128xf32, #tpu.memory_space<vmem>>, vector<16xf32>,
    %swap3A_2016 = arith.constant 62 : i32
    %swap3A_2017 = arith.index_cast %swap3A_2016 : i32 to index
    %swap3A_2018 = arith.constant 96 : index
    %swap3A_2019 = tpu.vector_load %arg5[%swap3A_2017, %swap3A_2018] {strides = array<i32>} : memref<64x128xf32, #tpu.memory_space<vmem>>, vector<16xf32>,
    tpu.vector_store %arg5[%swap3A_2017, %swap3A_2018], %broadcast_in_dim3A_8 {strides = array<i32>} : memref<64x128xf32, #tpu.memory_space<vmem>>, vector<16xf32>,
    %swap3A_2020 = arith.constant 62 : i32
    %swap3A_2021 = arith.index_cast %swap3A_2020 : i32 to index
    %swap3A_2022 = arith.constant 112 : index
    %swap3A_2023 = tpu.vector_load %arg5[%swap3A_2021, %swap3A_2022] {strides = array<i32>} : memref<64x128xf32, #tpu.memory_space<vmem>>, vector<16xf32>,
    tpu.vector_store %arg5[%swap3A_2021, %swap3A_2022], %broadcast_in_dim3A_8 {strides = array<i32>} : memref<64x128xf32, #tpu.memory_space<vmem>>, vector<16xf32>,
    %swap3A_2024 = arith.constant 63 : i32
    %swap3A_2025 = arith.index_cast %swap3A_2024 : i32 to index
    %swap3A_2026 = arith.constant 0 : index
    %swap3A_2027 = tpu.vector_load %arg5[%swap3A_2025, %swap3A_2026] {strides = array<i32>} : memref<64x128xf32, #tpu.memory_space<vmem>>, vector<16xf32>,
    tpu.vector_store %arg5[%swap3A_2025, %swap3A_2026], %broadcast_in_dim3A_8 {strides = array<i32>} : memref<64x128xf32, #tpu.memory_space<vmem>>, vector<16xf32>,
    %swap3A_2028 = arith.constant 63 : i32
    %swap3A_2029 = arith.index_cast %swap3A_2028 : i32 to index
    %swap3A_2030 = arith.constant 16 : index
    %swap3A_2031 = tpu.vector_load %arg5[%swap3A_2029, %swap3A_2030] {strides = array<i32>} : memref<64x128xf32, #tpu.memory_space<vmem>>, vector<16xf32>,
    tpu.vector_store %arg5[%swap3A_2029, %swap3A_2030], %broadcast_in_dim3A_8 {strides = array<i32>} : memref<64x128xf32, #tpu.memory_space<vmem>>, vector<16xf32>,
    %swap3A_2032 = arith.constant 63 : i32
    %swap3A_2033 = arith.index_cast %swap3A_2032 : i32 to index
    %swap3A_2034 = arith.constant 32 : index
    %swap3A_2035 = tpu.vector_load %arg5[%swap3A_2033, %swap3A_2034] {strides = array<i32>} : memref<64x128xf32, #tpu.memory_space<vmem>>, vector<16xf32>,
    tpu.vector_store %arg5[%swap3A_2033, %swap3A_2034], %broadcast_in_dim3A_8 {strides = array<i32>} : memref<64x128xf32, #tpu.memory_space<vmem>>, vector<16xf32>,
    %swap3A_2036 = arith.constant 63 : i32
    %swap3A_2037 = arith.index_cast %swap3A_2036 : i32 to index
    %swap3A_2038 = arith.constant 48 : index
    %swap3A_2039 = tpu.vector_load %arg5[%swap3A_2037, %swap3A_2038] {strides = array<i32>} : memref<64x128xf32, #tpu.memory_space<vmem>>, vector<16xf32>,
    tpu.vector_store %arg5[%swap3A_2037, %swap3A_2038], %broadcast_in_dim3A_8 {strides = array<i32>} : memref<64x128xf32, #tpu.memory_space<vmem>>, vector<16xf32>,
    %swap3A_2040 = arith.constant 63 : i32
    %swap3A_2041 = arith.index_cast %swap3A_2040 : i32 to index
    %swap3A_2042 = arith.constant 64 : index
    %swap3A_2043 = tpu.vector_load %arg5[%swap3A_2041, %swap3A_2042] {strides = array<i32>} : memref<64x128xf32, #tpu.memory_space<vmem>>, vector<16xf32>,
    tpu.vector_store %arg5[%swap3A_2041, %swap3A_2042], %broadcast_in_dim3A_8 {strides = array<i32>} : memref<64x128xf32, #tpu.memory_space<vmem>>, vector<16xf32>,
    %swap3A_2044 = arith.constant 63 : i32
    %swap3A_2045 = arith.index_cast %swap3A_2044 : i32 to index
    %swap3A_2046 = arith.constant 80 : index
    %swap3A_2047 = tpu.vector_load %arg5[%swap3A_2045, %swap3A_2046] {strides = array<i32>} : memref<64x128xf32, #tpu.memory_space<vmem>>, vector<16xf32>,
    tpu.vector_store %arg5[%swap3A_2045, %swap3A_2046], %broadcast_in_dim3A_8 {strides = array<i32>} : memref<64x128xf32, #tpu.memory_space<vmem>>, vector<16xf32>,
    %swap3A_2048 = arith.constant 63 : i32
    %swap3A_2049 = arith.index_cast %swap3A_2048 : i32 to index
    %swap3A_2050 = arith.constant 96 : index
    %swap3A_2051 = tpu.vector_load %arg5[%swap3A_2049, %swap3A_2050] {strides = array<i32>} : memref<64x128xf32, #tpu.memory_space<vmem>>, vector<16xf32>,
    tpu.vector_store %arg5[%swap3A_2049, %swap3A_2050], %broadcast_in_dim3A_8 {strides = array<i32>} : memref<64x128xf32, #tpu.memory_space<vmem>>, vector<16xf32>,
    %swap3A_2052 = arith.constant 63 : i32
    %swap3A_2053 = arith.index_cast %swap3A_2052 : i32 to index
    %swap3A_2054 = arith.constant 112 : index
    %swap3A_2055 = tpu.vector_load %arg5[%swap3A_2053, %swap3A_2054] {strides = array<i32>} : memref<64x128xf32, #tpu.memory_space<vmem>>, vector<16xf32>,
    tpu.vector_store %arg5[%swap3A_2053, %swap3A_2054], %broadcast_in_dim3A_8 {strides = array<i32>} : memref<64x128xf32, #tpu.memory_space<vmem>>, vector<16xf32>,
    %dma_wait3A = arith.constant 0 : i32
    %dma_wait3A_2056 = tpu.memref_slice %arg2[%dma_wait3A, %mul3A_3] : memref<200x4096xi32, #tpu.memory_space<hbm>> -> memref<200x128xi32, #tpu.memory_space<hbm>>
    %dma_wait3A_2057 = arith.constant 0 : i32
    %dma_wait3A_2058 = tpu.memref_slice %arg2[%dma_wait3A_2057, %mul3A_3] : memref<200x4096xi32, #tpu.memory_space<hbm>> -> memref<200x128xi32, #tpu.memory_space<hbm>>
    tpu.wait_dma2 semaphore(%arg6 : memref<!tpu.dma_semaphore, #tpu.memory_space<semaphore_mem>>) src(%dma_wait3A_2058 : memref<200x128xi32, #tpu.memory_space<hbm>>) dst(%arg4 : memref<200x128xi32, #tpu.memory_space<vmem>>)
    %add3A_2059 = arith.constant 0 : i32
    %add3A_2060 = vector.broadcast %add3A_2059 : i32 to vector<16xi32>
    %add3A_2061 = arith.addi %iota3A, %add3A_2060 : vector<16xi32>
    %add3A_2062 = arith.constant 16 : i32
    %add3A_2063 = vector.broadcast %add3A_2062 : i32 to vector<16xi32>
    %add3A_2064 = arith.addi %iota3A, %add3A_2063 : vector<16xi32>
    %add3A_2065 = arith.constant 32 : i32
    %add3A_2066 = vector.broadcast %add3A_2065 : i32 to vector<16xi32>
    %add3A_2067 = arith.addi %iota3A, %add3A_2066 : vector<16xi32>
    %add3A_2068 = arith.constant 48 : i32
    %add3A_2069 = vector.broadcast %add3A_2068 : i32 to vector<16xi32>
    %add3A_2070 = arith.addi %iota3A, %add3A_2069 : vector<16xi32>
    %add3A_2071 = arith.constant 64 : i32
    %add3A_2072 = vector.broadcast %add3A_2071 : i32 to vector<16xi32>
    %add3A_2073 = arith.addi %iota3A, %add3A_2072 : vector<16xi32>
    %add3A_2074 = arith.constant 80 : i32
    %add3A_2075 = vector.broadcast %add3A_2074 : i32 to vector<16xi32>
    %add3A_2076 = arith.addi %iota3A, %add3A_2075 : vector<16xi32>
    %add3A_2077 = arith.constant 96 : i32
    %add3A_2078 = vector.broadcast %add3A_2077 : i32 to vector<16xi32>
    %add3A_2079 = arith.addi %iota3A, %add3A_2078 : vector<16xi32>
    %add3A_2080 = arith.constant 112 : i32
    %add3A_2081 = vector.broadcast %add3A_2080 : i32 to vector<16xi32>
    %add3A_2082 = arith.addi %iota3A, %add3A_2081 : vector<16xi32>
    %parallel_loop3A = arith.constant 0 : i32
    %parallel_loop3A_2083 = arith.constant 200 : i32
    %parallel_loop3A_2084 = arith.constant 1 : i32
    scf.for %parallel_loop3A_2085 = %parallel_loop3A to %parallel_loop3A_2083 step %parallel_loop3A_2084  : i32 {
      %parallel_loop3A_2086 = vector.broadcast %parallel_loop3A_2085 : i32 to vector<16xi32>
      %parallel_loop3A_2087 = tpu.vector_load_idx %arg4[%parallel_loop3A_2086, %add3A_2061] : memref<200x128xi32, #tpu.memory_space<vmem>>[vector<16xi32>, vector<16xi32>], vector<16xi32>,
      tpu.vector_store_idx %arg5[%parallel_loop3A_2087, %add3A_2061], %broadcast_in_dim3A_1 {add = true} : memref<64x128xf32, #tpu.memory_space<vmem>>[vector<16xi32>, vector<16xi32>], vector<16xf32>,
      %parallel_loop3A_2088 = tpu.vector_load_idx %arg4[%parallel_loop3A_2086, %add3A_2064] : memref<200x128xi32, #tpu.memory_space<vmem>>[vector<16xi32>, vector<16xi32>], vector<16xi32>,
      tpu.vector_store_idx %arg5[%parallel_loop3A_2088, %add3A_2064], %broadcast_in_dim3A_1 {add = true} : memref<64x128xf32, #tpu.memory_space<vmem>>[vector<16xi32>, vector<16xi32>], vector<16xf32>,
      %parallel_loop3A_2089 = tpu.vector_load_idx %arg4[%parallel_loop3A_2086, %add3A_2067] : memref<200x128xi32, #tpu.memory_space<vmem>>[vector<16xi32>, vector<16xi32>], vector<16xi32>,
      tpu.vector_store_idx %arg5[%parallel_loop3A_2089, %add3A_2067], %broadcast_in_dim3A_1 {add = true} : memref<64x128xf32, #tpu.memory_space<vmem>>[vector<16xi32>, vector<16xi32>], vector<16xf32>,
      %parallel_loop3A_2090 = tpu.vector_load_idx %arg4[%parallel_loop3A_2086, %add3A_2070] : memref<200x128xi32, #tpu.memory_space<vmem>>[vector<16xi32>, vector<16xi32>], vector<16xi32>,
      tpu.vector_store_idx %arg5[%parallel_loop3A_2090, %add3A_2070], %broadcast_in_dim3A_1 {add = true} : memref<64x128xf32, #tpu.memory_space<vmem>>[vector<16xi32>, vector<16xi32>], vector<16xf32>,
      %parallel_loop3A_2091 = tpu.vector_load_idx %arg4[%parallel_loop3A_2086, %add3A_2073] : memref<200x128xi32, #tpu.memory_space<vmem>>[vector<16xi32>, vector<16xi32>], vector<16xi32>,
      tpu.vector_store_idx %arg5[%parallel_loop3A_2091, %add3A_2073], %broadcast_in_dim3A_1 {add = true} : memref<64x128xf32, #tpu.memory_space<vmem>>[vector<16xi32>, vector<16xi32>], vector<16xf32>,
      %parallel_loop3A_2092 = tpu.vector_load_idx %arg4[%parallel_loop3A_2086, %add3A_2076] : memref<200x128xi32, #tpu.memory_space<vmem>>[vector<16xi32>, vector<16xi32>], vector<16xi32>,
      tpu.vector_store_idx %arg5[%parallel_loop3A_2092, %add3A_2076], %broadcast_in_dim3A_1 {add = true} : memref<64x128xf32, #tpu.memory_space<vmem>>[vector<16xi32>, vector<16xi32>], vector<16xf32>,
      %parallel_loop3A_2093 = tpu.vector_load_idx %arg4[%parallel_loop3A_2086, %add3A_2079] : memref<200x128xi32, #tpu.memory_space<vmem>>[vector<16xi32>, vector<16xi32>], vector<16xi32>,
      tpu.vector_store_idx %arg5[%parallel_loop3A_2093, %add3A_2079], %broadcast_in_dim3A_1 {add = true} : memref<64x128xf32, #tpu.memory_space<vmem>>[vector<16xi32>, vector<16xi32>], vector<16xf32>,
      %parallel_loop3A_2094 = tpu.vector_load_idx %arg4[%parallel_loop3A_2086, %add3A_2082] : memref<200x128xi32, #tpu.memory_space<vmem>>[vector<16xi32>, vector<16xi32>], vector<16xi32>,
      tpu.vector_store_idx %arg5[%parallel_loop3A_2094, %add3A_2082], %broadcast_in_dim3A_1 {add = true} : memref<64x128xf32, #tpu.memory_space<vmem>>[vector<16xi32>, vector<16xi32>], vector<16xf32>,
    } {sc.loop_unroll_factor = 1 : i64, sc.parallel_access}
    "tpu.region"() ({
      %run_scoped3A = tpu.sem_alloc : memref<!tpu.dma_semaphore, #tpu.memory_space<semaphore_mem>>
      %dma_start3A_2085 = arith.constant 0 : i32
      %dma_start3A_2086 = tpu.memref_slice %arg3[%dma_start3A_2085, %mul3A_3] : memref<64x4096xf32, #tpu.memory_space<hbm>> -> memref<64x128xf32, #tpu.memory_space<hbm>>
      %dma_start3A_2087 = arith.constant 0 : i32
      %dma_start3A_2088 = tpu.memref_slice %arg3[%dma_start3A_2087, %mul3A_3] : memref<64x4096xf32, #tpu.memory_space<hbm>> -> memref<64x128xf32, #tpu.memory_space<hbm>>
      tpu.enqueue_dma source(%arg5 : memref<64x128xf32, #tpu.memory_space<vmem>>) target(%dma_start3A_2088 : memref<64x128xf32, #tpu.memory_space<hbm>>) target_semaphore(%run_scoped3A : memref<!tpu.dma_semaphore, #tpu.memory_space<semaphore_mem>>)
      %dma_wait3A_2089 = arith.constant 0 : i32
      %dma_wait3A_2090 = tpu.memref_slice %arg3[%dma_wait3A_2089, %mul3A_3] : memref<64x4096xf32, #tpu.memory_space<hbm>> -> memref<64x128xf32, #tpu.memory_space<hbm>>
      %dma_wait3A_2091 = arith.constant 0 : i32
      %dma_wait3A_2092 = tpu.memref_slice %arg3[%dma_wait3A_2091, %mul3A_3] : memref<64x4096xf32, #tpu.memory_space<hbm>> -> memref<64x128xf32, #tpu.memory_space<hbm>>
      tpu.wait_dma2 semaphore(%run_scoped3A : memref<!tpu.dma_semaphore, #tpu.memory_space<semaphore_mem>>) src(%arg5 : memref<64x128xf32, #tpu.memory_space<vmem>>) dst(%dma_wait3A_2092 : memref<64x128xf32, #tpu.memory_space<hbm>>)
      tpu.yield
    }) : () -> ()
    return
  }
}

module attributes {stable_mosaic.version = 14 : i64} {
  func.func @_tc_proj_body(%arg0: i32, %arg1: memref<64x2048xf32, #tpu.memory_space<vmem>>, %arg2: memref<64x64xf32, #tpu.memory_space<vmem>>, %arg3: memref<128x64xf32, #tpu.memory_space<vmem>>, %arg4: memref<1x128xf32, #tpu.memory_space<vmem>>, %arg5: memref<64x1xf32, #tpu.memory_space<vmem>>, %arg6: memref<2048x128xf32, #tpu.memory_space<vmem>>) attributes {dimension_semantics = [#tpu.dimension_semantics<arbitrary>], iteration_bounds = array<i64: 2>, scalar_prefetch = 0 : i64, scratch_operands = 0 : i64, tpu.core_type = #tpu.core_type<tc>, window_params = [{transform_indices = @transform_0, window_bounds = array<i64: 64, 2048>}, {pipeline_mode = #tpu.pipeline_mode<synchronous>, transform_indices = @transform_1, window_bounds = array<i64: 64, 64>}, {pipeline_mode = #tpu.pipeline_mode<synchronous>, transform_indices = @transform_2, window_bounds = array<i64: 128, 64>}, {pipeline_mode = #tpu.pipeline_mode<synchronous>, transform_indices = @transform_3, window_bounds = array<i64: 1, 128>}, {pipeline_mode = #tpu.pipeline_mode<synchronous>, transform_indices = @transform_4, window_bounds = array<i64: 64, 1>}, {transform_indices = @transform_5, window_bounds = array<i64: 2048, 128>}]} {
    %get3A = arith.constant 0 : index
    %get3A_0 = arith.constant 0 : index
    %get3A_1 = vector.load %arg1[%get3A, %get3A_0] : memref<64x2048xf32, #tpu.memory_space<vmem>>, vector<64x2048xf32>
    %get3A_2 = arith.constant 0 : index
    %get3A_3 = arith.constant 0 : index
    %get3A_4 = vector.load %arg5[%get3A_2, %get3A_3] : memref<64x1xf32, #tpu.memory_space<vmem>>, vector<64x1xf32>
    %mul3A = vector.broadcast %get3A_4 : vector<64x1xf32> to vector<64x2048xf32>
    %mul3A_5 = arith.mulf %get3A_1, %mul3A : vector<64x2048xf32>
    %mul3A_6 = vector.broadcast %get3A_4 : vector<64x1xf32> to vector<64x2048xf32>
    %mul3A_7 = arith.mulf %mul3A_5, %mul3A_6 : vector<64x2048xf32>
    %reduce_sum3A = arith.constant dense<0.000000e+00> : vector<2048xf32>
    %reduce_sum3A_8 = vector.multi_reduction <add>, %mul3A_7, %reduce_sum3A [0] : vector<64x2048xf32> to vector<2048xf32>
    %broadcast_in_dim3A = vector.shape_cast %reduce_sum3A_8 : vector<2048xf32> to vector<1x2048xf32>
    %sqrt3A = math.sqrt %broadcast_in_dim3A : vector<1x2048xf32>
    %max3A = arith.constant 9.99999996E-13 : f32
    %max3A_9 = vector.broadcast %max3A : f32 to vector<1x2048xf32>
    %max3A_10 = arith.maximumf %sqrt3A, %max3A_9 : vector<1x2048xf32>
    %div3A = vector.broadcast %max3A_10 : vector<1x2048xf32> to vector<64x2048xf32>
    %div3A_11 = arith.divf %mul3A_5, %div3A : vector<64x2048xf32>
    %get3A_12 = arith.constant 0 : index
    %get3A_13 = arith.constant 0 : index
    %get3A_14 = vector.load %arg2[%get3A_12, %get3A_13] : memref<64x64xf32, #tpu.memory_space<vmem>>, vector<64x64xf32>
    %dot_general3A = arith.constant dense<0.000000e+00> : vector<64x2048xf32>
    %dot_general3A_15 = tpu.matmul %get3A_14, %div3A_11, %dot_general3A {dimension_numbers = #tpu.dot_dimension_numbers<[1], [0], [0], [1], [0, 0, 1, 1], [], []>, transpose_lhs_hint = false} : vector<64x64xf32>, vector<64x2048xf32>, vector<64x2048xf32> -> vector<64x2048xf32>
    %get3A_16 = arith.constant 0 : index
    %get3A_17 = arith.constant 0 : index
    %get3A_18 = vector.load %arg3[%get3A_16, %get3A_17] : memref<128x64xf32, #tpu.memory_space<vmem>>, vector<128x64xf32>
    %dot_general3A_19 = arith.constant dense<0.000000e+00> : vector<128x2048xf32>
    %dot_general3A_20 = tpu.matmul %get3A_18, %dot_general3A_15, %dot_general3A_19 {dimension_numbers = #tpu.dot_dimension_numbers<[1], [0], [0], [1], [0, 0, 1, 1], [], []>, transpose_lhs_hint = false} : vector<128x64xf32>, vector<64x2048xf32>, vector<128x2048xf32> -> vector<128x2048xf32>
    %transpose3A = tpu.transpose %dot_general3A_20, [1, 0] : vector<128x2048xf32> -> vector<2048x128xf32>
    %get3A_21 = arith.constant 0 : index
    %get3A_22 = arith.constant 0 : index
    %get3A_23 = vector.load %arg4[%get3A_21, %get3A_22] : memref<1x128xf32, #tpu.memory_space<vmem>>, vector<1x128xf32>
    %add3A = vector.broadcast %get3A_23 : vector<1x128xf32> to vector<2048x128xf32>
    %add3A_24 = arith.addf %transpose3A, %add3A : vector<2048x128xf32>
    %swap3A = arith.constant 0 : index
    %swap3A_25 = arith.constant 0 : index
    %swap3A_26 = vector.load %arg6[%swap3A, %swap3A_25] : memref<2048x128xf32, #tpu.memory_space<vmem>>, vector<2048x128xf32>
    tpu.vector_store %arg6[%swap3A, %swap3A_25], %add3A_24 {strides = array<i32>} : memref<2048x128xf32, #tpu.memory_space<vmem>>, vector<2048x128xf32>,
    return
  }
  func.func @transform_0(%arg0: i32) -> (i32, i32) {
    %c0_i32 = arith.constant 0 : i32
    %c0_i32_0 = arith.constant 0 : i32
    return %c0_i32, %arg0 : i32, i32
  }
  func.func @transform_1(%arg0: i32) -> (i32, i32) {
    %c0_i32 = arith.constant 0 : i32
    %c0_i32_0 = arith.constant 0 : i32
    %c0_i32_1 = arith.constant 0 : i32
    return %c0_i32, %c0_i32_0 : i32, i32
  }
  func.func @transform_2(%arg0: i32) -> (i32, i32) {
    %c0_i32 = arith.constant 0 : i32
    %c0_i32_0 = arith.constant 0 : i32
    %c0_i32_1 = arith.constant 0 : i32
    return %c0_i32, %c0_i32_0 : i32, i32
  }
  func.func @transform_3(%arg0: i32) -> (i32, i32) {
    %c0_i32 = arith.constant 0 : i32
    %c0_i32_0 = arith.constant 0 : i32
    %c0_i32_1 = arith.constant 0 : i32
    return %c0_i32, %c0_i32_0 : i32, i32
  }
  func.func @transform_4(%arg0: i32) -> (i32, i32) {
    %c0_i32 = arith.constant 0 : i32
    %c0_i32_0 = arith.constant 0 : i32
    %c0_i32_1 = arith.constant 0 : i32
    return %c0_i32, %c0_i32_0 : i32, i32
  }
  func.func @transform_5(%arg0: i32) -> (i32, i32) {
    %c0_i32 = arith.constant 0 : i32
    %c0_i32_0 = arith.constant 0 : i32
    return %arg0, %c0_i32 : i32, i32
  }
}

</mosaic_0001>

<sc_bundles>
// kernel: kernel.4.cloned.1.call-start
scs
__scs_entry_jumppad:
0x0: {  	(pc) =	sbr.rel $0x88, $3  }
0x1: {  	(tag) =	ssettag $0x0;
	lr =	simm.s32 $0x1  }
0x2: {  	[smem:$0x3F9C] =	sst lr;
	_ =	strace $0xD0000000  }
0x3: {  	_ = 	snop  }
0x4: {  	_ = 	snop  }
0x5: {  	_ = 	snop  }
0x6: {  	_ = 	snop  }
0x7: {  	_ = 	snop  }
__scs_overlays_trampoline_lowered:
0x8: {  	[smem:$0x3FAB] =	sst s0  }
0x9: {  	[smem:$0x3FAC] =	sst s1  }
0xa: {  	[smem:$0x3FAD] =	sst s2  }
0xb: {  	[smem:$0x3FAE] =	sst s3  }
0xc: {  	[smem:$0x3FAF] =	sst s4  }
0xd: {  	[smem:$0x3FB0] =	sst s5  }
0xe: {  	[smem:$0x3FB1] =	sst s6  }
0xf: {  	[smem:$0x3FB2] =	sst s7  }
0x10: {  	[smem:$0x3FB3] =	sst s8  }
0x11: {  	[smem:$0x3FB4] =	sst s9;
	s0 =	simm.s32 @!p0 $0x0  }
0x12: {  	s1 =	sld [smem:$0x3F9A];
	s0 =	simm.s32 @p0 $0x1  }
0x13: {  	[smem:$0x3FB5] =	sst s0;
	s0 =	simm.s32 @!p1 $0x0  }
0x14: {  	s2 =	sld [smem:$0x3F99];
	s0 =	simm.s32 @p1 $0x1  }
0x15: {  	[smem:$0x3FB6] =	sst s0;
	s0 =	simm.s32 @!p2 $0x0  }
0x16: {  	s3 =	sld [smem:$0x3FDB];
	s0 =	simm.s32 @p2 $0x1  }
0x17: {  	s4 =	simm.s32 $0x1BF5;
	[smem:$0x3FB8] =	sst s0  }
0x18: {  	s0 =	sld [smem:$0x3F9B];
	_ =	swait.ge [sflag:s4], $0x0  }
0x19: {  	s7 =	sld [smem:$0x3F9C]  }
0x1a: {  	s8 =	sadd.s32 $0xFFFFE003, lr  }
0x1b: {  	s9 =	sadd.s32 $0xFFFFFEF7, lr;
	s5 =	simm.s32 $0xFFFFFFFF;
	p2 =	slt.u32 s8, $0xFFFFF086  }
0x1c: {  	p1 =	slt.u32 s9, $0xF7A;
	s5 =	simm.s32 @!p2 $0x0  }
0x1d: {  	s5 =	simm.s32 @p1 $0x1;
	p0 =	seq.s32 s7, s2  }
0x1e: {  	s7 =	smul.u32 @!p0 $0xF7A, s2;
	p2 =	seq.s32 @!p0 s5, $0x0  }
0x1f: {  	s9 =	smul.u32 $0xF7A, s1;
	s8 =	simm.s32 @!p0 $0x1BF5;
	p2 =	por !p2, p0  }
0x20: {  	[sflag:s8] =	ssyncset.s32 @!p0 $0xFFFFF086;
	s6 =	sadd.s32 @!p0 s3, s7;
	s7 =	simm.s32 @!p0 $0x108  }
0x21: {  	s3 =	sadd.s32 s3, s9;
	s6 =	sadd.s32 @!p0 $0x88, s6;
	s7 =	simm.s32 @p2 $0x1082  }
0x22: {  	[simem:s7], [sflag:s8] =	dma.local @!p0 [hbm:s6], $0xF7A  }
0x23: {  	s9 =	sor.u32 $0xD0000000, s2;
	s6 =	simm.s32 $0x108;
	_ =	swait.ge @!p0 [sflag:s8], $0x0  }
0x24: {  	s3 =	sadd.s32 $0x88, s3;
	s6 =	simm.s32 @!p1 $0x1082;
	[sflag:s4] =	ssyncset.s32 $0xFFFFF086  }
0x25: {  	[simem:s6], [sflag:s4] =	dma.local [hbm:s3], $0xF7A  }
0x26: {  	[smem:$0x3F9C] =	sst s1;
	(tag) =	ssettag s2;
	_ =	strace s9  }
0x27: {  	s1 =	sld [smem:$0x3FAC]  }
0x28: {  	s2 =	sld [smem:$0x3FAD]  }
0x29: {  	s4 =	sld [smem:$0x3FAF]  }
0x2a: {  	p0 =	seq.s32 s5, $0x0;
	s5 =	sld [smem:$0x3FB0]  }
0x2b: {  	s6 =	sld [smem:$0x3FB1]  }
0x2c: {  	s7 =	sld [smem:$0x3FB2]  }
0x2d: {  	s3 =	simm.s32 $0x108;
	s8 =	sld [smem:$0x3FB3]  }
0x2e: {  	s3 =	simm.s32 @!p0 $0x1082;
	s9 =	sld [smem:$0x3FB4]  }
0x2f: {  	lr =	sadd.s32 s0, s3;
	s0 =	sld [smem:$0x3FAB]  }
0x30: {  	s3 =	sld [smem:$0x3FAE]  }
0x31: {  	[smem:$0x3FB7] =	sst s10  }
0x32: {  	s10 =	sld [smem:$0x3FB5];
	_ =	sdelay $0x3  }
0x33: {  	p0 =	seq.s32 s10, $0x1;
	s10 =	sld [smem:$0x3FB7];
	_ =	sdelay $0x3  }
0x34: {  	[smem:$0x3FB7] =	sst s10  }
0x35: {  	s10 =	sld [smem:$0x3FB6];
	_ =	sdelay $0x3  }
0x36: {  	p1 =	seq.s32 s10, $0x1;
	s10 =	sld [smem:$0x3FB7];
	_ =	sdelay $0x3  }
0x37: {  	[smem:$0x3FB7] =	sst s10  }
0x38: {  	s10 =	sld [smem:$0x3FB8]  }
0x39: {  	_ = 	snop;
	(pc) =	sbr.ind lr, $3  }
0x3a: {  	_ = 	snop  }
0x3b: {  	_ = 	snop  }
0x3c: {  	p2 =	seq.s32 s10, $0x1;
	s10 =	sld [smem:$0x3FB7]  }
0x3d: {  	_ =	shalt  }
0x3e: {  	_ =	shalt  }
0x3f: {  	_ =	shalt  }
0x40: {  	_ =	shalt  }
0x41: {  	_ =	shalt  }
0x42: {  	_ =	shalt  }
0x43: {  	_ =	shalt  }
0x44: {  	_ =	shalt  }
0x45: {  	_ =	shalt  }
0x46: {  	_ =	shalt  }
0x47: {  	_ =	shalt  }
0x48: {  	_ =	shalt  }
0x49: {  	_ =	shalt  }
0x4a: {  	_ =	shalt  }
0x4b: {  	_ =	shalt  }
0x4c: {  	_ =	shalt  }
0x4d: {  	_ =	shalt  }
0x4e: {  	_ =	shalt  }
0x4f: {  	_ =	shalt  }
0x50: {  	_ =	shalt  }
0x51: {  	_ =	shalt  }
0x52: {  	_ =	shalt  }
0x53: {  	_ =	shalt  }
0x54: {  	_ =	shalt  }
0x55: {  	_ =	shalt  }
0x56: {  	_ =	shalt  }
0x57: {  	_ =	shalt  }
0x58: {  	_ =	shalt  }
0x59: {  	_ =	shalt  }
0x5a: {  	_ =	shalt  }
0x5b: {  	_ =	shalt  }
0x5c: {  	_ =	shalt  }
0x5d: {  	_ =	shalt  }
0x5e: {  	_ =	shalt  }
0x5f: {  	_ =	shalt  }
0x60: {  	_ =	shalt  }
0x61: {  	_ =	shalt  }
0x62: {  	_ =	shalt  }
0x63: {  	_ =	shalt  }
0x64: {  	_ =	shalt  }
0x65: {  	_ =	shalt  }
0x66: {  	_ =	shalt  }
0x67: {  	_ =	shalt  }
0x68: {  	_ =	shalt  }
0x69: {  	_ =	shalt  }
0x6a: {  	_ =	shalt  }
0x6b: {  	_ =	shalt  }
0x6c: {  	_ =	shalt  }
0x6d: {  	_ =	shalt  }
0x6e: {  	_ =	shalt  }
0x6f: {  	_ =	shalt  }
0x70: {  	_ =	shalt  }
0x71: {  	_ =	shalt  }
0x72: {  	_ =	shalt  }
0x73: {  	_ =	shalt  }
0x74: {  	_ =	shalt  }
0x75: {  	_ =	shalt  }
0x76: {  	_ =	shalt  }
0x77: {  	_ =	shalt  }
0x78: {  	_ =	shalt  }
0x79: {  	_ =	shalt  }
0x7a: {  	_ =	shalt  }
0x7b: {  	_ =	shalt  }
0x7c: {  	_ =	shalt  }
0x7d: {  	_ =	shalt  }
0x7e: {  	_ =	shalt  }
0x7f: {  	_ =	shalt  }
0x80: {  	_ =	shalt  }
0x81: {  	_ =	shalt  }
0x82: {  	_ =	shalt  }
0x83: {  	_ =	shalt  }
0x84: {  	_ =	shalt  }
0x85: {  	_ =	shalt  }
0x86: {  	_ =	shalt  }
0x87: {  	_ =	shalt  }
.Lfunc_end0:
.L_simem_size_0:
called_computation_lowered:
.L_overlay_start_0:
0x88: {  	s2 =	sld [smem:$0x3FD9]  }
0x89: {  	s3 =	sld [smem:$0x3FFE];
	_ =	sdelay $0x1  }
0x8a: {  	s1 =	srdreg.scid  }
0x8b: {  	s0 =	sand.u32 $0x1, s1  }
0x8c: {  	s18 =	sshll.u32 s0, $0xA;
	s2 =	sadd.s32 s3, s2  }
0x8d: {  	s2 =	sadd.s32 s2, s18  }
0x8e: {  	[smem:$0x3FC3] =	sst s2  }
0x8f: {  	_ = 	snop  }
0x90: {  	s2 =	sld [smem:$0x3FC9]  }
0x91: {  	s19 =	sld [smem:$0x3FD0];
	(tm) =	ssettm $0x1  }
0x92: {  	s4 =	sld [smem:$0x3FFB];
	_ =	sdelay $0x3  }
0x93: {  	_ =	strace s4  }
0x94: {  	s4 =	sld [smem:$0x3FFC];
	_ =	sdelay $0x3  }
0x95: {  	_ =	strace s4  }
0x96: {  	s4 =	sld [smem:$0x3FFD];
	_ =	sdelay $0x3  }
0x97: {  	_ =	strace s4  }
0x98: {  	_ =	strace $0x8FFFFFFF  }
0x99: {  	s20 =	sld [smem:$0x3FDB];
	_ =	sdelay $0x1  }
0x9a: {  	s5 =	simm.s32 $_scs_section_size  }
0x9b: {  	s6 =	simm.s32 $_size__tile_overlayer_lowered;
	s7 =	simm.s32 $_tile_overlayer_lowered  }
0x9c: {  	s23 =	simm.s32 $0x1BFF;
	s22 =	sshll.u32 s7, $0x1;
	s4 =	sadd.s32 s5, s20  }
0x9d: {  	s8 =	simm.s32 $0x0;
	s21 =	sshll.u32 s6, $0x1;
	s6 =	sadd.s32 s22, s4  }
0x9e: {  	[timem:s8], [sflag:s23] =	dma.local [hbm:s6], s21  }
0x9f: {  	_ =	swait.ge [sflag:s23], s21  }
0xa0: {  	s5 =	ssub.s32 $0x0, s21;
	[sflag:s23] =	ssyncset.done $0x0  }
0xa1: {  	[sflag:s23] =	ssyncadd.s32 s5;
	_ =	sdelay $0x1  }
0xa2: {  	s24 =	simm.s32 $0x1B8B  }
0xa3: {  	_ =	swait.ge [sflag:s24], $0x1  }
0xa4: {  	[sflag:s24] =	ssyncset.done $0x0  }
0xa5: {  	s25 =	simm.s32 $0x1B8E;
	[sflag:s24] =	ssyncadd.s32 $0xFFFFFFFF  }
0xa6: {  	s26 =	simm.s32 $execute0_lowered;
	[smem:$0x3FD2] =	sst s25  }
0xa7: {  	s5 =	sshll.u32 s26, $0x1;
	_ =	strace $0x80000046;
	[dreg:$0x1] =	wrdreg $0xFFFFFFFF  }
0xa8: {  	s28 =	simm.s32 $_size_execute0_lowered;
	s4 =	sadd.s32 s4, s5;
	[dreg:$0x0] =	wrdreg $0x0  }
0xa9: {  	s5 =	sshll.u32 s28, $0x1;
	[dreg:$0x2] =	wrdreg s4  }
0xaa: {  	[dreg:$0x3] =	wrdreg s5  }
0xab: {  	[dreg:$0x4] =	wrdreg $0xC0  }
0xac: {  	_ =	task [dreg:s8], $0x5FFFF  }
0xad: {  	[dreg:$0x1] =	wrdreg $0xFFFFFFFF  }
0xae: {  	[dreg:$0x0] =	wrdreg $0x60  }
0xaf: {  	[dreg:$0x2] =	wrdreg s2  }
0xb0: {  	[dreg:$0x3] =	wrdreg s19  }
0xb1: {  	[dreg:$0x4] =	wrdreg $0x9  }
0xb2: {  	_ =	task.clear_ibuf [dreg:s8], $0x5FFFF;
	_ =	strace $0x90000046  }
0xb3: {  	s29 =	simm.s32 $0x9;
	_ =	strace $0x80000048  }
0xb4: {  	_ =	swait.ge [sflag:s29], $0x1  }
0xb5: {  	[sflag:s29] =	ssyncadd.s32 $0xFFFFFFFF  }
0xb6: {  	_ =	strace $0x90000048  }
0xb7: {  	_ =	sfence  }
0xb8: {  	s30 =	sld [smem:$0x0];
	_ =	sdelay $0x2  }
0xb9: {  	s31 =	sshll.u32 s1, $0xD;
	s1 =	sshrl.u32 s1, $0x2  }
0xba: {  	s3 =	sand.u32 $0x4000, s31;
	s1 =	sadd.s32 s1, s30  }
0xbb: {  	s0 =	sor.u32 s3, s0;
	s1 =	sshll.u32 s1, $0x11  }
0xbc: {  	s0 =	sor.u32 s1, s0  }
0xbd: {  	s0 =	sadd.s32 $0x8F2B, s0  }
0xbe: {  	[sflag:s0] =	ssyncadd.remote.s32 $0x1  }
0xbf: {  	_ =	sfence.sel $0xFFFF  }
0xc0: {  	[dreg:$0x0] =	wrdreg $0xFFFFFFFF;
	(pc) =	sbr.abs _section_cstart, $3  }
0xc1: {  	[dreg:$0x1] =	wrdreg $0xFFFFFFFF  }
0xc2: {  	_ =	task.clear_ibuf [dreg:s8], $0x2FFFF;
	_ =	strace $0x9FFFFFFF  }
0xc3: {  	(tm) =	ssettm $0x7FFFFFFF  }
tec
execute0_lowered:
.L_overlay_start_1:
0x0: {  	(tag) =	ssettag $0x1  }
0x1: {  	s3 =	rddreg [dreg:$0x0]  }
0x2: {  	s4 =	rddreg [dreg:$0x1];
	s1 =	srdreg.scid  }
0x3: {  	s0 =	rddreg [dreg:$0x2];
	s2 =	simm.s32 $0x0;
	s9 =	simm.s32 $0x6400  }
0x4: {  	s10 =	simm.s32 $0x2;
	s11 =	simm.s32 $0x0;
	s5 =	sand.u32 $0x1, s1  }
0x5: {  	[smem:$0x7FF] =	sst s2;
	s1 =	stileid.u32;
	s6 =	ssub.s32 $0x2, s5  }
0x6: {  	v0 =	vlaneseq.u32;
	s8 =	sshll.u32 s1, $0x8;
	s5 =	sshll.u32 s5, $0x7;
	_ =	strace $0x80000047  }
0x7: {  	v1 =	vimm.f32 $0.0e+00;
	v2 =	vimm.f32 $1.000000000e+00;
	v3 =	vor.u32 $0x10, v0;
	s7 =	sshrl.u32 s6, $0x1;
	s5 =	sor.u32 s5, s8;
	s8 =	simm.s32 $0x1  }
0x8: {  	v4 =	vor.u32 $0x20, v0;
	v5 =	vor.u32 $0x30, v0;
	v6 =	vor.u32 $0x40, v0;
	s6 =	ssub.s32 s6, s7;
	s3 =	sadd.s32 s3, s5;
	s4 =	sadd.s32 s4, s5  }
0x9: {  	v7 =	vor.u32 $0x50, v0;
	v8 =	vor.u32 $0x60, v0;
	v9 =	vor.u32 $0x70, v0;
	s7 =	simm.s32 $0x8000;
	s5 =	smax.u32 s6, $0x1;
	s6 =	simm.s32 $0x400  }
.LBB2_1:
0xa: {  	[tilespmem:s2], [sflag:$0x1] =	stream.strided.gather [hbm4b:s3+s6], $0x6400, s7, s6, $0x38;
	[tilespmem:$0x8400] =	vst v63  }
0xb: {  	[tilespmem:$0x6400] =	vst v1  }
0xc: {  	[tilespmem:$0x6410] =	vst v1  }
0xd: {  	[tilespmem:$0x6420] =	vst v1  }
0xe: {  	[tilespmem:$0x6430] =	vst v1  }
0xf: {  	[tilespmem:$0x6440] =	vst v1  }
0x10: {  	[tilespmem:$0x6450] =	vst v1  }
0x11: {  	[tilespmem:$0x6460] =	vst v1  }
0x12: {  	[tilespmem:$0x6470] =	vst v1  }
0x13: {  	[tilespmem:$0x6480] =	vst v1  }
0x14: {  	[tilespmem:$0x6490] =	vst v1  }
0x15: {  	[tilespmem:$0x64A0] =	vst v1  }
0x16: {  	[tilespmem:$0x64B0] =	vst v1  }
0x17: {  	[tilespmem:$0x64C0] =	vst v1  }
0x18: {  	[tilespmem:$0x64D0] =	vst v1  }
0x19: {  	[tilespmem:$0x64E0] =	vst v1  }
0x1a: {  	[tilespmem:$0x64F0] =	vst v1  }
0x1b: {  	[tilespmem:$0x6500] =	vst v1  }
0x1c: {  	[tilespmem:$0x6510] =	vst v1  }
0x1d: {  	[tilespmem:$0x6520] =	vst v1  }
0x1e: {  	[tilespmem:$0x6530] =	vst v1  }
0x1f: {  	[tilespmem:$0x6540] =	vst v1  }
0x20: {  	[tilespmem:$0x6550] =	vst v1  }
0x21: {  	[tilespmem:$0x6560] =	vst v1  }
0x22: {  	[tilespmem:$0x6570] =	vst v1  }
0x23: {  	[tilespmem:$0x6580] =	vst v1  }
0x24: {  	[tilespmem:$0x6590] =	vst v1  }
0x25: {  	[tilespmem:$0x65A0] =	vst v1  }
0x26: {  	[tilespmem:$0x65B0] =	vst v1  }
0x27: {  	[tilespmem:$0x65C0] =	vst v1  }
0x28: {  	[tilespmem:$0x65D0] =	vst v1  }
0x29: {  	[tilespmem:$0x65E0] =	vst v1  }
0x2a: {  	[tilespmem:$0x65F0] =	vst v1  }
0x2b: {  	[tilespmem:$0x6600] =	vst v1  }
0x2c: {  	[tilespmem:$0x6610] =	vst v1  }
0x2d: {  	[tilespmem:$0x6620] =	vst v1  }
0x2e: {  	[tilespmem:$0x6630] =	vst v1  }
0x2f: {  	[tilespmem:$0x6640] =	vst v1  }
0x30: {  	[tilespmem:$0x6650] =	vst v1  }
0x31: {  	[tilespmem:$0x6660] =	vst v1  }
0x32: {  	[tilespmem:$0x6670] =	vst v1  }
0x33: {  	[tilespmem:$0x6680] =	vst v1  }
0x34: {  	[tilespmem:$0x6690] =	vst v1  }
0x35: {  	[tilespmem:$0x66A0] =	vst v1  }
0x36: {  	[tilespmem:$0x66B0] =	vst v1  }
0x37: {  	[tilespmem:$0x66C0] =	vst v1  }
0x38: {  	[tilespmem:$0x66D0] =	vst v1  }
0x39: {  	[tilespmem:$0x66E0] =	vst v1  }
0x3a: {  	[tilespmem:$0x66F0] =	vst v1  }
0x3b: {  	[tilespmem:$0x6700] =	vst v1  }
0x3c: {  	[tilespmem:$0x6710] =	vst v1  }
0x3d: {  	[tilespmem:$0x6720] =	vst v1  }
0x3e: {  	[tilespmem:$0x6730] =	vst v1  }
0x3f: {  	[tilespmem:$0x6740] =	vst v1  }
0x40: {  	[tilespmem:$0x6750] =	vst v1  }
0x41: {  	[tilespmem:$0x6760] =	vst v1  }
0x42: {  	[tilespmem:$0x6770] =	vst v1  }
0x43: {  	[tilespmem:$0x6780] =	vst v1  }
0x44: {  	[tilespmem:$0x6790] =	vst v1  }
0x45: {  	[tilespmem:$0x67A0] =	vst v1  }
0x46: {  	[tilespmem:$0x67B0] =	vst v1  }
0x47: {  	[tilespmem:$0x67C0] =	vst v1  }
0x48: {  	[tilespmem:$0x67D0] =	vst v1  }
0x49: {  	[tilespmem:$0x67E0] =	vst v1  }
0x4a: {  	[tilespmem:$0x67F0] =	vst v1  }
0x4b: {  	[tilespmem:$0x6800] =	vst v1  }
0x4c: {  	[tilespmem:$0x6810] =	vst v1  }
0x4d: {  	[tilespmem:$0x6820] =	vst v1  }
0x4e: {  	[tilespmem:$0x6830] =	vst v1  }
0x4f: {  	[tilespmem:$0x6840] =	vst v1  }
0x50: {  	[tilespmem:$0x6850] =	vst v1  }
0x51: {  	[tilespmem:$0x6860] =	vst v1  }
0x52: {  	[tilespmem:$0x6870] =	vst v1  }
0x53: {  	[tilespmem:$0x6880] =	vst v1  }
0x54: {  	[tilespmem:$0x6890] =	vst v1  }
0x55: {  	[tilespmem:$0x68A0] =	vst v1  }
0x56: {  	[tilespmem:$0x68B0] =	vst v1  }
0x57: {  	[tilespmem:$0x68C0] =	vst v1  }
0x58: {  	[tilespmem:$0x68D0] =	vst v1  }
0x59: {  	[tilespmem:$0x68E0] =	vst v1  }
0x5a: {  	[tilespmem:$0x68F0] =	vst v1  }
0x5b: {  	[tilespmem:$0x6900] =	vst v1  }
0x5c: {  	[tilespmem:$0x6910] =	vst v1  }
0x5d: {  	[tilespmem:$0x6920] =	vst v1  }
0x5e: {  	[tilespmem:$0x6930] =	vst v1  }
0x5f: {  	[tilespmem:$0x6940] =	vst v1  }
0x60: {  	[tilespmem:$0x6950] =	vst v1  }
0x61: {  	[tilespmem:$0x6960] =	vst v1  }
0x62: {  	[tilespmem:$0x6970] =	vst v1  }
0x63: {  	[tilespmem:$0x6980] =	vst v1  }
0x64: {  	[tilespmem:$0x6990] =	vst v1  }
0x65: {  	[tilespmem:$0x69A0] =	vst v1  }
0x66: {  	[tilespmem:$0x69B0] =	vst v1  }
0x67: {  	[tilespmem:$0x69C0] =	vst v1  }
0x68: {  	[tilespmem:$0x69D0] =	vst v1  }
0x69: {  	[tilespmem:$0x69E0] =	vst v1  }
0x6a: {  	[tilespmem:$0x69F0] =	vst v1  }
0x6b: {  	[tilespmem:$0x6A00] =	vst v1  }
0x6c: {  	[tilespmem:$0x6A10] =	vst v1  }
0x6d: {  	[tilespmem:$0x6A20] =	vst v1  }
0x6e: {  	[tilespmem:$0x6A30] =	vst v1  }
0x6f: {  	[tilespmem:$0x6A40] =	vst v1  }
0x70: {  	[tilespmem:$0x6A50] =	vst v1  }
0x71: {  	[tilespmem:$0x6A60] =	vst v1  }
0x72: {  	[tilespmem:$0x6A70] =	vst v1  }
0x73: {  	[tilespmem:$0x6A80] =	vst v1  }
0x74: {  	[tilespmem:$0x6A90] =	vst v1  }
0x75: {  	[tilespmem:$0x6AA0] =	vst v1  }
0x76: {  	[tilespmem:$0x6AB0] =	vst v1  }
0x77: {  	[tilespmem:$0x6AC0] =	vst v1  }
0x78: {  	[tilespmem:$0x6AD0] =	vst v1  }
0x79: {  	[tilespmem:$0x6AE0] =	vst v1  }
0x7a: {  	[tilespmem:$0x6AF0] =	vst v1  }
0x7b: {  	[tilespmem:$0x6B00] =	vst v1  }
0x7c: {  	[tilespmem:$0x6B10] =	vst v1  }
0x7d: {  	[tilespmem:$0x6B20] =	vst v1  }
0x7e: {  	[tilespmem:$0x6B30] =	vst v1  }
0x7f: {  	[tilespmem:$0x6B40] =	vst v1  }
0x80: {  	[tilespmem:$0x6B50] =	vst v1  }
0x81: {  	[tilespmem:$0x6B60] =	vst v1  }
0x82: {  	[tilespmem:$0x6B70] =	vst v1  }
0x83: {  	[tilespmem:$0x6B80] =	vst v1  }
0x84: {  	[tilespmem:$0x6B90] =	vst v1  }
0x85: {  	[tilespmem:$0x6BA0] =	vst v1  }
0x86: {  	[tilespmem:$0x6BB0] =	vst v1  }
0x87: {  	[tilespmem:$0x6BC0] =	vst v1  }
0x88: {  	[tilespmem:$0x6BD0] =	vst v1  }
0x89: {  	[tilespmem:$0x6BE0] =	vst v1  }
0x8a: {  	[tilespmem:$0x6BF0] =	vst v1  }
0x8b: {  	[tilespmem:$0x6C00] =	vst v1  }
0x8c: {  	[tilespmem:$0x6C10] =	vst v1  }
0x8d: {  	[tilespmem:$0x6C20] =	vst v1  }
0x8e: {  	[tilespmem:$0x6C30] =	vst v1  }
0x8f: {  	[tilespmem:$0x6C40] =	vst v1  }
0x90: {  	[tilespmem:$0x6C50] =	vst v1  }
0x91: {  	[tilespmem:$0x6C60] =	vst v1  }
0x92: {  	[tilespmem:$0x6C70] =	vst v1  }
0x93: {  	[tilespmem:$0x6C80] =	vst v1  }
0x94: {  	[tilespmem:$0x6C90] =	vst v1  }
0x95: {  	[tilespmem:$0x6CA0] =	vst v1  }
0x96: {  	[tilespmem:$0x6CB0] =	vst v1  }
0x97: {  	[tilespmem:$0x6CC0] =	vst v1  }
0x98: {  	[tilespmem:$0x6CD0] =	vst v1  }
0x99: {  	[tilespmem:$0x6CE0] =	vst v1  }
0x9a: {  	[tilespmem:$0x6CF0] =	vst v1  }
0x9b: {  	[tilespmem:$0x6D00] =	vst v1  }
0x9c: {  	[tilespmem:$0x6D10] =	vst v1  }
0x9d: {  	[tilespmem:$0x6D20] =	vst v1  }
0x9e: {  	[tilespmem:$0x6D30] =	vst v1  }
0x9f: {  	[tilespmem:$0x6D40] =	vst v1  }
0xa0: {  	[tilespmem:$0x6D50] =	vst v1  }
0xa1: {  	[tilespmem:$0x6D60] =	vst v1  }
0xa2: {  	[tilespmem:$0x6D70] =	vst v1  }
0xa3: {  	[tilespmem:$0x6D80] =	vst v1  }
0xa4: {  	[tilespmem:$0x6D90] =	vst v1  }
0xa5: {  	[tilespmem:$0x6DA0] =	vst v1  }
0xa6: {  	[tilespmem:$0x6DB0] =	vst v1  }
0xa7: {  	[tilespmem:$0x6DC0] =	vst v1  }
0xa8: {  	[tilespmem:$0x6DD0] =	vst v1  }
0xa9: {  	[tilespmem:$0x6DE0] =	vst v1  }
0xaa: {  	[tilespmem:$0x6DF0] =	vst v1  }
0xab: {  	[tilespmem:$0x6E00] =	vst v1  }
0xac: {  	[tilespmem:$0x6E10] =	vst v1  }
0xad: {  	[tilespmem:$0x6E20] =	vst v1  }
0xae: {  	[tilespmem:$0x6E30] =	vst v1  }
0xaf: {  	[tilespmem:$0x6E40] =	vst v1  }
0xb0: {  	[tilespmem:$0x6E50] =	vst v1  }
0xb1: {  	[tilespmem:$0x6E60] =	vst v1  }
0xb2: {  	[tilespmem:$0x6E70] =	vst v1  }
0xb3: {  	[tilespmem:$0x6E80] =	vst v1  }
0xb4: {  	[tilespmem:$0x6E90] =	vst v1  }
0xb5: {  	[tilespmem:$0x6EA0] =	vst v1  }
0xb6: {  	[tilespmem:$0x6EB0] =	vst v1  }
0xb7: {  	[tilespmem:$0x6EC0] =	vst v1  }
0xb8: {  	[tilespmem:$0x6ED0] =	vst v1  }
0xb9: {  	[tilespmem:$0x6EE0] =	vst v1  }
0xba: {  	[tilespmem:$0x6EF0] =	vst v1  }
0xbb: {  	[tilespmem:$0x6F00] =	vst v1  }
0xbc: {  	[tilespmem:$0x6F10] =	vst v1  }
0xbd: {  	[tilespmem:$0x6F20] =	vst v1  }
0xbe: {  	[tilespmem:$0x6F30] =	vst v1  }
0xbf: {  	[tilespmem:$0x6F40] =	vst v1  }
0xc0: {  	[tilespmem:$0x6F50] =	vst v1  }
0xc1: {  	[tilespmem:$0x6F60] =	vst v1  }
0xc2: {  	[tilespmem:$0x6F70] =	vst v1  }
0xc3: {  	[tilespmem:$0x6F80] =	vst v1  }
0xc4: {  	[tilespmem:$0x6F90] =	vst v1  }
0xc5: {  	[tilespmem:$0x6FA0] =	vst v1  }
0xc6: {  	[tilespmem:$0x6FB0] =	vst v1  }
0xc7: {  	[tilespmem:$0x6FC0] =	vst v1  }
0xc8: {  	[tilespmem:$0x6FD0] =	vst v1  }
0xc9: {  	[tilespmem:$0x6FE0] =	vst v1  }
0xca: {  	[tilespmem:$0x6FF0] =	vst v1  }
0xcb: {  	[tilespmem:$0x7000] =	vst v1  }
0xcc: {  	[tilespmem:$0x7010] =	vst v1  }
0xcd: {  	[tilespmem:$0x7020] =	vst v1  }
0xce: {  	[tilespmem:$0x7030] =	vst v1  }
0xcf: {  	[tilespmem:$0x7040] =	vst v1  }
0xd0: {  	[tilespmem:$0x7050] =	vst v1  }
0xd1: {  	[tilespmem:$0x7060] =	vst v1  }
0xd2: {  	[tilespmem:$0x7070] =	vst v1  }
0xd3: {  	[tilespmem:$0x7080] =	vst v1  }
0xd4: {  	[tilespmem:$0x7090] =	vst v1  }
0xd5: {  	[tilespmem:$0x70A0] =	vst v1  }
0xd6: {  	[tilespmem:$0x70B0] =	vst v1  }
0xd7: {  	[tilespmem:$0x70C0] =	vst v1  }
0xd8: {  	[tilespmem:$0x70D0] =	vst v1  }
0xd9: {  	[tilespmem:$0x70E0] =	vst v1  }
0xda: {  	[tilespmem:$0x70F0] =	vst v1  }
0xdb: {  	[tilespmem:$0x7100] =	vst v1  }
0xdc: {  	[tilespmem:$0x7110] =	vst v1  }
0xdd: {  	[tilespmem:$0x7120] =	vst v1  }
0xde: {  	[tilespmem:$0x7130] =	vst v1  }
0xdf: {  	[tilespmem:$0x7140] =	vst v1  }
0xe0: {  	[tilespmem:$0x7150] =	vst v1  }
0xe1: {  	[tilespmem:$0x7160] =	vst v1  }
0xe2: {  	[tilespmem:$0x7170] =	vst v1  }
0xe3: {  	[tilespmem:$0x7180] =	vst v1  }
0xe4: {  	[tilespmem:$0x7190] =	vst v1  }
0xe5: {  	[tilespmem:$0x71A0] =	vst v1  }
0xe6: {  	[tilespmem:$0x71B0] =	vst v1  }
0xe7: {  	[tilespmem:$0x71C0] =	vst v1  }
0xe8: {  	[tilespmem:$0x71D0] =	vst v1  }
0xe9: {  	[tilespmem:$0x71E0] =	vst v1  }
0xea: {  	[tilespmem:$0x71F0] =	vst v1  }
0xeb: {  	[tilespmem:$0x7200] =	vst v1  }
0xec: {  	[tilespmem:$0x7210] =	vst v1  }
0xed: {  	[tilespmem:$0x7220] =	vst v1  }
0xee: {  	[tilespmem:$0x7230] =	vst v1  }
0xef: {  	[tilespmem:$0x7240] =	vst v1  }
0xf0: {  	[tilespmem:$0x7250] =	vst v1  }
0xf1: {  	[tilespmem:$0x7260] =	vst v1  }
0xf2: {  	[tilespmem:$0x7270] =	vst v1  }
0xf3: {  	[tilespmem:$0x7280] =	vst v1  }
0xf4: {  	[tilespmem:$0x7290] =	vst v1  }
0xf5: {  	[tilespmem:$0x72A0] =	vst v1  }
0xf6: {  	[tilespmem:$0x72B0] =	vst v1  }
0xf7: {  	[tilespmem:$0x72C0] =	vst v1  }
0xf8: {  	[tilespmem:$0x72D0] =	vst v1  }
0xf9: {  	[tilespmem:$0x72E0] =	vst v1  }
0xfa: {  	[tilespmem:$0x72F0] =	vst v1  }
0xfb: {  	[tilespmem:$0x7300] =	vst v1  }
0xfc: {  	[tilespmem:$0x7310] =	vst v1  }
0xfd: {  	[tilespmem:$0x7320] =	vst v1  }
0xfe: {  	[tilespmem:$0x7330] =	vst v1  }
0xff: {  	[tilespmem:$0x7340] =	vst v1  }
0x100: {  	[tilespmem:$0x7350] =	vst v1  }
0x101: {  	[tilespmem:$0x7360] =	vst v1  }
0x102: {  	[tilespmem:$0x7370] =	vst v1  }
0x103: {  	[tilespmem:$0x7380] =	vst v1  }
0x104: {  	[tilespmem:$0x7390] =	vst v1  }
0x105: {  	[tilespmem:$0x73A0] =	vst v1  }
0x106: {  	[tilespmem:$0x73B0] =	vst v1  }
0x107: {  	[tilespmem:$0x73C0] =	vst v1  }
0x108: {  	[tilespmem:$0x73D0] =	vst v1  }
0x109: {  	[tilespmem:$0x73E0] =	vst v1  }
0x10a: {  	[tilespmem:$0x73F0] =	vst v1  }
0x10b: {  	[tilespmem:$0x7400] =	vst v1  }
0x10c: {  	[tilespmem:$0x7410] =	vst v1  }
0x10d: {  	[tilespmem:$0x7420] =	vst v1  }
0x10e: {  	[tilespmem:$0x7430] =	vst v1  }
0x10f: {  	[tilespmem:$0x7440] =	vst v1  }
0x110: {  	[tilespmem:$0x7450] =	vst v1  }
0x111: {  	[tilespmem:$0x7460] =	vst v1  }
0x112: {  	[tilespmem:$0x7470] =	vst v1  }
0x113: {  	[tilespmem:$0x7480] =	vst v1  }
0x114: {  	[tilespmem:$0x7490] =	vst v1  }
0x115: {  	[tilespmem:$0x74A0] =	vst v1  }
0x116: {  	[tilespmem:$0x74B0] =	vst v1  }
0x117: {  	[tilespmem:$0x74C0] =	vst v1  }
0x118: {  	[tilespmem:$0x74D0] =	vst v1  }
0x119: {  	[tilespmem:$0x74E0] =	vst v1  }
0x11a: {  	[tilespmem:$0x74F0] =	vst v1  }
0x11b: {  	[tilespmem:$0x7500] =	vst v1  }
0x11c: {  	[tilespmem:$0x7510] =	vst v1  }
0x11d: {  	[tilespmem:$0x7520] =	vst v1  }
0x11e: {  	[tilespmem:$0x7530] =	vst v1  }
0x11f: {  	[tilespmem:$0x7540] =	vst v1  }
0x120: {  	[tilespmem:$0x7550] =	vst v1  }
0x121: {  	[tilespmem:$0x7560] =	vst v1  }
0x122: {  	[tilespmem:$0x7570] =	vst v1  }
0x123: {  	[tilespmem:$0x7580] =	vst v1  }
0x124: {  	[tilespmem:$0x7590] =	vst v1  }
0x125: {  	[tilespmem:$0x75A0] =	vst v1  }
0x126: {  	[tilespmem:$0x75B0] =	vst v1  }
0x127: {  	[tilespmem:$0x75C0] =	vst v1  }
0x128: {  	[tilespmem:$0x75D0] =	vst v1  }
0x129: {  	[tilespmem:$0x75E0] =	vst v1  }
0x12a: {  	[tilespmem:$0x75F0] =	vst v1  }
0x12b: {  	[tilespmem:$0x7600] =	vst v1  }
0x12c: {  	[tilespmem:$0x7610] =	vst v1  }
0x12d: {  	[tilespmem:$0x7620] =	vst v1  }
0x12e: {  	[tilespmem:$0x7630] =	vst v1  }
0x12f: {  	[tilespmem:$0x7640] =	vst v1  }
0x130: {  	[tilespmem:$0x7650] =	vst v1  }
0x131: {  	[tilespmem:$0x7660] =	vst v1  }
0x132: {  	[tilespmem:$0x7670] =	vst v1  }
0x133: {  	[tilespmem:$0x7680] =	vst v1  }
0x134: {  	[tilespmem:$0x7690] =	vst v1  }
0x135: {  	[tilespmem:$0x76A0] =	vst v1  }
0x136: {  	[tilespmem:$0x76B0] =	vst v1  }
0x137: {  	[tilespmem:$0x76C0] =	vst v1  }
0x138: {  	[tilespmem:$0x76D0] =	vst v1  }
0x139: {  	[tilespmem:$0x76E0] =	vst v1  }
0x13a: {  	[tilespmem:$0x76F0] =	vst v1  }
0x13b: {  	[tilespmem:$0x7700] =	vst v1  }
0x13c: {  	[tilespmem:$0x7710] =	vst v1  }
0x13d: {  	[tilespmem:$0x7720] =	vst v1  }
0x13e: {  	[tilespmem:$0x7730] =	vst v1  }
0x13f: {  	[tilespmem:$0x7740] =	vst v1  }
0x140: {  	[tilespmem:$0x7750] =	vst v1  }
0x141: {  	[tilespmem:$0x7760] =	vst v1  }
0x142: {  	[tilespmem:$0x7770] =	vst v1  }
0x143: {  	[tilespmem:$0x7780] =	vst v1  }
0x144: {  	[tilespmem:$0x7790] =	vst v1  }
0x145: {  	[tilespmem:$0x77A0] =	vst v1  }
0x146: {  	[tilespmem:$0x77B0] =	vst v1  }
0x147: {  	[tilespmem:$0x77C0] =	vst v1  }
0x148: {  	[tilespmem:$0x77D0] =	vst v1  }
0x149: {  	[tilespmem:$0x77E0] =	vst v1  }
0x14a: {  	[tilespmem:$0x77F0] =	vst v1  }
0x14b: {  	[tilespmem:$0x7800] =	vst v1  }
0x14c: {  	[tilespmem:$0x7810] =	vst v1  }
0x14d: {  	[tilespmem:$0x7820] =	vst v1  }
0x14e: {  	[tilespmem:$0x7830] =	vst v1  }
0x14f: {  	[tilespmem:$0x7840] =	vst v1  }
0x150: {  	[tilespmem:$0x7850] =	vst v1  }
0x151: {  	[tilespmem:$0x7860] =	vst v1  }
0x152: {  	[tilespmem:$0x7870] =	vst v1  }
0x153: {  	[tilespmem:$0x7880] =	vst v1  }
0x154: {  	[tilespmem:$0x7890] =	vst v1  }
0x155: {  	[tilespmem:$0x78A0] =	vst v1  }
0x156: {  	[tilespmem:$0x78B0] =	vst v1  }
0x157: {  	[tilespmem:$0x78C0] =	vst v1  }
0x158: {  	[tilespmem:$0x78D0] =	vst v1  }
0x159: {  	[tilespmem:$0x78E0] =	vst v1  }
0x15a: {  	[tilespmem:$0x78F0] =	vst v1  }
0x15b: {  	[tilespmem:$0x7900] =	vst v1  }
0x15c: {  	[tilespmem:$0x7910] =	vst v1  }
0x15d: {  	[tilespmem:$0x7920] =	vst v1  }
0x15e: {  	[tilespmem:$0x7930] =	vst v1  }
0x15f: {  	[tilespmem:$0x7950] =	vst v1  }
0x160: {  	[tilespmem:$0x83D0] =	vst v1  }
0x161: {  	[tilespmem:$0x7960] =	vst v1  }
0x162: {  	[tilespmem:$0x7970] =	vst v1  }
0x163: {  	[tilespmem:$0x7980] =	vst v1  }
0x164: {  	[tilespmem:$0x7990] =	vst v1  }
0x165: {  	[tilespmem:$0x79A0] =	vst v1  }
0x166: {  	[tilespmem:$0x79B0] =	vst v1  }
0x167: {  	[tilespmem:$0x79C0] =	vst v1  }
0x168: {  	[tilespmem:$0x79D0] =	vst v1  }
0x169: {  	[tilespmem:$0x79E0] =	vst v1  }
0x16a: {  	[tilespmem:$0x79F0] =	vst v1  }
0x16b: {  	[tilespmem:$0x7A00] =	vst v1  }
0x16c: {  	[tilespmem:$0x7A10] =	vst v1  }
0x16d: {  	[tilespmem:$0x7A20] =	vst v1  }
0x16e: {  	[tilespmem:$0x7A30] =	vst v1  }
0x16f: {  	[tilespmem:$0x7A40] =	vst v1  }
0x170: {  	[tilespmem:$0x7A50] =	vst v1  }
0x171: {  	[tilespmem:$0x7A60] =	vst v1  }
0x172: {  	[tilespmem:$0x7A70] =	vst v1  }
0x173: {  	[tilespmem:$0x7A80] =	vst v1  }
0x174: {  	[tilespmem:$0x7A90] =	vst v1  }
0x175: {  	[tilespmem:$0x7AA0] =	vst v1  }
0x176: {  	[tilespmem:$0x7AB0] =	vst v1  }
0x177: {  	[tilespmem:$0x7AC0] =	vst v1  }
0x178: {  	[tilespmem:$0x7AD0] =	vst v1  }
0x179: {  	[tilespmem:$0x7AE0] =	vst v1  }
0x17a: {  	[tilespmem:$0x7AF0] =	vst v1  }
0x17b: {  	[tilespmem:$0x7B00] =	vst v1  }
0x17c: {  	[tilespmem:$0x7B10] =	vst v1  }
0x17d: {  	[tilespmem:$0x7B20] =	vst v1  }
0x17e: {  	[tilespmem:$0x7B30] =	vst v1  }
0x17f: {  	[tilespmem:$0x7B40] =	vst v1  }
0x180: {  	[tilespmem:$0x7B50] =	vst v1  }
0x181: {  	[tilespmem:$0x7B60] =	vst v1  }
0x182: {  	[tilespmem:$0x7B70] =	vst v1  }
0x183: {  	[tilespmem:$0x7B80] =	vst v1  }
0x184: {  	[tilespmem:$0x7B90] =	vst v1  }
0x185: {  	[tilespmem:$0x7BA0] =	vst v1  }
0x186: {  	[tilespmem:$0x7BB0] =	vst v1  }
0x187: {  	[tilespmem:$0x7BC0] =	vst v1  }
0x188: {  	[tilespmem:$0x7BD0] =	vst v1  }
0x189: {  	[tilespmem:$0x7BE0] =	vst v1  }
0x18a: {  	[tilespmem:$0x7BF0] =	vst v1  }
0x18b: {  	[tilespmem:$0x7C00] =	vst v1  }
0x18c: {  	[tilespmem:$0x7C10] =	vst v1  }
0x18d: {  	[tilespmem:$0x7C20] =	vst v1  }
0x18e: {  	[tilespmem:$0x7C30] =	vst v1  }
0x18f: {  	[tilespmem:$0x7C40] =	vst v1  }
0x190: {  	[tilespmem:$0x7C50] =	vst v1  }
0x191: {  	[tilespmem:$0x7C60] =	vst v1  }
0x192: {  	[tilespmem:$0x7C70] =	vst v1  }
0x193: {  	[tilespmem:$0x7C80] =	vst v1  }
0x194: {  	[tilespmem:$0x7C90] =	vst v1  }
0x195: {  	[tilespmem:$0x7CA0] =	vst v1  }
0x196: {  	[tilespmem:$0x7CB0] =	vst v1  }
0x197: {  	[tilespmem:$0x7CC0] =	vst v1  }
0x198: {  	[tilespmem:$0x7CD0] =	vst v1  }
0x199: {  	[tilespmem:$0x7CE0] =	vst v1  }
0x19a: {  	[tilespmem:$0x7CF0] =	vst v1  }
0x19b: {  	[tilespmem:$0x7D00] =	vst v1  }
0x19c: {  	[tilespmem:$0x7D10] =	vst v1  }
0x19d: {  	[tilespmem:$0x7D20] =	vst v1  }
0x19e: {  	[tilespmem:$0x7D30] =	vst v1  }
0x19f: {  	[tilespmem:$0x7D40] =	vst v1  }
0x1a0: {  	[tilespmem:$0x7D50] =	vst v1  }
0x1a1: {  	[tilespmem:$0x7D60] =	vst v1  }
0x1a2: {  	[tilespmem:$0x7D70] =	vst v1  }
0x1a3: {  	[tilespmem:$0x7D80] =	vst v1  }
0x1a4: {  	[tilespmem:$0x7D90] =	vst v1  }
0x1a5: {  	[tilespmem:$0x7DA0] =	vst v1  }
0x1a6: {  	[tilespmem:$0x7DB0] =	vst v1  }
0x1a7: {  	[tilespmem:$0x7DC0] =	vst v1  }
0x1a8: {  	[tilespmem:$0x7DD0] =	vst v1  }
0x1a9: {  	[tilespmem:$0x7DE0] =	vst v1  }
0x1aa: {  	[tilespmem:$0x7DF0] =	vst v1  }
0x1ab: {  	[tilespmem:$0x7E00] =	vst v1  }
0x1ac: {  	[tilespmem:$0x7E10] =	vst v1  }
0x1ad: {  	[tilespmem:$0x7E20] =	vst v1  }
0x1ae: {  	[tilespmem:$0x7E30] =	vst v1  }
0x1af: {  	[tilespmem:$0x7E40] =	vst v1  }
0x1b0: {  	[tilespmem:$0x7E50] =	vst v1  }
0x1b1: {  	[tilespmem:$0x7E60] =	vst v1  }
0x1b2: {  	[tilespmem:$0x7E70] =	vst v1  }
0x1b3: {  	[tilespmem:$0x7E80] =	vst v1  }
0x1b4: {  	[tilespmem:$0x7E90] =	vst v1  }
0x1b5: {  	[tilespmem:$0x7EA0] =	vst v1  }
0x1b6: {  	[tilespmem:$0x7EB0] =	vst v1  }
0x1b7: {  	[tilespmem:$0x7EC0] =	vst v1  }
0x1b8: {  	[tilespmem:$0x7ED0] =	vst v1  }
0x1b9: {  	[tilespmem:$0x7EE0] =	vst v1  }
0x1ba: {  	[tilespmem:$0x7EF0] =	vst v1  }
0x1bb: {  	[tilespmem:$0x7F00] =	vst v1  }
0x1bc: {  	[tilespmem:$0x7F10] =	vst v1  }
0x1bd: {  	[tilespmem:$0x7F20] =	vst v1  }
0x1be: {  	[tilespmem:$0x7F30] =	vst v1  }
0x1bf: {  	[tilespmem:$0x7F40] =	vst v1  }
0x1c0: {  	[tilespmem:$0x7F50] =	vst v1  }
0x1c1: {  	[tilespmem:$0x7F60] =	vst v1  }
0x1c2: {  	[tilespmem:$0x7F70] =	vst v1  }
0x1c3: {  	[tilespmem:$0x7F80] =	vst v1  }
0x1c4: {  	[tilespmem:$0x7F90] =	vst v1  }
0x1c5: {  	[tilespmem:$0x7FA0] =	vst v1  }
0x1c6: {  	[tilespmem:$0x7FB0] =	vst v1  }
0x1c7: {  	[tilespmem:$0x7FC0] =	vst v1  }
0x1c8: {  	[tilespmem:$0x7FD0] =	vst v1  }
0x1c9: {  	[tilespmem:$0x7FE0] =	vst v1  }
0x1ca: {  	[tilespmem:$0x7FF0] =	vst v1  }
0x1cb: {  	[tilespmem:$0x8000] =	vst v1  }
0x1cc: {  	[tilespmem:$0x8010] =	vst v1  }
0x1cd: {  	[tilespmem:$0x8020] =	vst v1  }
0x1ce: {  	[tilespmem:$0x8030] =	vst v1  }
0x1cf: {  	[tilespmem:$0x8040] =	vst v1  }
0x1d0: {  	[tilespmem:$0x8050] =	vst v1  }
0x1d1: {  	[tilespmem:$0x8060] =	vst v1  }
0x1d2: {  	[tilespmem:$0x8070] =	vst v1  }
0x1d3: {  	[tilespmem:$0x8080] =	vst v1  }
0x1d4: {  	[tilespmem:$0x8090] =	vst v1  }
0x1d5: {  	[tilespmem:$0x80A0] =	vst v1  }
0x1d6: {  	[tilespmem:$0x80B0] =	vst v1  }
0x1d7: {  	[tilespmem:$0x80C0] =	vst v1  }
0x1d8: {  	[tilespmem:$0x80D0] =	vst v1  }
0x1d9: {  	[tilespmem:$0x80E0] =	vst v1  }
0x1da: {  	[tilespmem:$0x80F0] =	vst v1  }
0x1db: {  	[tilespmem:$0x8100] =	vst v1  }
0x1dc: {  	[tilespmem:$0x8110] =	vst v1  }
0x1dd: {  	[tilespmem:$0x8120] =	vst v1  }
0x1de: {  	[tilespmem:$0x8130] =	vst v1  }
0x1df: {  	[tilespmem:$0x8140] =	vst v1  }
0x1e0: {  	[tilespmem:$0x8150] =	vst v1  }
0x1e1: {  	[tilespmem:$0x8160] =	vst v1  }
0x1e2: {  	[tilespmem:$0x8170] =	vst v1  }
0x1e3: {  	[tilespmem:$0x8180] =	vst v1  }
0x1e4: {  	[tilespmem:$0x8190] =	vst v1  }
0x1e5: {  	[tilespmem:$0x81A0] =	vst v1  }
0x1e6: {  	[tilespmem:$0x81B0] =	vst v1  }
0x1e7: {  	[tilespmem:$0x81C0] =	vst v1  }
0x1e8: {  	[tilespmem:$0x81D0] =	vst v1  }
0x1e9: {  	[tilespmem:$0x81E0] =	vst v1  }
0x1ea: {  	[tilespmem:$0x81F0] =	vst v1  }
0x1eb: {  	[tilespmem:$0x8200] =	vst v1  }
0x1ec: {  	[tilespmem:$0x8210] =	vst v1  }
0x1ed: {  	[tilespmem:$0x8220] =	vst v1  }
0x1ee: {  	[tilespmem:$0x8230] =	vst v1  }
0x1ef: {  	[tilespmem:$0x8240] =	vst v1  }
0x1f0: {  	[tilespmem:$0x8250] =	vst v1  }
0x1f1: {  	[tilespmem:$0x8260] =	vst v1  }
0x1f2: {  	[tilespmem:$0x8270] =	vst v1  }
0x1f3: {  	[tilespmem:$0x8280] =	vst v1  }
0x1f4: {  	[tilespmem:$0x8290] =	vst v1  }
0x1f5: {  	[tilespmem:$0x82A0] =	vst v1  }
0x1f6: {  	[tilespmem:$0x82B0] =	vst v1  }
0x1f7: {  	[tilespmem:$0x82C0] =	vst v1  }
0x1f8: {  	[tilespmem:$0x82D0] =	vst v1  }
0x1f9: {  	[tilespmem:$0x82E0] =	vst v1  }
0x1fa: {  	[tilespmem:$0x82F0] =	vst v1  }
0x1fb: {  	[tilespmem:$0x8300] =	vst v1  }
0x1fc: {  	[tilespmem:$0x8310] =	vst v1  }
0x1fd: {  	[tilespmem:$0x8320] =	vst v1  }
0x1fe: {  	[tilespmem:$0x8330] =	vst v1  }
0x1ff: {  	[tilespmem:$0x8340] =	vst v1  }
0x200: {  	[tilespmem:$0x8350] =	vst v1  }
0x201: {  	[tilespmem:$0x8360] =	vst v1  }
0x202: {  	[tilespmem:$0x8370] =	vst v1  }
0x203: {  	[tilespmem:$0x8380] =	vst v1  }
0x204: {  	[tilespmem:$0x8390] =	vst v1  }
0x205: {  	[tilespmem:$0x83A0] =	vst v1  }
0x206: {  	[tilespmem:$0x83B0] =	vst v1  }
0x207: {  	[tilespmem:$0x83C0] =	vst v1  }
0x208: {  	s17 =	simm.s32 $0x0;
	[tilespmem:$0x7940] =	vst v1  }
0x209: {  	[tilespmem:$0x83E0] =	vst v1;
	v10 =	vor.u32 s17, v0  }
0x20a: {  	[tilespmem:$0x83F0] =	vst v1  }
0x20b: {  	_ =	swait.ge [sflag:s8], $0x6400  }
0x20c: {  	[sflag:s8] =	ssyncset.done $0x0  }
0x20d: {  	[sflag:s8] =	ssyncadd.s32 $0xFFFF9C00  }
0x20e: {  	v10 =	vld.idx.msk [tilespmem:v10+s2+$0x0], $0xffff;
	_ =	sdelay $0x4  }
0x20f: {  	v10 =	vshll.u32 v10, $0x7  }
0x210: {  	v10 =	vor.u32 v0, v10  }
0x211: {  	s18 =	simm.s32 $0x80;
	v11 =	vor.u32 s17, v3  }
0x212: {  	v12 =	vor.u32 s18, v0;
	_ =	sdelay $0x2  }
0x213: {  	[tilespmem:v10+s9+$0x0] =	vst.idx.add.f32.msk $0xffff, v2  }
0x214: {  	v10 =	vld.idx.msk [tilespmem:v11+s2+$0x0], $0xffff  }
0x215: {  	v11 =	vld.idx.msk [tilespmem:v12+s2+$0x0], $0xffff;
	_ =	sdelay $0x3  }
0x216: {  	v10 =	vshll.u32 v10, $0x7  }
0x217: {  	v11 =	vshll.u32 v11, $0x7;
	v10 =	vor.u32 v3, v10  }
0x218: {  	v11 =	vor.u32 v0, v11  }
0x219: {  	v12 =	vor.u32 s17, v4  }
0x21a: {  	v13 =	vor.u32 s18, v3;
	_ =	sdelay $0x1  }
0x21b: {  	[tilespmem:v10+s9+$0x0] =	vst.idx.add.f32.msk $0xffff, v2  }
0x21c: {  	[tilespmem:v11+s9+$0x0] =	vst.idx.add.f32.msk $0xffff, v2  }
0x21d: {  	s12 =	simm.s32 $0x100;
	v10 =	vld.idx.msk [tilespmem:v12+s2+$0x0], $0xffff  }
0x21e: {  	v14 =	vor.u32 s12, v0;
	v11 =	vld.idx.msk [tilespmem:v13+s2+$0x0], $0xffff;
	_ =	sdelay $0x3  }
0x21f: {  	v10 =	vshll.u32 v10, $0x7  }
0x220: {  	v12 =	vld.idx.msk [tilespmem:v14+s2+$0x0], $0xffff;
	v11 =	vshll.u32 v11, $0x7;
	v10 =	vor.u32 v4, v10  }
0x221: {  	v11 =	vor.u32 v3, v11  }
0x222: {  	v13 =	vor.u32 s17, v5  }
0x223: {  	v14 =	vor.u32 s18, v4;
	_ =	sdelay $0x1  }
0x224: {  	v12 =	vshll.u32 v12, $0x7;
	[tilespmem:v10+s9+$0x0] =	vst.idx.add.f32.msk $0xffff, v2  }
0x225: {  	v12 =	vor.u32 v0, v12;
	[tilespmem:v11+s9+$0x0] =	vst.idx.add.f32.msk $0xffff, v2  }
0x226: {  	v10 =	vor.u32 s12, v3;
	v13 =	vld.idx.msk [tilespmem:v13+s2+$0x0], $0xffff  }
0x227: {  	v14 =	vld.idx.msk [tilespmem:v14+s2+$0x0], $0xffff  }
0x228: {  	s13 =	simm.s32 $0x180  }
0x229: {  	v11 =	vor.u32 s13, v0  }
0x22a: {  	[tilespmem:v12+s9+$0x0] =	vst.idx.add.f32.msk $0xffff, v2  }
0x22b: {  	v10 =	vld.idx.msk [tilespmem:v10+s2+$0x0], $0xffff;
	v12 =	vshll.u32 v13, $0x7  }
0x22c: {  	v14 =	vshll.u32 v14, $0x7;
	v12 =	vor.u32 v5, v12  }
0x22d: {  	v14 =	vor.u32 v4, v14  }
0x22e: {  	v11 =	vld.idx.msk [tilespmem:v11+s2+$0x0], $0xffff;
	v13 =	vor.u32 s17, v6  }
0x22f: {  	v15 =	vor.u32 s18, v5  }
0x230: {  	v10 =	vshll.u32 v10, $0x7  }
0x231: {  	v10 =	vor.u32 v3, v10;
	[tilespmem:v12+s9+$0x0] =	vst.idx.add.f32.msk $0xffff, v2  }
0x232: {  	v16 =	vor.u32 s12, v4;
	[tilespmem:v14+s9+$0x0] =	vst.idx.add.f32.msk $0xffff, v2  }
0x233: {  	v11 =	vshll.u32 v11, $0x7;
	v12 =	vld.idx.msk [tilespmem:v13+s2+$0x0], $0xffff  }
0x234: {  	v11 =	vor.u32 v0, v11;
	v13 =	vld.idx.msk [tilespmem:v15+s2+$0x0], $0xffff  }
0x235: {  	v14 =	vor.u32 s13, v3  }
0x236: {  	s14 =	simm.s32 $0x200;
	[tilespmem:v10+s9+$0x0] =	vst.idx.add.f32.msk $0xffff, v2  }
0x237: {  	v10 =	vor.u32 s14, v0;
	v15 =	vld.idx.msk [tilespmem:v16+s2+$0x0], $0xffff  }
0x238: {  	v12 =	vshll.u32 v12, $0x7  }
0x239: {  	[tilespmem:v11+s9+$0x0] =	vst.idx.add.f32.msk $0xffff, v2;
	v13 =	vshll.u32 v13, $0x7;
	v11 =	vor.u32 v6, v12  }
0x23a: {  	v14 =	vld.idx.msk [tilespmem:v14+s2+$0x0], $0xffff;
	v13 =	vor.u32 v5, v13  }
0x23b: {  	v12 =	vor.u32 s17, v7  }
0x23c: {  	v16 =	vor.u32 s18, v6;
	v10 =	vld.idx.msk [tilespmem:v10+s2+$0x0], $0xffff;
	v15 =	vshll.u32 v15, $0x7  }
0x23d: {  	v15 =	vor.u32 v4, v15  }
0x23e: {  	[tilespmem:v11+s9+$0x0] =	vst.idx.add.f32.msk $0xffff, v2;
	v11 =	vor.u32 s12, v5  }
0x23f: {  	v14 =	vshll.u32 v14, $0x7;
	[tilespmem:v13+s9+$0x0] =	vst.idx.add.f32.msk $0xffff, v2  }
0x240: {  	v13 =	vor.u32 v3, v14;
	v12 =	vld.idx.msk [tilespmem:v12+s2+$0x0], $0xffff  }
0x241: {  	v14 =	vor.u32 s13, v4;
	v16 =	vld.idx.msk [tilespmem:v16+s2+$0x0], $0xffff;
	v10 =	vshll.u32 v10, $0x7  }
0x242: {  	v10 =	vor.u32 v0, v10;
	[tilespmem:v15+s9+$0x0] =	vst.idx.add.f32.msk $0xffff, v2  }
0x243: {  	v15 =	vor.u32 s14, v3;
	v11 =	vld.idx.msk [tilespmem:v11+s2+$0x0], $0xffff  }
0x244: {  	s15 =	simm.s32 $0x280  }
0x245: {  	v17 =	vor.u32 s15, v0;
	[tilespmem:v13+s9+$0x0] =	vst.idx.add.f32.msk $0xffff, v2;
	v12 =	vshll.u32 v12, $0x7  }
0x246: {  	v13 =	vld.idx.msk [tilespmem:v14+s2+$0x0], $0xffff;
	v14 =	vshll.u32 v16, $0x7;
	v12 =	vor.u32 v7, v12  }
0x247: {  	[tilespmem:v10+s9+$0x0] =	vst.idx.add.f32.msk $0xffff, v2;
	v10 =	vor.u32 v6, v14  }
0x248: {  	v14 =	vor.u32 s18, v7;
	v15 =	vld.idx.msk [tilespmem:v15+s2+$0x0], $0xffff;
	v11 =	vshll.u32 v11, $0x7  }
0x249: {  	v11 =	vor.u32 v5, v11  }
0x24a: {  	v16 =	vld.idx.msk [tilespmem:v17+s2+$0x0], $0xffff;
	v17 =	vor.u32 s12, v6  }
0x24b: {  	v18 =	vor.u32 s17, v8;
	[tilespmem:v12+s9+$0x0] =	vst.idx.add.f32.msk $0xffff, v2;
	v12 =	vshll.u32 v13, $0x7  }
0x24c: {  	[tilespmem:v10+s9+$0x0] =	vst.idx.add.f32.msk $0xffff, v2;
	v10 =	vor.u32 v4, v12  }
0x24d: {  	v13 =	vor.u32 s13, v5;
	v12 =	vld.idx.msk [tilespmem:v14+s2+$0x0], $0xffff;
	v14 =	vshll.u32 v15, $0x7  }
0x24e: {  	[tilespmem:v11+s9+$0x0] =	vst.idx.add.f32.msk $0xffff, v2;
	v11 =	vor.u32 v3, v14  }
0x24f: {  	v15 =	vshll.u32 v16, $0x7;
	v14 =	vor.u32 s14, v4;
	v16 =	vld.idx.msk [tilespmem:v17+s2+$0x0], $0xffff  }
0x250: {  	s16 =	simm.s32 $0x300;
	v15 =	vor.u32 v0, v15;
	v17 =	vld.idx.msk [tilespmem:v18+s2+$0x0], $0xffff  }
0x251: {  	v18 =	vor.u32 s16, v0;
	[tilespmem:v10+s9+$0x0] =	vst.idx.add.f32.msk $0xffff, v2  }
0x252: {  	v10 =	vld.idx.msk [tilespmem:v13+s2+$0x0], $0xffff;
	v13 =	vor.u32 s15, v3;
	v12 =	vshll.u32 v12, $0x7  }
0x253: {  	[tilespmem:v11+s9+$0x0] =	vst.idx.add.f32.msk $0xffff, v2;
	v11 =	vor.u32 v7, v12  }
0x254: {  	v12 =	vld.idx.msk [tilespmem:v14+s2+$0x0], $0xffff;
	v14 =	vshll.u32 v16, $0x7;
	v16 =	vor.u32 s18, v8  }
0x255: {  	[tilespmem:v15+s9+$0x0] =	vst.idx.add.f32.msk $0xffff, v2;
	v17 =	vshll.u32 v17, $0x7;
	v14 =	vor.u32 v6, v14  }
0x256: {  	v15 =	vld.idx.msk [tilespmem:v18+s2+$0x0], $0xffff;
	v17 =	vor.u32 v8, v17  }
0x257: {  	v18 =	vor.u32 s12, v7;
	v13 =	vld.idx.msk [tilespmem:v13+s2+$0x0], $0xffff;
	v10 =	vshll.u32 v10, $0x7  }
0x258: {  	v10 =	vor.u32 v5, v10;
	[tilespmem:v11+s9+$0x0] =	vst.idx.add.f32.msk $0xffff, v2  }
0x259: {  	v11 =	vor.u32 s13, v6;
	v16 =	vld.idx.msk [tilespmem:v16+s2+$0x0], $0xffff;
	v12 =	vshll.u32 v12, $0x7  }
0x25a: {  	[tilespmem:v14+s9+$0x0] =	vst.idx.add.f32.msk $0xffff, v2;
	v12 =	vor.u32 v4, v12  }
0x25b: {  	[tilespmem:v17+s9+$0x0] =	vst.idx.add.f32.msk $0xffff, v2;
	v17 =	vor.u32 s17, v9  }
0x25c: {  	v14 =	vld.idx.msk [tilespmem:v18+s2+$0x0], $0xffff;
	v18 =	vor.u32 s14, v5;
	v13 =	vshll.u32 v13, $0x7  }
0x25d: {  	v15 =	vshll.u32 v15, $0x7;
	[tilespmem:v10+s9+$0x0] =	vst.idx.add.f32.msk $0xffff, v2;
	v10 =	vor.u32 v3, v13  }
0x25e: {  	v15 =	vor.u32 v0, v15;
	v11 =	vld.idx.msk [tilespmem:v11+s2+$0x0], $0xffff  }
0x25f: {  	s17 =	simm.s32 $0x380;
	v13 =	vor.u32 s15, v4;
	[tilespmem:v12+s9+$0x0] =	vst.idx.add.f32.msk $0xffff, v2  }
0x260: {  	v12 =	vor.u32 s17, v0;
	v17 =	vld.idx.msk [tilespmem:v17+s2+$0x0], $0xffff  }
0x261: {  	v19 =	vor.u32 s16, v3;
	v18 =	vld.idx.msk [tilespmem:v18+s2+$0x0], $0xffff;
	v14 =	vshll.u32 v14, $0x7  }
0x262: {  	[tilespmem:v10+s9+$0x0] =	vst.idx.add.f32.msk $0xffff, v2;
	v10 =	vor.u32 v7, v14  }
0x263: {  	[tilespmem:v15+s9+$0x0] =	vst.idx.add.f32.msk $0xffff, v2;
	v14 =	vor.u32 s12, v8;
	v11 =	vshll.u32 v11, $0x7  }
0x264: {  	v13 =	vld.idx.msk [tilespmem:v13+s2+$0x0], $0xffff;
	v15 =	vor.u32 v6, v11  }
0x265: {  	v11 =	vshll.u32 v16, $0x7;
	v20 =	vld.idx.msk [tilespmem:v12+s2+$0x0], $0xffff;
	v12 =	vor.u32 s13, v7  }
0x266: {  	v16 =	vld.idx.msk [tilespmem:v19+s2+$0x0], $0xffff;
	v19 =	vor.u32 v8, v11;
	v18 =	vshll.u32 v18, $0x7  }
0x267: {  	v21 =	vor.u32 v5, v18;
	[tilespmem:v10+s9+$0x0] =	vst.idx.add.f32.msk $0xffff, v2  }
0x268: {  	v22 =	vor.u32 s14, v6;
	v10 =	vshll.u32 v17, $0x7;
	v11 =	vld.idx.msk [tilespmem:v14+s2+$0x0], $0xffff  }
0x269: {  	v13 =	vshll.u32 v13, $0x7;
	v10 =	vor.u32 v9, v10;
	[tilespmem:v15+s9+$0x0] =	vst.idx.add.f32.msk $0xffff, v2  }
0x26a: {  	v17 =	vor.u32 v4, v13;
	v12 =	vld.idx.msk [tilespmem:v12+s2+$0x0], $0xffff  }
0x26b: {  	v18 =	vor.u32 s15, v5;
	v14 =	vor.u32 s16, v4;
	[tilespmem:v19+s9+$0x0] =	vst.idx.add.f32.msk $0xffff, v2  }
0x26c: {  	v16 =	vshll.u32 v16, $0x7;
	v13 =	vor.u32 s18, v9;
	v19 =	vshll.u32 v20, $0x7;
	[tilespmem:v21+s9+$0x0] =	vst.idx.add.f32.msk $0xffff, v2  }
0x26d: {  	s19 =	simm.s32 $0x8;
	v15 =	vor.u32 s17, v4;
	v20 =	vor.u32 v3, v16;
	v19 =	vor.u32 v0, v19;
	v16 =	vld.idx.msk [tilespmem:v22+s2+$0x0], $0xffff  }
.LBB2_2:
0x26e: {  	s18 =	sshll.u32 s19, $0x7;
	p0 =	sne.s32 s19, $0xC7;
	s19 =	sadd.s32 $0x1, s19;
	[tilespmem:v10+s9+$0x0] =	vst.idx.add.f32.msk $0xffff, v2  }
0x26f: {  	v10 =	vor.u32 s18, v0;
	v21 =	vor.u32 s18, v4;
	[tilespmem:v17+s9+$0x0] =	vst.idx.add.f32.msk $0xffff, v2  }
0x270: {  	v17 =	vld.idx.msk [tilespmem:v18+s2+$0x0], $0xffff  }
0x271: {  	v12 =	vshll.u32 v12, $0x7;
	v18 =	vor.u32 s17, v3;
	v13 =	vld.idx.msk [tilespmem:v13+s2+$0x0], $0xffff  }
0x272: {  	v12 =	vor.u32 v7, v12;
	[tilespmem:v20+s9+$0x0] =	vst.idx.add.f32.msk $0xffff, v2  }
0x273: {  	v22 =	vor.u32 s13, v8;
	v16 =	vshll.u32 v16, $0x7;
	v20 =	vld.idx.msk [tilespmem:v14+s2+$0x0], $0xffff;
	v14 =	vmovc v15;
	v15 =	vmov v21  }
0x274: {  	v16 =	vor.u32 v6, v16;
	[tilespmem:v19+s9+$0x0] =	vst.idx.add.f32.msk $0xffff, v2  }
0x275: {  	v21 =	vor.u32 s14, v7;
	v19 =	vld.idx.msk [tilespmem:v10+s2+$0x0], $0xffff;
	v10 =	vshll.u32 v11, $0x7  }
0x276: {  	v11 =	vshll.u32 v17, $0x7;
	v23 =	vld.idx.msk [tilespmem:v18+s2+$0x0], $0xffff;
	v24 =	vor.u32 v8, v10  }
0x277: {  	v25 =	vor.u32 v5, v11;
	v10 =	vshll.u32 v13, $0x7;
	[tilespmem:v12+s9+$0x0] =	vst.idx.add.f32.msk $0xffff, v2  }
0x278: {  	v26 =	vor.u32 s15, v6;
	v10 =	vor.u32 v9, v10;
	v11 =	vld.idx.msk [tilespmem:v22+s2+$0x0], $0xffff  }
.Ltmp0:
0x279: {  	v12 =	vshll.u32 v20, $0x7;
	[tilespmem:v16+s9+$0x0] =	vst.idx.add.f32.msk $0xffff, v2;
	(pc) =	sbr.rel @p0 .LBB2_2-.Ltmp0, $4  }
0x27a: {  	v17 =	vor.u32 v4, v12;
	v12 =	vld.idx.msk [tilespmem:v21+s2+$0x0], $0xffff  }
0x27b: {  	v18 =	vor.u32 s16, v5;
	[tilespmem:v24+s9+$0x0] =	vst.idx.add.f32.msk $0xffff, v2  }
0x27c: {  	v13 =	vor.u32 s12, v9;
	s12 =	smov.u32 s13;
	s13 =	smov.u32 s14;
	s14 =	smov.u32 s15;
	v16 =	vshll.u32 v19, $0x7;
	v20 =	vshll.u32 v23, $0x7;
	[tilespmem:v25+s9+$0x0] =	vst.idx.add.f32.msk $0xffff, v2  }
0x27d: {  	s15 =	smov.u32 s16;
	s16 =	smov.u32 s17;
	s17 =	smov.u32 s18;
	v19 =	vor.u32 v0, v16;
	v20 =	vor.u32 v3, v20;
	v16 =	vld.idx.msk [tilespmem:v26+s2+$0x0], $0xffff  }
0x27e: {  	v21 =	vor.u32 s17, v3;
	_ =	sdelay $0x3  }
0x27f: {  	[tilespmem:v19+s9+$0x0] =	vst.idx.add.f32.msk $0xffff, v2  }
0x280: {  	v19 =	vld.idx.msk [tilespmem:v21+s2+$0x0], $0xffff;
	_ =	sdelay $0x4  }
0x281: {  	v19 =	vshll.u32 v19, $0x7  }
0x282: {  	v19 =	vor.u32 v3, v19;
	_ =	sdelay $0x2  }
0x283: {  	[tilespmem:v20+s9+$0x0] =	vst.idx.add.f32.msk $0xffff, v2  }
0x284: {  	v14 =	vld.idx.msk [tilespmem:v14+s2+$0x0], $0xffff  }
0x285: {  	[tilespmem:v19+s9+$0x0] =	vst.idx.add.f32.msk $0xffff, v2  }
0x286: {  	v15 =	vld.idx.msk [tilespmem:v15+s2+$0x0], $0xffff;
	_ =	sdelay $0x2  }
0x287: {  	v14 =	vshll.u32 v14, $0x7  }
0x288: {  	v14 =	vor.u32 v4, v14  }
0x289: {  	v32 =	vor.u32 s16, v5;
	[tilespmem:v17+s9+$0x0] =	vst.idx.add.f32.msk $0xffff, v2;
	v15 =	vshll.u32 v15, $0x7  }
0x28a: {  	v18 =	vld.idx.msk [tilespmem:v18+s2+$0x0], $0xffff;
	v15 =	vor.u32 v4, v15  }
0x28b: {  	v33 =	vor.u32 s17, v5;
	_ =	sdelay $0x1  }
0x28c: {  	[tilespmem:v14+s9+$0x0] =	vst.idx.add.f32.msk $0xffff, v2  }
0x28d: {  	v14 =	vld.idx.msk [tilespmem:v32+s2+$0x0], $0xffff  }
0x28e: {  	v34 =	vshll.u32 v18, $0x7;
	[tilespmem:v15+s9+$0x0] =	vst.idx.add.f32.msk $0xffff, v2  }
0x28f: {  	v17 =	vor.u32 v5, v34;
	v15 =	vld.idx.msk [tilespmem:v33+s2+$0x0], $0xffff  }
0x290: {  	v35 =	vor.u32 s15, v6;
	_ =	sdelay $0x1  }
0x291: {  	v14 =	vshll.u32 v14, $0x7  }
0x292: {  	v14 =	vor.u32 v5, v14  }
0x293: {  	v36 =	vor.u32 s16, v6;
	[tilespmem:v17+s9+$0x0] =	vst.idx.add.f32.msk $0xffff, v2;
	v15 =	vshll.u32 v15, $0x7  }
0x294: {  	v18 =	vld.idx.msk [tilespmem:v35+s2+$0x0], $0xffff;
	v15 =	vor.u32 v5, v15  }
0x295: {  	v37 =	vor.u32 s17, v6;
	_ =	sdelay $0x1  }
0x296: {  	v16 =	vshll.u32 v16, $0x7;
	[tilespmem:v14+s9+$0x0] =	vst.idx.add.f32.msk $0xffff, v2  }
0x297: {  	v38 =	vor.u32 v6, v16;
	v14 =	vld.idx.msk [tilespmem:v36+s2+$0x0], $0xffff  }
0x298: {  	v40 =	vor.u32 s14, v7;
	v18 =	vshll.u32 v18, $0x7;
	[tilespmem:v15+s9+$0x0] =	vst.idx.add.f32.msk $0xffff, v2  }
0x299: {  	v18 =	vor.u32 v6, v18;
	v39 =	vld.idx.msk [tilespmem:v37+s2+$0x0], $0xffff  }
0x29a: {  	v41 =	vor.u32 s15, v7;
	_ =	sdelay $0x1  }
0x29b: {  	[tilespmem:v38+s9+$0x0] =	vst.idx.add.f32.msk $0xffff, v2;
	v14 =	vshll.u32 v14, $0x7  }
0x29c: {  	v17 =	vld.idx.msk [tilespmem:v40+s2+$0x0], $0xffff;
	v14 =	vor.u32 v6, v14  }
0x29d: {  	v42 =	vor.u32 s16, v7;
	[tilespmem:v18+s9+$0x0] =	vst.idx.add.f32.msk $0xffff, v2;
	v16 =	vshll.u32 v39, $0x7  }
0x29e: {  	v19 =	vld.idx.msk [tilespmem:v41+s2+$0x0], $0xffff;
	v16 =	vor.u32 v6, v16  }
0x29f: {  	v43 =	vor.u32 s17, v7  }
0x2a0: {  	v12 =	vshll.u32 v12, $0x7  }
0x2a1: {  	v12 =	vor.u32 v7, v12;
	v17 =	vshll.u32 v17, $0x7;
	[tilespmem:v14+s9+$0x0] =	vst.idx.add.f32.msk $0xffff, v2  }
0x2a2: {  	v45 =	vor.u32 v7, v17;
	v14 =	vld.idx.msk [tilespmem:v42+s2+$0x0], $0xffff  }
0x2a3: {  	v47 =	vor.u32 s14, v8;
	v19 =	vshll.u32 v19, $0x7;
	[tilespmem:v16+s9+$0x0] =	vst.idx.add.f32.msk $0xffff, v2  }
0x2a4: {  	v19 =	vor.u32 v7, v19;
	v46 =	vld.idx.msk [tilespmem:v43+s2+$0x0], $0xffff  }
0x2a5: {  	v48 =	vor.u32 s15, v8;
	v11 =	vshll.u32 v11, $0x7  }
0x2a6: {  	v11 =	vor.u32 v8, v11;
	[tilespmem:v12+s9+$0x0] =	vst.idx.add.f32.msk $0xffff, v2  }
0x2a7: {  	v44 =	vor.u32 s13, v8;
	[tilespmem:v45+s9+$0x0] =	vst.idx.add.f32.msk $0xffff, v2;
	v14 =	vshll.u32 v14, $0x7  }
0x2a8: {  	v18 =	vld.idx.msk [tilespmem:v47+s2+$0x0], $0xffff;
	v14 =	vor.u32 v7, v14  }
0x2a9: {  	v49 =	vor.u32 s16, v8;
	[tilespmem:v19+s9+$0x0] =	vst.idx.add.f32.msk $0xffff, v2;
	v17 =	vshll.u32 v46, $0x7  }
0x2aa: {  	v12 =	vld.idx.msk [tilespmem:v48+s2+$0x0], $0xffff;
	v17 =	vor.u32 v7, v17  }
0x2ab: {  	v50 =	vor.u32 s17, v8;
	[tilespmem:v11+s9+$0x0] =	vst.idx.add.f32.msk $0xffff, v2  }
0x2ac: {  	v15 =	vld.idx.msk [tilespmem:v44+s2+$0x0], $0xffff  }
0x2ad: {  	v51 =	vor.u32 s12, v9;
	v18 =	vshll.u32 v18, $0x7;
	[tilespmem:v14+s9+$0x0] =	vst.idx.add.f32.msk $0xffff, v2  }
0x2ae: {  	v55 =	vor.u32 v8, v18;
	v53 =	vld.idx.msk [tilespmem:v49+s2+$0x0], $0xffff  }
0x2af: {  	v11 =	vor.u32 s14, v9;
	v12 =	vshll.u32 v12, $0x7;
	[tilespmem:v17+s9+$0x0] =	vst.idx.add.f32.msk $0xffff, v2  }
0x2b0: {  	v12 =	vor.u32 v8, v12;
	v56 =	vld.idx.msk [tilespmem:v50+s2+$0x0], $0xffff  }
0x2b1: {  	v13 =	vld.idx.msk [tilespmem:v13+s2+$0x0], $0xffff;
	v58 =	vor.u32 s15, v9;
	v15 =	vshll.u32 v15, $0x7  }
0x2b2: {  	v57 =	vld.idx.msk [tilespmem:v51+s2+$0x0], $0xffff;
	v52 =	vor.u32 v8, v15  }
0x2b3: {  	v54 =	vor.u32 s13, v9;
	[tilespmem:v55+s9+$0x0] =	vst.idx.add.f32.msk $0xffff, v2;
	v15 =	vshll.u32 v53, $0x7  }
0x2b4: {  	v11 =	vld.idx.msk [tilespmem:v11+s2+$0x0], $0xffff;
	v15 =	vor.u32 v8, v15  }
0x2b5: {  	v59 =	vor.u32 s16, v9;
	[tilespmem:v12+s9+$0x0] =	vst.idx.add.f32.msk $0xffff, v2;
	v18 =	vshll.u32 v56, $0x7  }
0x2b6: {  	v14 =	vld.idx.msk [tilespmem:v58+s2+$0x0], $0xffff;
	v18 =	vor.u32 v8, v18  }
0x2b7: {  	v60 =	vor.u32 s17, v9;
	[tilespmem:v52+s9+$0x0] =	vst.idx.add.f32.msk $0xffff, v2  }
0x2b8: {  	v16 =	vld.idx.msk [tilespmem:v54+s2+$0x0], $0xffff  }
0x2b9: {  	[tilespmem:v15+s9+$0x0] =	vst.idx.add.f32.msk $0xffff, v2  }
0x2ba: {  	v15 =	vld.idx.msk [tilespmem:v59+s2+$0x0], $0xffff  }
0x2bb: {  	v13 =	vshll.u32 v13, $0x7;
	[tilespmem:v18+s9+$0x0] =	vst.idx.add.f32.msk $0xffff, v2  }
0x2bc: {  	v13 =	vor.u32 v9, v13;
	v11 =	vshll.u32 v11, $0x7;
	v12 =	vld.idx.msk [tilespmem:v60+s2+$0x0], $0xffff  }
0x2bd: {  	v11 =	vor.u32 v9, v11;
	v14 =	vshll.u32 v14, $0x7  }
0x2be: {  	[tilespmem:v10+s9+$0x0] =	vst.idx.add.f32.msk $0xffff, v2;
	v10 =	vor.u32 v9, v14;
	v16 =	vshll.u32 v16, $0x7  }
0x2bf: {  	v61 =	vshll.u32 v57, $0x7;
	v16 =	vor.u32 v9, v16  }
0x2c0: {  	v17 =	vor.u32 v9, v61;
	v62 =	vshll.u32 v15, $0x7  }
0x2c1: {  	[tilespmem:v13+s9+$0x0] =	vst.idx.add.f32.msk $0xffff, v2;
	v63 =	vor.u32 v9, v62;
	v12 =	vshll.u32 v12, $0x7  }
0x2c2: {  	[tilespmem:v11+s9+$0x0] =	vst.idx.add.f32.msk $0xffff, v2;
	v12 =	vor.u32 v9, v12  }
0x2c3: {  	[tilespmem:v10+s9+$0x0] =	vst.idx.add.f32.msk $0xffff, v2  }
0x2c4: {  	[tilespmem:v16+s9+$0x0] =	vst.idx.add.f32.msk $0xffff, v2  }
0x2c5: {  	s11 =	sadd.s32 $0x1, s11;
	[tilespmem:v17+s9+$0x0] =	vst.idx.add.f32.msk $0xffff, v2  }
0x2c6: {  	p0 =	sne.s32 s11, s5;
	[tilespmem:v63+s9+$0x0] =	vst.idx.add.f32.msk $0xffff, v2  }
.Ltmp1:
0x2c7: {  	[tilespmem:v12+s9+$0x0] =	vst.idx.add.f32.msk $0xffff, v2;
	(pc) =	sbr.rel @p0 .LBB2_1-.Ltmp1, $4  }
0x2c8: {  	[hbm4b:s4+s6] =	stream.strided.scatter [tilespmem:s9], [sflag:$0x2], $0x2000, s7, s6, $0x38;
	[tilespmem:$0x8400] =	vst v63  }
0x2c9: {  	_ =	swait.ge [sflag:s10], $0x2000  }
0x2ca: {  	[sflag:s10] =	ssyncset.done $0x0  }
0x2cb: {  	[sflag:s10] =	ssyncadd.s32 $0xFFFFE000  }
0x2cc: {  	_ =	sfence.sel $0x180000  }
0x2cd: {  	[bflag:$0x0] =	sbarrier.arrive $0xFFFF  }
0x2ce: {  	p0 =	sne.s32 s1, $0x0;
	_ =	strace $0x90000047  }
0x2cf: {  	s0 =	sadd.s32 @!p0 $0x100000, s0;
	[bflag:$0x2] =	sbarrier.arrive $0xFFFF  }
0x2d0: {  	[sflag:s0] =	ssyncadd.tile.s32 @!p0 $0x1;
	_ =	shalt  }
.Lfunc_end2:
_tile_overlayer_lowered:
.L_overlay_start_2:
0x2d1: {  	(tag) =	ssettag $0x2  }
0x2d2: {  	s0 =	rddreg [dreg:$0x0];
	s2 =	stileid.u32  }
0x2d3: {  	s1 =	rddreg [dreg:$0x1];
	p0 =	sne.s32 s2, $0x0  }
0x2d4: {  	s3 =	rddreg [dreg:$0x2];
	[bflag:$0x3] =	sbarrier.arrive $0xFFFF;
	s2 =	simm.s32 @!p0 $0x1C02  }
0x2d5: {  	[timem:s3], [sflag:s2] =	dma.local @!p0 [hbm:s0], s1  }
0x2d6: {  	s0 =	simm.s32 @!p0 $0x2  }
0x2d7: {  	_ =	swait.ge @!p0 [sflag:s0], s1  }
0x2d8: {  	s1 =	ssub.s32 @!p0 $0x0, s1;
	[sflag:s0] =	ssyncset.done @!p0 $0x0  }
0x2d9: {  	[sflag:s0] =	ssyncadd.s32 @!p0 s1  }
0x2da: {  	[bflag:$0x3] =	sbarrier.arrive $0xFFFF  }
0x2db: {  	_ =	shalt  }

</sc_bundles>
